<compile_context>
chip_gen: v7x
topology: tpu7x:2x2x1
jax: 0.10.2.dev20260603
libtpu: 0.0.44.dev20260713+nightly
codegen_flags: <defaults>
</compile_context>

<pallas_src>
import functools

import jax
import jax.numpy as jnp
from jax import lax
from jax.experimental import pallas as pl
from jax.experimental.pallas import tpu as pltpu
from jax.experimental.pallas import tpu_sc as plsc

D = H = W = 128
N = 8192
WIN = 10
NTILE = 32
SLABZ = D // NTILE
SLABW = SLABZ * H * W
NVREG = 7
NPOS = NVREG * 16
PROW = 256


def _prep_body(cen_ref, quat_ref, sc_ref, den_ref, f_ref, i_ref):
    cz = cen_ref[0:1, :] * (D - 1.0)
    cy = cen_ref[1:2, :] * (H - 1.0)
    cx = cen_ref[2:3, :] * (W - 1.0)

    qw = quat_ref[0:1, :]
    qx = quat_ref[1:2, :]
    qy = quat_ref[2:3, :]
    qz = quat_ref[3:4, :]
    norm = jnp.sqrt(qw * qw + qx * qx + qy * qy + qz * qz) + 1e-08
    w = qw / norm
    x = qx / norm
    y = qy / norm
    z = qz / norm

    r00 = 1 - 2 * (y * y + z * z)
    r01 = 2 * (x * y - z * w)
    r02 = 2 * (x * z + y * w)
    r10 = 2 * (x * y + z * w)
    r11 = 1 - 2 * (x * x + z * z)
    r12 = 2 * (y * z - x * w)
    r20 = 2 * (x * z - y * w)
    r21 = 2 * (y * z + x * w)
    r22 = 1 - 2 * (x * x + y * y)

    s0 = 0.008 + sc_ref[0:1, :] * 0.015
    s1 = 0.008 + sc_ref[1:2, :] * 0.015
    s2 = 0.008 + sc_ref[2:3, :] * 0.015
    i0 = 1.0 / (s0 * s0)
    i1 = 1.0 / (s1 * s1)
    i2 = 1.0 / (s2 * s2)

    sc = -0.5 / 4096.0
    f_ref[0:1, :] = (r00 * r00 * i0 + r01 * r01 * i1 + r02 * r02 * i2) * sc
    f_ref[1:2, :] = (r10 * r10 * i0 + r11 * r11 * i1 + r12 * r12 * i2) * sc
    f_ref[2:3, :] = (r20 * r20 * i0 + r21 * r21 * i1 + r22 * r22 * i2) * sc
    f_ref[3:4, :] = (r00 * r10 * i0 + r01 * r11 * i1 + r02 * r12 * i2) * (2.0 * sc)
    f_ref[4:5, :] = (r00 * r20 * i0 + r01 * r21 * i1 + r02 * r22 * i2) * (2.0 * sc)
    f_ref[5:6, :] = (r10 * r20 * i0 + r11 * r21 * i1 + r12 * r22 * i2) * (2.0 * sc)
    f_ref[6:7, :] = cz
    f_ref[7:8, :] = cy
    f_ref[8:9, :] = cx
    f_ref[9:10, :] = den_ref[0:1, :]

    z0 = jnp.clip(jnp.floor(cz).astype(jnp.int32) - 4, 0, D - WIN)
    y0 = jnp.clip(jnp.floor(cy).astype(jnp.int32) - 4, 0, H - WIN)
    x0 = jnp.clip(jnp.floor(cx).astype(jnp.int32) - 4, 0, W - WIN)
    packed = z0 * (H * W) + y0 * W + x0
    f_ref[10:11, :] = lax.bitcast_convert_type(packed, jnp.float32)
    f_ref[11:12, :] = y0.astype(jnp.float32)
    f_ref[12:13, :] = x0.astype(jnp.float32)
    zero = cz * 0.0
    f_ref[13:14, :] = zero
    f_ref[14:15, :] = zero
    f_ref[15:16, :] = zero
    i_ref[0:1, :] = z0

    cbb = f_ref[1:2, :]
    ccc = f_ref[2:3, :]
    cab = f_ref[3:4, :]
    cac = f_ref[4:5, :]
    cbc = f_ref[5:6, :]
    pcol = lax.broadcasted_iota(jnp.int32, (NPOS, 1), 0)
    jcol = (pcol // WIN).astype(jnp.float32)
    lcol = (pcol % WIN).astype(jnp.float32)
    ybase = f_ref[11:12, :] - cy
    xbase = f_ref[12:13, :] - cx
    dyall = ybase + jcol
    dxall = xbase + lcol
    f_ref[16:16 + NPOS, :] = (cbb * dyall * dyall + ccc * dxall * dxall
                              + cbc * dyall * dxall)
    f_ref[16 + NPOS:16 + 2 * NPOS, :] = cab * dyall + cac * dxall
    f_ref[16 + 2 * NPOS:PROW, :] = jnp.zeros((PROW - 16 - 2 * NPOS, 1),
                                             jnp.float32) + zero


def _sc_body(params_hbm, z0_hbm, out_hbm, vol_v, zv, wl, pstage, sem0, sem1):
    sems = (sem0, sem1)
    i32 = jnp.int32
    f32 = jnp.float32
    wid = lax.axis_index("s") * 2 + lax.axis_index("c")
    lo = wid * SLABZ

    idxcs, padms = [], []
    for v in range(NVREG):
        p = lax.iota(i32, 16) + (16 * v)
        j = p // 10
        l = p % 10
        padm = p < 100
        idxcs.append(jnp.where(padm, j * W + l, 0))
        padms.append(padm)

    zdma = pltpu.make_async_copy(z0_hbm, zv, sem1)
    zdma.start()

    zero16 = jnp.zeros((16,), f32)

    def zbody(i, c):
        for u in range(4):
            vol_v[pl.ds(i * 64 + u * 16, 16)] = zero16
        return c

    lax.fori_loop(0, SLABW // 64, zbody, 0)
    zdma.wait()

    def rbody(i, cntv):
        z0v = zv[pl.ds(i * 16, 16)]
        m = (z0v >= lo - (WIN - 1)) & (z0v <= lo + (SLABZ - 1))
        cs = plsc.cumsum(jnp.where(m, 1, 0))
        posv = cs - 1 + cntv
        plsc.store_scatter(wl, [posv], lax.iota(i32, 16) + i * 16, mask=m)
        return cntv + plsc.all_reduce_population_count(m)

    cntv = lax.fori_loop(0, N // 16, rbody, jnp.zeros((16,), i32))
    cnt = jnp.max(cntv)
    plsc.store_scatter(wl, [lax.iota(i32, 16) + cnt], jnp.full((16,), N, i32))
    nch = (cnt + 15) // 16

    def dma(ci, b):
        gidv = wl[pl.ds(ci * 16, 16)]
        return pltpu.make_async_copy(params_hbm.at[gidv], pstage.at[b],
                                     sems[b])

    @pl.when(nch > 0)
    def _():
        dma(0, 0).start()

    def cpair(cp, c):
        for b in range(2):
            ci = cp * 2 + b

            @pl.when(ci < nch)
            def _():
                @pl.when(ci + 1 < nch)
                def _():
                    dma(ci + 1, 1 - b).start()
                dma(ci, b).wait()

                def gbody(g, c2):
                    row = pstage[b, g, pl.ds(0, 16)]

                    def sp(k):
                        return row.at[jnp.full((16,), k, i32)].get(
                            mode="promise_in_bounds")

                    caa = sp(0)
                    czc = sp(6)
                    dens = sp(9)
                    pks = plsc.bitcast(row, i32)[10]
                    z0s = pks >> 14
                    fb = pks & ((1 << 14) - 1)
                    zlo = jnp.maximum(z0s, lo)
                    zhi = jnp.minimum(z0s + WIN, lo + SLABZ)

                    pre, cross, idxg = [], [], []
                    for v in range(NVREG):
                        pre.append(pstage[b, g, pl.ds(16 + 16 * v, 16)])
                        cross.append(
                            pstage[b, g, pl.ds(16 + NPOS + 16 * v, 16)])
                        idxg.append(idxcs[v] + fb)

                    def pbody(z, c3):
                        dz = jnp.broadcast_to(z, (16,)).astype(f32) - czc
                        zq = caa * dz * dz
                        pbz = (z - lo) * (H * W)
                        for v in range(NVREG):
                            m = (zq + pre[v]) + dz * cross[v]
                            wv = jnp.exp(m) * dens
                            wv = jnp.where(m >= -4.5, wv, 0.0)
                            plsc.addupdate_scatter(
                                vol_v, [idxg[v] + pbz], wv, mask=padms[v])
                        return c3

                    lax.fori_loop(zlo, zhi, pbody, 0)
                    return c2

                lax.fori_loop(0, 16, gbody, 0)
        return c

    lax.fori_loop(0, (nch + 1) // 2, cpair, 0)

    pltpu.sync_copy(vol_v, out_hbm.at[pl.ds(wid * SLABW, SLABW)])


@jax.jit
def kernel(centers, quaternions, scales, density):
    cen_t = centers.T.reshape(3, N)
    quat_t = quaternions.T.reshape(4, N)
    sc_t = scales.T.reshape(3, N)
    den_t = density.reshape(1, N)

    fparams, iparams = pl.pallas_call(
        _prep_body,
        out_shape=[
            jax.ShapeDtypeStruct((PROW, N), jnp.float32),
            jax.ShapeDtypeStruct((1, N), jnp.int32),
        ],
    )(cen_t, quat_t, sc_t, den_t)

    params_nt = jnp.concatenate(
        [fparams.T, jnp.zeros((16, PROW), jnp.float32)], axis=0)
    z0r = iparams.reshape(N)

    mesh = plsc.VectorSubcoreMesh(core_axis_name="c", subcore_axis_name="s")
    volume_flat = pl.kernel(
        _sc_body,
        out_type=jax.ShapeDtypeStruct((D * H * W,), jnp.float32),
        mesh=mesh,
        scratch_types=[
            pltpu.VMEM((SLABW,), jnp.float32),
            pltpu.VMEM((N,), jnp.int32),
            pltpu.VMEM((N + 16,), jnp.int32),
            pltpu.VMEM((2, 16, PROW), jnp.float32),
            pltpu.SemaphoreType.DMA,
            pltpu.SemaphoreType.DMA,
        ],
        compiler_params=pltpu.CompilerParams(
            needs_layout_passes=False, use_tc_tiling_on_sc=False),
    )(params_nt, z0r)
    return volume_flat.reshape(D, H, W)

# --- scband reference (transcript-rebuilt; emitter-appended) ---
"""Pipeline reference for scband-tile-voxelizer-3839700763254 (READ-ONLY COPY).

The authoritative reference and input builder live on the scoring server;
editing this copy changes nothing except your own understanding.
"""

import jax, jax.numpy as jnp
import numpy as np

D, H, W = 128, 128, 128
WIN = 10  # local window per gaussian, covers the 3-sigma / mahal<=9 cutoff
N_PTS = 8192


def _quat_to_rot(q):
    norm = jnp.linalg.norm(q, axis=-1, keepdims=True)
    q = q / (norm + 1e-08)
    w, x, y, z = q[..., 0], q[..., 1], q[..., 2], q[..., 3]
    r0 = jnp.stack([1 - 2 * y * y - 2 * z * z, 2 * x * y - 2 * z * w, 2 * x * z + 2 * y * w], axis=-1)
    r1 = jnp.stack([2 * x * y + 2 * z * w, 1 - 2 * x * x - 2 * z * z, 2 * y * z - 2 * x * w], axis=-1)
    r2 = jnp.stack([2 * x * z - 2 * y * w, 2 * y * z + 2 * x * w, 1 - 2 * x * x - 2 * y * y], axis=-1)
    return jnp.stack([r0, r1, r2], axis=-2)


def setup_inputs(seed: int = 0) -> dict:
    key = jax.random.key(seed)
    k1, k2, k3, k4 = jax.random.split(key, 4)
    centers = jax.random.uniform(k1, (N_PTS, 3), dtype=jnp.float32)
    quaternions = jax.random.normal(k2, (N_PTS, 4), dtype=jnp.float32)
    scales = jax.random.uniform(k3, (N_PTS, 3), dtype=jnp.float32)
    density = jax.random.uniform(k4, (N_PTS,), dtype=jnp.float32)
    return {"centers": centers, "quaternions": quaternions, "scales": scales, "density": density}


def reference(centers, quaternions, scales, density):
    dims = jnp.array([D, H, W], dtype=jnp.float32)
    half_shape = dims / 2.0
    center_vox = centers * (dims - 1.0)
    R = _quat_to_rot(quaternions)
    sigma = 0.008 + scales * 0.015  # normalized (half-shape) units; 3-sigma fits in WIN window
    cov = jnp.einsum('nij,nj,nkj->nik', R, sigma * sigma, R)
    cov_inv = jnp.linalg.inv(cov)
    off = jnp.arange(WIN, dtype=jnp.int32) - (WIN // 2 - 1)
    od, oh, ow = jnp.meshgrid(off, off, off, indexing='ij')
    offsets = jnp.stack([od, oh, ow], axis=-1).reshape(-1, 3)  # [P,3]
    base = jnp.floor(center_vox).astype(jnp.int32)  # [N,3]
    vox = base[:, None, :] + offsets[None, :, :]  # [N,P,3]
    dim_i = jnp.array([D, H, W], dtype=jnp.int32)
    valid = jnp.all((vox >= 0) & (vox < dim_i), axis=-1)
    voxf = vox.astype(jnp.float32)
    diff_norm = (voxf - center_vox[:, None, :]) / half_shape
    tmp = jnp.einsum('npi,nij->npj', diff_norm, cov_inv)
    mahal = jnp.sum(tmp * diff_norm, axis=-1)  # [N,P]
    weights = jnp.exp(-0.5 * mahal) * (mahal <= 9.0).astype(jnp.float32) * valid.astype(jnp.float32)
    contrib = weights * density[:, None]
    voxc = jnp.clip(vox, 0, dim_i - 1)
    flat_idx = voxc[..., 0] * (H * W) + voxc[..., 1] * W + voxc[..., 2]
    volume_flat = jnp.zeros(D * H * W, dtype=jnp.float32).at[flat_idx.reshape(-1)].add(contrib.reshape(-1))
    return volume_flat.reshape(D, H, W)

if __name__ == "__main__":
    import jax
    _d = setup_inputs()
    print(jax.jit(kernel)(*tuple(_d.values())))

</pallas_src>

<mosaic_0001>
#map = affine_map<(d0, d1) -> (0, 0)>
#map1 = affine_map<(d0, d1) -> (0)>
module attributes {stable_mosaic.version = 14 : i64} {
  func.func @_sc_body(%arg0: i32, %arg1: i32, %arg2: memref<8208x256xf32, #tpu.memory_space<hbm>>, %arg3: memref<8192xi32, #tpu.memory_space<hbm>>, %arg4: memref<2097152xf32, #tpu.memory_space<hbm>>, %arg5: memref<65536xf32, #tpu.memory_space<vmem>>, %arg6: memref<8192xi32, #tpu.memory_space<vmem>>, %arg7: memref<8208xi32, #tpu.memory_space<vmem>>, %arg8: memref<2x16x256xf32, #tpu.memory_space<vmem>>, %arg9: memref<!tpu.dma_semaphore, #tpu.memory_space<semaphore_mem>>, %arg10: memref<!tpu.dma_semaphore, #tpu.memory_space<semaphore_mem>>) attributes {dimension_semantics = [#tpu.dimension_semantics<core_parallel>, #tpu.dimension_semantics<subcore_parallel>], iteration_bounds = array<i64: 2, 16>, scalar_prefetch = 0 : i64, scratch_operands = 6 : i64, tpu.core_type = #tpu.core_type<sc_vector_subcore>, window_params = [{transform_indices = #map}, {transform_indices = #map1}, {transform_indices = #map1}]} {
    %mul3A = arith.constant 2 : i32
    %mul3A_0 = arith.muli %arg1, %mul3A : i32
    %add3A = arith.addi %mul3A_0, %arg0 : i32
    %mul3A_1 = arith.constant 4 : i32
    %mul3A_2 = arith.muli %add3A, %mul3A_1 : i32
    %iota3A = tpu.iota {dimensions = array<i32: 0>} : vector<16xi32>
    %add3A_3 = arith.constant 0 : i32
    %add3A_4 = vector.broadcast %add3A_3 : i32 to vector<16xi32>
    %add3A_5 = arith.addi %iota3A, %add3A_4 : vector<16xi32>
    %jit3A = arith.constant 10 : i32
    %div3A = vector.broadcast %jit3A : i32 to vector<16xi32>
    %div3A_6 = arith.divsi %add3A_5, %div3A : vector<16xi32>
    %sign3A = arith.constant 0 : i32
    %sign3A_7 = vector.broadcast %sign3A : i32 to vector<16xi32>
    %sign3A_8 = arith.cmpi sgt, %add3A_5, %sign3A_7 : vector<16xi32>
    %sign3A_9 = arith.extui %sign3A_8 : vector<16xi1> to vector<16xi32>
    %sign3A_10 = arith.constant 0 : i32
    %sign3A_11 = vector.broadcast %sign3A_10 : i32 to vector<16xi32>
    %sign3A_12 = arith.cmpi slt, %add3A_5, %sign3A_11 : vector<16xi32>
    %sign3A_13 = arith.extui %sign3A_12 : vector<16xi1> to vector<16xi32>
    %sign3A_14 = arith.subi %sign3A_9, %sign3A_13 : vector<16xi32>
    %sign3A_15 = arith.constant 0 : i32
    %sign3A_16 = arith.cmpi sgt, %jit3A, %sign3A_15 : i32
    %sign3A_17 = arith.extui %sign3A_16 : i1 to i32
    %sign3A_18 = arith.constant 0 : i32
    %sign3A_19 = arith.cmpi slt, %jit3A, %sign3A_18 : i32
    %sign3A_20 = arith.extui %sign3A_19 : i1 to i32
    %sign3A_21 = arith.subi %sign3A_17, %sign3A_20 : i32
    %ne3A = vector.broadcast %sign3A_21 : i32 to vector<16xi32>
    %ne3A_22 = arith.cmpi ne, %sign3A_14, %ne3A : vector<16xi32>
    %rem3A = vector.broadcast %jit3A : i32 to vector<16xi32>
    %rem3A_23 = arith.remsi %add3A_5, %rem3A : vector<16xi32>
    %ne3A_24 = arith.constant 0 : i32
    %ne3A_25 = vector.broadcast %ne3A_24 : i32 to vector<16xi32>
    %ne3A_26 = arith.cmpi ne, %rem3A_23, %ne3A_25 : vector<16xi32>
    %and3A = arith.andi %ne3A_22, %ne3A_26 : vector<16xi1>
    %sub3A = arith.constant 1 : i32
    %sub3A_27 = vector.broadcast %sub3A : i32 to vector<16xi32>
    %sub3A_28 = arith.subi %div3A_6, %sub3A_27 : vector<16xi32>
    %select_n3A = arith.select %and3A, %sub3A_28, %div3A_6 : vector<16xi1>, vector<16xi32>
    %jit3A_29 = arith.constant 10 : i32
    %eq3A = arith.constant 0 : i32
    %eq3A_30 = arith.cmpi eq, %jit3A_29, %eq3A : i32
    %jit3A_31 = arith.constant 1 : i32
    %select_n3A_32 = arith.select %eq3A_30, %jit3A_31, %jit3A_29 : i32
    %rem3A_33 = vector.broadcast %select_n3A_32 : i32 to vector<16xi32>
    %rem3A_34 = arith.remsi %add3A_5, %rem3A_33 : vector<16xi32>
    %ne3A_35 = arith.constant 0 : i32
    %ne3A_36 = vector.broadcast %ne3A_35 : i32 to vector<16xi32>
    %ne3A_37 = arith.cmpi ne, %rem3A_34, %ne3A_36 : vector<16xi32>
    %lt3A = arith.constant 0 : i32
    %lt3A_38 = vector.broadcast %lt3A : i32 to vector<16xi32>
    %lt3A_39 = arith.cmpi slt, %rem3A_34, %lt3A_38 : vector<16xi32>
    %lt3A_40 = arith.constant 0 : i32
    %lt3A_41 = arith.cmpi slt, %select_n3A_32, %lt3A_40 : i32
    %ne3A_42 = vector.broadcast %lt3A_41 : i1 to vector<16xi1>
    %ne3A_43 = vector.broadcast %ne3A_42 : vector<16xi1> to vector<16xi1>
    %ne3A_44 = arith.xori %lt3A_39, %ne3A_43 : vector<16xi1>
    %and3A_45 = arith.andi %ne3A_44, %ne3A_37 : vector<16xi1>
    %add3A_46 = vector.broadcast %select_n3A_32 : i32 to vector<16xi32>
    %add3A_47 = arith.addi %rem3A_34, %add3A_46 : vector<16xi32>
    %select_n3A_48 = arith.select %and3A_45, %add3A_47, %rem3A_34 : vector<16xi1>, vector<16xi32>
    %lt3A_49 = arith.constant 100 : i32
    %lt3A_50 = vector.broadcast %lt3A_49 : i32 to vector<16xi32>
    %lt3A_51 = arith.cmpi slt, %add3A_5, %lt3A_50 : vector<16xi32>
    %mul3A_52 = arith.constant 128 : i32
    %mul3A_53 = vector.broadcast %mul3A_52 : i32 to vector<16xi32>
    %mul3A_54 = arith.muli %select_n3A, %mul3A_53 : vector<16xi32>
    %add3A_55 = arith.addi %mul3A_54, %select_n3A_48 : vector<16xi32>
    %jit3A_56 = arith.constant 0 : i32
    %broadcast_in_dim3A = vector.broadcast %jit3A_56 : i32 to vector<16xi32>
    %select_n3A_57 = arith.select %lt3A_51, %add3A_55, %broadcast_in_dim3A : vector<16xi1>, vector<16xi32>
    %iota3A_58 = tpu.iota {dimensions = array<i32: 0>} : vector<16xi32>
    %add3A_59 = arith.constant 16 : i32
    %add3A_60 = vector.broadcast %add3A_59 : i32 to vector<16xi32>
    %add3A_61 = arith.addi %iota3A_58, %add3A_60 : vector<16xi32>
    %jit3A_62 = arith.constant 10 : i32
    %div3A_63 = vector.broadcast %jit3A_62 : i32 to vector<16xi32>
    %div3A_64 = arith.divsi %add3A_61, %div3A_63 : vector<16xi32>
    %sign3A_65 = arith.constant 0 : i32
    %sign3A_66 = vector.broadcast %sign3A_65 : i32 to vector<16xi32>
    %sign3A_67 = arith.cmpi sgt, %add3A_61, %sign3A_66 : vector<16xi32>
    %sign3A_68 = arith.extui %sign3A_67 : vector<16xi1> to vector<16xi32>
    %sign3A_69 = arith.constant 0 : i32
    %sign3A_70 = vector.broadcast %sign3A_69 : i32 to vector<16xi32>
    %sign3A_71 = arith.cmpi slt, %add3A_61, %sign3A_70 : vector<16xi32>
    %sign3A_72 = arith.extui %sign3A_71 : vector<16xi1> to vector<16xi32>
    %sign3A_73 = arith.subi %sign3A_68, %sign3A_72 : vector<16xi32>
    %sign3A_74 = arith.constant 0 : i32
    %sign3A_75 = arith.cmpi sgt, %jit3A_62, %sign3A_74 : i32
    %sign3A_76 = arith.extui %sign3A_75 : i1 to i32
    %sign3A_77 = arith.constant 0 : i32
    %sign3A_78 = arith.cmpi slt, %jit3A_62, %sign3A_77 : i32
    %sign3A_79 = arith.extui %sign3A_78 : i1 to i32
    %sign3A_80 = arith.subi %sign3A_76, %sign3A_79 : i32
    %ne3A_81 = vector.broadcast %sign3A_80 : i32 to vector<16xi32>
    %ne3A_82 = arith.cmpi ne, %sign3A_73, %ne3A_81 : vector<16xi32>
    %rem3A_83 = vector.broadcast %jit3A_62 : i32 to vector<16xi32>
    %rem3A_84 = arith.remsi %add3A_61, %rem3A_83 : vector<16xi32>
    %ne3A_85 = arith.constant 0 : i32
    %ne3A_86 = vector.broadcast %ne3A_85 : i32 to vector<16xi32>
    %ne3A_87 = arith.cmpi ne, %rem3A_84, %ne3A_86 : vector<16xi32>
    %and3A_88 = arith.andi %ne3A_82, %ne3A_87 : vector<16xi1>
    %sub3A_89 = arith.constant 1 : i32
    %sub3A_90 = vector.broadcast %sub3A_89 : i32 to vector<16xi32>
    %sub3A_91 = arith.subi %div3A_64, %sub3A_90 : vector<16xi32>
    %select_n3A_92 = arith.select %and3A_88, %sub3A_91, %div3A_64 : vector<16xi1>, vector<16xi32>
    %jit3A_93 = arith.constant 10 : i32
    %eq3A_94 = arith.constant 0 : i32
    %eq3A_95 = arith.cmpi eq, %jit3A_93, %eq3A_94 : i32
    %jit3A_96 = arith.constant 1 : i32
    %select_n3A_97 = arith.select %eq3A_95, %jit3A_96, %jit3A_93 : i32
    %rem3A_98 = vector.broadcast %select_n3A_97 : i32 to vector<16xi32>
    %rem3A_99 = arith.remsi %add3A_61, %rem3A_98 : vector<16xi32>
    %ne3A_100 = arith.constant 0 : i32
    %ne3A_101 = vector.broadcast %ne3A_100 : i32 to vector<16xi32>
    %ne3A_102 = arith.cmpi ne, %rem3A_99, %ne3A_101 : vector<16xi32>
    %lt3A_103 = arith.constant 0 : i32
    %lt3A_104 = vector.broadcast %lt3A_103 : i32 to vector<16xi32>
    %lt3A_105 = arith.cmpi slt, %rem3A_99, %lt3A_104 : vector<16xi32>
    %lt3A_106 = arith.constant 0 : i32
    %lt3A_107 = arith.cmpi slt, %select_n3A_97, %lt3A_106 : i32
    %ne3A_108 = vector.broadcast %lt3A_107 : i1 to vector<16xi1>
    %ne3A_109 = vector.broadcast %ne3A_108 : vector<16xi1> to vector<16xi1>
    %ne3A_110 = arith.xori %lt3A_105, %ne3A_109 : vector<16xi1>
    %and3A_111 = arith.andi %ne3A_110, %ne3A_102 : vector<16xi1>
    %add3A_112 = vector.broadcast %select_n3A_97 : i32 to vector<16xi32>
    %add3A_113 = arith.addi %rem3A_99, %add3A_112 : vector<16xi32>
    %select_n3A_114 = arith.select %and3A_111, %add3A_113, %rem3A_99 : vector<16xi1>, vector<16xi32>
    %lt3A_115 = arith.constant 100 : i32
    %lt3A_116 = vector.broadcast %lt3A_115 : i32 to vector<16xi32>
    %lt3A_117 = arith.cmpi slt, %add3A_61, %lt3A_116 : vector<16xi32>
    %mul3A_118 = arith.constant 128 : i32
    %mul3A_119 = vector.broadcast %mul3A_118 : i32 to vector<16xi32>
    %mul3A_120 = arith.muli %select_n3A_92, %mul3A_119 : vector<16xi32>
    %add3A_121 = arith.addi %mul3A_120, %select_n3A_114 : vector<16xi32>
    %jit3A_122 = arith.constant 0 : i32
    %broadcast_in_dim3A_123 = vector.broadcast %jit3A_122 : i32 to vector<16xi32>
    %select_n3A_124 = arith.select %lt3A_117, %add3A_121, %broadcast_in_dim3A_123 : vector<16xi1>, vector<16xi32>
    %iota3A_125 = tpu.iota {dimensions = array<i32: 0>} : vector<16xi32>
    %add3A_126 = arith.constant 32 : i32
    %add3A_127 = vector.broadcast %add3A_126 : i32 to vector<16xi32>
    %add3A_128 = arith.addi %iota3A_125, %add3A_127 : vector<16xi32>
    %jit3A_129 = arith.constant 10 : i32
    %div3A_130 = vector.broadcast %jit3A_129 : i32 to vector<16xi32>
    %div3A_131 = arith.divsi %add3A_128, %div3A_130 : vector<16xi32>
    %sign3A_132 = arith.constant 0 : i32
    %sign3A_133 = vector.broadcast %sign3A_132 : i32 to vector<16xi32>
    %sign3A_134 = arith.cmpi sgt, %add3A_128, %sign3A_133 : vector<16xi32>
    %sign3A_135 = arith.extui %sign3A_134 : vector<16xi1> to vector<16xi32>
    %sign3A_136 = arith.constant 0 : i32
    %sign3A_137 = vector.broadcast %sign3A_136 : i32 to vector<16xi32>
    %sign3A_138 = arith.cmpi slt, %add3A_128, %sign3A_137 : vector<16xi32>
    %sign3A_139 = arith.extui %sign3A_138 : vector<16xi1> to vector<16xi32>
    %sign3A_140 = arith.subi %sign3A_135, %sign3A_139 : vector<16xi32>
    %sign3A_141 = arith.constant 0 : i32
    %sign3A_142 = arith.cmpi sgt, %jit3A_129, %sign3A_141 : i32
    %sign3A_143 = arith.extui %sign3A_142 : i1 to i32
    %sign3A_144 = arith.constant 0 : i32
    %sign3A_145 = arith.cmpi slt, %jit3A_129, %sign3A_144 : i32
    %sign3A_146 = arith.extui %sign3A_145 : i1 to i32
    %sign3A_147 = arith.subi %sign3A_143, %sign3A_146 : i32
    %ne3A_148 = vector.broadcast %sign3A_147 : i32 to vector<16xi32>
    %ne3A_149 = arith.cmpi ne, %sign3A_140, %ne3A_148 : vector<16xi32>
    %rem3A_150 = vector.broadcast %jit3A_129 : i32 to vector<16xi32>
    %rem3A_151 = arith.remsi %add3A_128, %rem3A_150 : vector<16xi32>
    %ne3A_152 = arith.constant 0 : i32
    %ne3A_153 = vector.broadcast %ne3A_152 : i32 to vector<16xi32>
    %ne3A_154 = arith.cmpi ne, %rem3A_151, %ne3A_153 : vector<16xi32>
    %and3A_155 = arith.andi %ne3A_149, %ne3A_154 : vector<16xi1>
    %sub3A_156 = arith.constant 1 : i32
    %sub3A_157 = vector.broadcast %sub3A_156 : i32 to vector<16xi32>
    %sub3A_158 = arith.subi %div3A_131, %sub3A_157 : vector<16xi32>
    %select_n3A_159 = arith.select %and3A_155, %sub3A_158, %div3A_131 : vector<16xi1>, vector<16xi32>
    %jit3A_160 = arith.constant 10 : i32
    %eq3A_161 = arith.constant 0 : i32
    %eq3A_162 = arith.cmpi eq, %jit3A_160, %eq3A_161 : i32
    %jit3A_163 = arith.constant 1 : i32
    %select_n3A_164 = arith.select %eq3A_162, %jit3A_163, %jit3A_160 : i32
    %rem3A_165 = vector.broadcast %select_n3A_164 : i32 to vector<16xi32>
    %rem3A_166 = arith.remsi %add3A_128, %rem3A_165 : vector<16xi32>
    %ne3A_167 = arith.constant 0 : i32
    %ne3A_168 = vector.broadcast %ne3A_167 : i32 to vector<16xi32>
    %ne3A_169 = arith.cmpi ne, %rem3A_166, %ne3A_168 : vector<16xi32>
    %lt3A_170 = arith.constant 0 : i32
    %lt3A_171 = vector.broadcast %lt3A_170 : i32 to vector<16xi32>
    %lt3A_172 = arith.cmpi slt, %rem3A_166, %lt3A_171 : vector<16xi32>
    %lt3A_173 = arith.constant 0 : i32
    %lt3A_174 = arith.cmpi slt, %select_n3A_164, %lt3A_173 : i32
    %ne3A_175 = vector.broadcast %lt3A_174 : i1 to vector<16xi1>
    %ne3A_176 = vector.broadcast %ne3A_175 : vector<16xi1> to vector<16xi1>
    %ne3A_177 = arith.xori %lt3A_172, %ne3A_176 : vector<16xi1>
    %and3A_178 = arith.andi %ne3A_177, %ne3A_169 : vector<16xi1>
    %add3A_179 = vector.broadcast %select_n3A_164 : i32 to vector<16xi32>
    %add3A_180 = arith.addi %rem3A_166, %add3A_179 : vector<16xi32>
    %select_n3A_181 = arith.select %and3A_178, %add3A_180, %rem3A_166 : vector<16xi1>, vector<16xi32>
    %lt3A_182 = arith.constant 100 : i32
    %lt3A_183 = vector.broadcast %lt3A_182 : i32 to vector<16xi32>
    %lt3A_184 = arith.cmpi slt, %add3A_128, %lt3A_183 : vector<16xi32>
    %mul3A_185 = arith.constant 128 : i32
    %mul3A_186 = vector.broadcast %mul3A_185 : i32 to vector<16xi32>
    %mul3A_187 = arith.muli %select_n3A_159, %mul3A_186 : vector<16xi32>
    %add3A_188 = arith.addi %mul3A_187, %select_n3A_181 : vector<16xi32>
    %jit3A_189 = arith.constant 0 : i32
    %broadcast_in_dim3A_190 = vector.broadcast %jit3A_189 : i32 to vector<16xi32>
    %select_n3A_191 = arith.select %lt3A_184, %add3A_188, %broadcast_in_dim3A_190 : vector<16xi1>, vector<16xi32>
    %iota3A_192 = tpu.iota {dimensions = array<i32: 0>} : vector<16xi32>
    %add3A_193 = arith.constant 48 : i32
    %add3A_194 = vector.broadcast %add3A_193 : i32 to vector<16xi32>
    %add3A_195 = arith.addi %iota3A_192, %add3A_194 : vector<16xi32>
    %jit3A_196 = arith.constant 10 : i32
    %div3A_197 = vector.broadcast %jit3A_196 : i32 to vector<16xi32>
    %div3A_198 = arith.divsi %add3A_195, %div3A_197 : vector<16xi32>
    %sign3A_199 = arith.constant 0 : i32
    %sign3A_200 = vector.broadcast %sign3A_199 : i32 to vector<16xi32>
    %sign3A_201 = arith.cmpi sgt, %add3A_195, %sign3A_200 : vector<16xi32>
    %sign3A_202 = arith.extui %sign3A_201 : vector<16xi1> to vector<16xi32>
    %sign3A_203 = arith.constant 0 : i32
    %sign3A_204 = vector.broadcast %sign3A_203 : i32 to vector<16xi32>
    %sign3A_205 = arith.cmpi slt, %add3A_195, %sign3A_204 : vector<16xi32>
    %sign3A_206 = arith.extui %sign3A_205 : vector<16xi1> to vector<16xi32>
    %sign3A_207 = arith.subi %sign3A_202, %sign3A_206 : vector<16xi32>
    %sign3A_208 = arith.constant 0 : i32
    %sign3A_209 = arith.cmpi sgt, %jit3A_196, %sign3A_208 : i32
    %sign3A_210 = arith.extui %sign3A_209 : i1 to i32
    %sign3A_211 = arith.constant 0 : i32
    %sign3A_212 = arith.cmpi slt, %jit3A_196, %sign3A_211 : i32
    %sign3A_213 = arith.extui %sign3A_212 : i1 to i32
    %sign3A_214 = arith.subi %sign3A_210, %sign3A_213 : i32
    %ne3A_215 = vector.broadcast %sign3A_214 : i32 to vector<16xi32>
    %ne3A_216 = arith.cmpi ne, %sign3A_207, %ne3A_215 : vector<16xi32>
    %rem3A_217 = vector.broadcast %jit3A_196 : i32 to vector<16xi32>
    %rem3A_218 = arith.remsi %add3A_195, %rem3A_217 : vector<16xi32>
    %ne3A_219 = arith.constant 0 : i32
    %ne3A_220 = vector.broadcast %ne3A_219 : i32 to vector<16xi32>
    %ne3A_221 = arith.cmpi ne, %rem3A_218, %ne3A_220 : vector<16xi32>
    %and3A_222 = arith.andi %ne3A_216, %ne3A_221 : vector<16xi1>
    %sub3A_223 = arith.constant 1 : i32
    %sub3A_224 = vector.broadcast %sub3A_223 : i32 to vector<16xi32>
    %sub3A_225 = arith.subi %div3A_198, %sub3A_224 : vector<16xi32>
    %select_n3A_226 = arith.select %and3A_222, %sub3A_225, %div3A_198 : vector<16xi1>, vector<16xi32>
    %jit3A_227 = arith.constant 10 : i32
    %eq3A_228 = arith.constant 0 : i32
    %eq3A_229 = arith.cmpi eq, %jit3A_227, %eq3A_228 : i32
    %jit3A_230 = arith.constant 1 : i32
    %select_n3A_231 = arith.select %eq3A_229, %jit3A_230, %jit3A_227 : i32
    %rem3A_232 = vector.broadcast %select_n3A_231 : i32 to vector<16xi32>
    %rem3A_233 = arith.remsi %add3A_195, %rem3A_232 : vector<16xi32>
    %ne3A_234 = arith.constant 0 : i32
    %ne3A_235 = vector.broadcast %ne3A_234 : i32 to vector<16xi32>
    %ne3A_236 = arith.cmpi ne, %rem3A_233, %ne3A_235 : vector<16xi32>
    %lt3A_237 = arith.constant 0 : i32
    %lt3A_238 = vector.broadcast %lt3A_237 : i32 to vector<16xi32>
    %lt3A_239 = arith.cmpi slt, %rem3A_233, %lt3A_238 : vector<16xi32>
    %lt3A_240 = arith.constant 0 : i32
    %lt3A_241 = arith.cmpi slt, %select_n3A_231, %lt3A_240 : i32
    %ne3A_242 = vector.broadcast %lt3A_241 : i1 to vector<16xi1>
    %ne3A_243 = vector.broadcast %ne3A_242 : vector<16xi1> to vector<16xi1>
    %ne3A_244 = arith.xori %lt3A_239, %ne3A_243 : vector<16xi1>
    %and3A_245 = arith.andi %ne3A_244, %ne3A_236 : vector<16xi1>
    %add3A_246 = vector.broadcast %select_n3A_231 : i32 to vector<16xi32>
    %add3A_247 = arith.addi %rem3A_233, %add3A_246 : vector<16xi32>
    %select_n3A_248 = arith.select %and3A_245, %add3A_247, %rem3A_233 : vector<16xi1>, vector<16xi32>
    %lt3A_249 = arith.constant 100 : i32
    %lt3A_250 = vector.broadcast %lt3A_249 : i32 to vector<16xi32>
    %lt3A_251 = arith.cmpi slt, %add3A_195, %lt3A_250 : vector<16xi32>
    %mul3A_252 = arith.constant 128 : i32
    %mul3A_253 = vector.broadcast %mul3A_252 : i32 to vector<16xi32>
    %mul3A_254 = arith.muli %select_n3A_226, %mul3A_253 : vector<16xi32>
    %add3A_255 = arith.addi %mul3A_254, %select_n3A_248 : vector<16xi32>
    %jit3A_256 = arith.constant 0 : i32
    %broadcast_in_dim3A_257 = vector.broadcast %jit3A_256 : i32 to vector<16xi32>
    %select_n3A_258 = arith.select %lt3A_251, %add3A_255, %broadcast_in_dim3A_257 : vector<16xi1>, vector<16xi32>
    %iota3A_259 = tpu.iota {dimensions = array<i32: 0>} : vector<16xi32>
    %add3A_260 = arith.constant 64 : i32
    %add3A_261 = vector.broadcast %add3A_260 : i32 to vector<16xi32>
    %add3A_262 = arith.addi %iota3A_259, %add3A_261 : vector<16xi32>
    %jit3A_263 = arith.constant 10 : i32
    %div3A_264 = vector.broadcast %jit3A_263 : i32 to vector<16xi32>
    %div3A_265 = arith.divsi %add3A_262, %div3A_264 : vector<16xi32>
    %sign3A_266 = arith.constant 0 : i32
    %sign3A_267 = vector.broadcast %sign3A_266 : i32 to vector<16xi32>
    %sign3A_268 = arith.cmpi sgt, %add3A_262, %sign3A_267 : vector<16xi32>
    %sign3A_269 = arith.extui %sign3A_268 : vector<16xi1> to vector<16xi32>
    %sign3A_270 = arith.constant 0 : i32
    %sign3A_271 = vector.broadcast %sign3A_270 : i32 to vector<16xi32>
    %sign3A_272 = arith.cmpi slt, %add3A_262, %sign3A_271 : vector<16xi32>
    %sign3A_273 = arith.extui %sign3A_272 : vector<16xi1> to vector<16xi32>
    %sign3A_274 = arith.subi %sign3A_269, %sign3A_273 : vector<16xi32>
    %sign3A_275 = arith.constant 0 : i32
    %sign3A_276 = arith.cmpi sgt, %jit3A_263, %sign3A_275 : i32
    %sign3A_277 = arith.extui %sign3A_276 : i1 to i32
    %sign3A_278 = arith.constant 0 : i32
    %sign3A_279 = arith.cmpi slt, %jit3A_263, %sign3A_278 : i32
    %sign3A_280 = arith.extui %sign3A_279 : i1 to i32
    %sign3A_281 = arith.subi %sign3A_277, %sign3A_280 : i32
    %ne3A_282 = vector.broadcast %sign3A_281 : i32 to vector<16xi32>
    %ne3A_283 = arith.cmpi ne, %sign3A_274, %ne3A_282 : vector<16xi32>
    %rem3A_284 = vector.broadcast %jit3A_263 : i32 to vector<16xi32>
    %rem3A_285 = arith.remsi %add3A_262, %rem3A_284 : vector<16xi32>
    %ne3A_286 = arith.constant 0 : i32
    %ne3A_287 = vector.broadcast %ne3A_286 : i32 to vector<16xi32>
    %ne3A_288 = arith.cmpi ne, %rem3A_285, %ne3A_287 : vector<16xi32>
    %and3A_289 = arith.andi %ne3A_283, %ne3A_288 : vector<16xi1>
    %sub3A_290 = arith.constant 1 : i32
    %sub3A_291 = vector.broadcast %sub3A_290 : i32 to vector<16xi32>
    %sub3A_292 = arith.subi %div3A_265, %sub3A_291 : vector<16xi32>
    %select_n3A_293 = arith.select %and3A_289, %sub3A_292, %div3A_265 : vector<16xi1>, vector<16xi32>
    %jit3A_294 = arith.constant 10 : i32
    %eq3A_295 = arith.constant 0 : i32
    %eq3A_296 = arith.cmpi eq, %jit3A_294, %eq3A_295 : i32
    %jit3A_297 = arith.constant 1 : i32
    %select_n3A_298 = arith.select %eq3A_296, %jit3A_297, %jit3A_294 : i32
    %rem3A_299 = vector.broadcast %select_n3A_298 : i32 to vector<16xi32>
    %rem3A_300 = arith.remsi %add3A_262, %rem3A_299 : vector<16xi32>
    %ne3A_301 = arith.constant 0 : i32
    %ne3A_302 = vector.broadcast %ne3A_301 : i32 to vector<16xi32>
    %ne3A_303 = arith.cmpi ne, %rem3A_300, %ne3A_302 : vector<16xi32>
    %lt3A_304 = arith.constant 0 : i32
    %lt3A_305 = vector.broadcast %lt3A_304 : i32 to vector<16xi32>
    %lt3A_306 = arith.cmpi slt, %rem3A_300, %lt3A_305 : vector<16xi32>
    %lt3A_307 = arith.constant 0 : i32
    %lt3A_308 = arith.cmpi slt, %select_n3A_298, %lt3A_307 : i32
    %ne3A_309 = vector.broadcast %lt3A_308 : i1 to vector<16xi1>
    %ne3A_310 = vector.broadcast %ne3A_309 : vector<16xi1> to vector<16xi1>
    %ne3A_311 = arith.xori %lt3A_306, %ne3A_310 : vector<16xi1>
    %and3A_312 = arith.andi %ne3A_311, %ne3A_303 : vector<16xi1>
    %add3A_313 = vector.broadcast %select_n3A_298 : i32 to vector<16xi32>
    %add3A_314 = arith.addi %rem3A_300, %add3A_313 : vector<16xi32>
    %select_n3A_315 = arith.select %and3A_312, %add3A_314, %rem3A_300 : vector<16xi1>, vector<16xi32>
    %lt3A_316 = arith.constant 100 : i32
    %lt3A_317 = vector.broadcast %lt3A_316 : i32 to vector<16xi32>
    %lt3A_318 = arith.cmpi slt, %add3A_262, %lt3A_317 : vector<16xi32>
    %mul3A_319 = arith.constant 128 : i32
    %mul3A_320 = vector.broadcast %mul3A_319 : i32 to vector<16xi32>
    %mul3A_321 = arith.muli %select_n3A_293, %mul3A_320 : vector<16xi32>
    %add3A_322 = arith.addi %mul3A_321, %select_n3A_315 : vector<16xi32>
    %jit3A_323 = arith.constant 0 : i32
    %broadcast_in_dim3A_324 = vector.broadcast %jit3A_323 : i32 to vector<16xi32>
    %select_n3A_325 = arith.select %lt3A_318, %add3A_322, %broadcast_in_dim3A_324 : vector<16xi1>, vector<16xi32>
    %iota3A_326 = tpu.iota {dimensions = array<i32: 0>} : vector<16xi32>
    %add3A_327 = arith.constant 80 : i32
    %add3A_328 = vector.broadcast %add3A_327 : i32 to vector<16xi32>
    %add3A_329 = arith.addi %iota3A_326, %add3A_328 : vector<16xi32>
    %jit3A_330 = arith.constant 10 : i32
    %div3A_331 = vector.broadcast %jit3A_330 : i32 to vector<16xi32>
    %div3A_332 = arith.divsi %add3A_329, %div3A_331 : vector<16xi32>
    %sign3A_333 = arith.constant 0 : i32
    %sign3A_334 = vector.broadcast %sign3A_333 : i32 to vector<16xi32>
    %sign3A_335 = arith.cmpi sgt, %add3A_329, %sign3A_334 : vector<16xi32>
    %sign3A_336 = arith.extui %sign3A_335 : vector<16xi1> to vector<16xi32>
    %sign3A_337 = arith.constant 0 : i32
    %sign3A_338 = vector.broadcast %sign3A_337 : i32 to vector<16xi32>
    %sign3A_339 = arith.cmpi slt, %add3A_329, %sign3A_338 : vector<16xi32>
    %sign3A_340 = arith.extui %sign3A_339 : vector<16xi1> to vector<16xi32>
    %sign3A_341 = arith.subi %sign3A_336, %sign3A_340 : vector<16xi32>
    %sign3A_342 = arith.constant 0 : i32
    %sign3A_343 = arith.cmpi sgt, %jit3A_330, %sign3A_342 : i32
    %sign3A_344 = arith.extui %sign3A_343 : i1 to i32
    %sign3A_345 = arith.constant 0 : i32
    %sign3A_346 = arith.cmpi slt, %jit3A_330, %sign3A_345 : i32
    %sign3A_347 = arith.extui %sign3A_346 : i1 to i32
    %sign3A_348 = arith.subi %sign3A_344, %sign3A_347 : i32
    %ne3A_349 = vector.broadcast %sign3A_348 : i32 to vector<16xi32>
    %ne3A_350 = arith.cmpi ne, %sign3A_341, %ne3A_349 : vector<16xi32>
    %rem3A_351 = vector.broadcast %jit3A_330 : i32 to vector<16xi32>
    %rem3A_352 = arith.remsi %add3A_329, %rem3A_351 : vector<16xi32>
    %ne3A_353 = arith.constant 0 : i32
    %ne3A_354 = vector.broadcast %ne3A_353 : i32 to vector<16xi32>
    %ne3A_355 = arith.cmpi ne, %rem3A_352, %ne3A_354 : vector<16xi32>
    %and3A_356 = arith.andi %ne3A_350, %ne3A_355 : vector<16xi1>
    %sub3A_357 = arith.constant 1 : i32
    %sub3A_358 = vector.broadcast %sub3A_357 : i32 to vector<16xi32>
    %sub3A_359 = arith.subi %div3A_332, %sub3A_358 : vector<16xi32>
    %select_n3A_360 = arith.select %and3A_356, %sub3A_359, %div3A_332 : vector<16xi1>, vector<16xi32>
    %jit3A_361 = arith.constant 10 : i32
    %eq3A_362 = arith.constant 0 : i32
    %eq3A_363 = arith.cmpi eq, %jit3A_361, %eq3A_362 : i32
    %jit3A_364 = arith.constant 1 : i32
    %select_n3A_365 = arith.select %eq3A_363, %jit3A_364, %jit3A_361 : i32
    %rem3A_366 = vector.broadcast %select_n3A_365 : i32 to vector<16xi32>
    %rem3A_367 = arith.remsi %add3A_329, %rem3A_366 : vector<16xi32>
    %ne3A_368 = arith.constant 0 : i32
    %ne3A_369 = vector.broadcast %ne3A_368 : i32 to vector<16xi32>
    %ne3A_370 = arith.cmpi ne, %rem3A_367, %ne3A_369 : vector<16xi32>
    %lt3A_371 = arith.constant 0 : i32
    %lt3A_372 = vector.broadcast %lt3A_371 : i32 to vector<16xi32>
    %lt3A_373 = arith.cmpi slt, %rem3A_367, %lt3A_372 : vector<16xi32>
    %lt3A_374 = arith.constant 0 : i32
    %lt3A_375 = arith.cmpi slt, %select_n3A_365, %lt3A_374 : i32
    %ne3A_376 = vector.broadcast %lt3A_375 : i1 to vector<16xi1>
    %ne3A_377 = vector.broadcast %ne3A_376 : vector<16xi1> to vector<16xi1>
    %ne3A_378 = arith.xori %lt3A_373, %ne3A_377 : vector<16xi1>
    %and3A_379 = arith.andi %ne3A_378, %ne3A_370 : vector<16xi1>
    %add3A_380 = vector.broadcast %select_n3A_365 : i32 to vector<16xi32>
    %add3A_381 = arith.addi %rem3A_367, %add3A_380 : vector<16xi32>
    %select_n3A_382 = arith.select %and3A_379, %add3A_381, %rem3A_367 : vector<16xi1>, vector<16xi32>
    %lt3A_383 = arith.constant 100 : i32
    %lt3A_384 = vector.broadcast %lt3A_383 : i32 to vector<16xi32>
    %lt3A_385 = arith.cmpi slt, %add3A_329, %lt3A_384 : vector<16xi32>
    %mul3A_386 = arith.constant 128 : i32
    %mul3A_387 = vector.broadcast %mul3A_386 : i32 to vector<16xi32>
    %mul3A_388 = arith.muli %select_n3A_360, %mul3A_387 : vector<16xi32>
    %add3A_389 = arith.addi %mul3A_388, %select_n3A_382 : vector<16xi32>
    %jit3A_390 = arith.constant 0 : i32
    %broadcast_in_dim3A_391 = vector.broadcast %jit3A_390 : i32 to vector<16xi32>
    %select_n3A_392 = arith.select %lt3A_385, %add3A_389, %broadcast_in_dim3A_391 : vector<16xi1>, vector<16xi32>
    %iota3A_393 = tpu.iota {dimensions = array<i32: 0>} : vector<16xi32>
    %add3A_394 = arith.constant 96 : i32
    %add3A_395 = vector.broadcast %add3A_394 : i32 to vector<16xi32>
    %add3A_396 = arith.addi %iota3A_393, %add3A_395 : vector<16xi32>
    %jit3A_397 = arith.constant 10 : i32
    %div3A_398 = vector.broadcast %jit3A_397 : i32 to vector<16xi32>
    %div3A_399 = arith.divsi %add3A_396, %div3A_398 : vector<16xi32>
    %sign3A_400 = arith.constant 0 : i32
    %sign3A_401 = vector.broadcast %sign3A_400 : i32 to vector<16xi32>
    %sign3A_402 = arith.cmpi sgt, %add3A_396, %sign3A_401 : vector<16xi32>
    %sign3A_403 = arith.extui %sign3A_402 : vector<16xi1> to vector<16xi32>
    %sign3A_404 = arith.constant 0 : i32
    %sign3A_405 = vector.broadcast %sign3A_404 : i32 to vector<16xi32>
    %sign3A_406 = arith.cmpi slt, %add3A_396, %sign3A_405 : vector<16xi32>
    %sign3A_407 = arith.extui %sign3A_406 : vector<16xi1> to vector<16xi32>
    %sign3A_408 = arith.subi %sign3A_403, %sign3A_407 : vector<16xi32>
    %sign3A_409 = arith.constant 0 : i32
    %sign3A_410 = arith.cmpi sgt, %jit3A_397, %sign3A_409 : i32
    %sign3A_411 = arith.extui %sign3A_410 : i1 to i32
    %sign3A_412 = arith.constant 0 : i32
    %sign3A_413 = arith.cmpi slt, %jit3A_397, %sign3A_412 : i32
    %sign3A_414 = arith.extui %sign3A_413 : i1 to i32
    %sign3A_415 = arith.subi %sign3A_411, %sign3A_414 : i32
    %ne3A_416 = vector.broadcast %sign3A_415 : i32 to vector<16xi32>
    %ne3A_417 = arith.cmpi ne, %sign3A_408, %ne3A_416 : vector<16xi32>
    %rem3A_418 = vector.broadcast %jit3A_397 : i32 to vector<16xi32>
    %rem3A_419 = arith.remsi %add3A_396, %rem3A_418 : vector<16xi32>
    %ne3A_420 = arith.constant 0 : i32
    %ne3A_421 = vector.broadcast %ne3A_420 : i32 to vector<16xi32>
    %ne3A_422 = arith.cmpi ne, %rem3A_419, %ne3A_421 : vector<16xi32>
    %and3A_423 = arith.andi %ne3A_417, %ne3A_422 : vector<16xi1>
    %sub3A_424 = arith.constant 1 : i32
    %sub3A_425 = vector.broadcast %sub3A_424 : i32 to vector<16xi32>
    %sub3A_426 = arith.subi %div3A_399, %sub3A_425 : vector<16xi32>
    %select_n3A_427 = arith.select %and3A_423, %sub3A_426, %div3A_399 : vector<16xi1>, vector<16xi32>
    %jit3A_428 = arith.constant 10 : i32
    %eq3A_429 = arith.constant 0 : i32
    %eq3A_430 = arith.cmpi eq, %jit3A_428, %eq3A_429 : i32
    %jit3A_431 = arith.constant 1 : i32
    %select_n3A_432 = arith.select %eq3A_430, %jit3A_431, %jit3A_428 : i32
    %rem3A_433 = vector.broadcast %select_n3A_432 : i32 to vector<16xi32>
    %rem3A_434 = arith.remsi %add3A_396, %rem3A_433 : vector<16xi32>
    %ne3A_435 = arith.constant 0 : i32
    %ne3A_436 = vector.broadcast %ne3A_435 : i32 to vector<16xi32>
    %ne3A_437 = arith.cmpi ne, %rem3A_434, %ne3A_436 : vector<16xi32>
    %lt3A_438 = arith.constant 0 : i32
    %lt3A_439 = vector.broadcast %lt3A_438 : i32 to vector<16xi32>
    %lt3A_440 = arith.cmpi slt, %rem3A_434, %lt3A_439 : vector<16xi32>
    %lt3A_441 = arith.constant 0 : i32
    %lt3A_442 = arith.cmpi slt, %select_n3A_432, %lt3A_441 : i32
    %ne3A_443 = vector.broadcast %lt3A_442 : i1 to vector<16xi1>
    %ne3A_444 = vector.broadcast %ne3A_443 : vector<16xi1> to vector<16xi1>
    %ne3A_445 = arith.xori %lt3A_440, %ne3A_444 : vector<16xi1>
    %and3A_446 = arith.andi %ne3A_445, %ne3A_437 : vector<16xi1>
    %add3A_447 = vector.broadcast %select_n3A_432 : i32 to vector<16xi32>
    %add3A_448 = arith.addi %rem3A_434, %add3A_447 : vector<16xi32>
    %select_n3A_449 = arith.select %and3A_446, %add3A_448, %rem3A_434 : vector<16xi1>, vector<16xi32>
    %lt3A_450 = arith.constant 100 : i32
    %lt3A_451 = vector.broadcast %lt3A_450 : i32 to vector<16xi32>
    %lt3A_452 = arith.cmpi slt, %add3A_396, %lt3A_451 : vector<16xi32>
    %mul3A_453 = arith.constant 128 : i32
    %mul3A_454 = vector.broadcast %mul3A_453 : i32 to vector<16xi32>
    %mul3A_455 = arith.muli %select_n3A_427, %mul3A_454 : vector<16xi32>
    %add3A_456 = arith.addi %mul3A_455, %select_n3A_449 : vector<16xi32>
    %jit3A_457 = arith.constant 0 : i32
    %broadcast_in_dim3A_458 = vector.broadcast %jit3A_457 : i32 to vector<16xi32>
    %select_n3A_459 = arith.select %lt3A_452, %add3A_456, %broadcast_in_dim3A_458 : vector<16xi1>, vector<16xi32>
    tpu.enqueue_dma source(%arg3 : memref<8192xi32, #tpu.memory_space<hbm>>) target(%arg6 : memref<8192xi32, #tpu.memory_space<vmem>>) target_semaphore(%arg10 : memref<!tpu.dma_semaphore, #tpu.memory_space<semaphore_mem>>)
    %broadcast_in_dim3A_460 = arith.constant 0.000000e+00 : f32
    %broadcast_in_dim3A_461 = vector.broadcast %broadcast_in_dim3A_460 : f32 to vector<16xf32>
    %scan3A = arith.constant 0 : i32
    %scan3A_462 = arith.constant 0 : i32
    %scan3A_463 = arith.constant 1024 : i32
    %scan3A_464 = arith.addi %scan3A_462, %scan3A_463 : i32
    %scan3A_465 = arith.constant 1 : i32
    scf.for %scan3A_552 = %scan3A_462 to %scan3A_464 step %scan3A_465  : i32 {
      %mul3A_553 = arith.constant 64 : i32
      %mul3A_554 = arith.muli %scan3A_552, %mul3A_553 : i32
      %add3A_555 = arith.constant 0 : i32
      %add3A_556 = arith.addi %mul3A_554, %add3A_555 : i32
      %swap3A = arith.index_cast %add3A_556 : i32 to index
      %swap3A_557 = tpu.vector_load %arg5[%swap3A] {strides = array<i32>} : memref<65536xf32, #tpu.memory_space<vmem>>, vector<16xf32>,
      tpu.vector_store %arg5[%swap3A], %broadcast_in_dim3A_461 {strides = array<i32>} : memref<65536xf32, #tpu.memory_space<vmem>>, vector<16xf32>,
      %mul3A_558 = arith.constant 64 : i32
      %mul3A_559 = arith.muli %scan3A_552, %mul3A_558 : i32
      %add3A_560 = arith.constant 16 : i32
      %add3A_561 = arith.addi %mul3A_559, %add3A_560 : i32
      %swap3A_562 = arith.index_cast %add3A_561 : i32 to index
      %swap3A_563 = tpu.vector_load %arg5[%swap3A_562] {strides = array<i32>} : memref<65536xf32, #tpu.memory_space<vmem>>, vector<16xf32>,
      tpu.vector_store %arg5[%swap3A_562], %broadcast_in_dim3A_461 {strides = array<i32>} : memref<65536xf32, #tpu.memory_space<vmem>>, vector<16xf32>,
      %mul3A_564 = arith.constant 64 : i32
      %mul3A_565 = arith.muli %scan3A_552, %mul3A_564 : i32
      %add3A_566 = arith.constant 32 : i32
      %add3A_567 = arith.addi %mul3A_565, %add3A_566 : i32
      %swap3A_568 = arith.index_cast %add3A_567 : i32 to index
      %swap3A_569 = tpu.vector_load %arg5[%swap3A_568] {strides = array<i32>} : memref<65536xf32, #tpu.memory_space<vmem>>, vector<16xf32>,
      tpu.vector_store %arg5[%swap3A_568], %broadcast_in_dim3A_461 {strides = array<i32>} : memref<65536xf32, #tpu.memory_space<vmem>>, vector<16xf32>,
      %mul3A_570 = arith.constant 64 : i32
      %mul3A_571 = arith.muli %scan3A_552, %mul3A_570 : i32
      %add3A_572 = arith.constant 48 : i32
      %add3A_573 = arith.addi %mul3A_571, %add3A_572 : i32
      %swap3A_574 = arith.index_cast %add3A_573 : i32 to index
      %swap3A_575 = tpu.vector_load %arg5[%swap3A_574] {strides = array<i32>} : memref<65536xf32, #tpu.memory_space<vmem>>, vector<16xf32>,
      tpu.vector_store %arg5[%swap3A_574], %broadcast_in_dim3A_461 {strides = array<i32>} : memref<65536xf32, #tpu.memory_space<vmem>>, vector<16xf32>,
    }
    %scan3A_466 = arith.constant 1024 : i32
    tpu.wait_dma2 semaphore(%arg10 : memref<!tpu.dma_semaphore, #tpu.memory_space<semaphore_mem>>) src(%arg3 : memref<8192xi32, #tpu.memory_space<hbm>>) dst(%arg6 : memref<8192xi32, #tpu.memory_space<vmem>>)
    %broadcast_in_dim3A_467 = arith.constant 0 : i32
    %broadcast_in_dim3A_468 = vector.broadcast %broadcast_in_dim3A_467 : i32 to vector<16xi32>
    %scan3A_469 = arith.constant 0 : i32
    %scan3A_470 = arith.constant 512 : i32
    %scan3A_471 = arith.addi %scan3A_469, %scan3A_470 : i32
    %scan3A_472 = arith.constant 1 : i32
    %scan3A_473 = scf.for %scan3A_552 = %scan3A_469 to %scan3A_471 step %scan3A_472 iter_args(%scan3A_553 = %broadcast_in_dim3A_468) -> (vector<16xi32>)  : i32 {
      %mul3A_554 = arith.constant 16 : i32
      %mul3A_555 = arith.muli %scan3A_552, %mul3A_554 : i32
      %get3A = arith.index_cast %mul3A_555 : i32 to index
      %get3A_556 = tpu.vector_load %arg6[%get3A] {strides = array<i32>} : memref<8192xi32, #tpu.memory_space<vmem>>, vector<16xi32>,
      %sub3A_557 = arith.constant 9 : i32
      %sub3A_558 = arith.subi %mul3A_2, %sub3A_557 : i32
      %ge3A = vector.broadcast %sub3A_558 : i32 to vector<16xi32>
      %ge3A_559 = arith.cmpi sge, %get3A_556, %ge3A : vector<16xi32>
      %add3A_560 = arith.constant 3 : i32
      %add3A_561 = arith.addi %mul3A_2, %add3A_560 : i32
      %le3A = vector.broadcast %add3A_561 : i32 to vector<16xi32>
      %le3A_562 = arith.cmpi sle, %get3A_556, %le3A : vector<16xi32>
      %and3A_563 = arith.andi %ge3A_559, %le3A_562 : vector<16xi1>
      %jit3A_564 = arith.constant 1 : i32
      %jit3A_565 = arith.constant 0 : i32
      %broadcast_in_dim3A_566 = vector.broadcast %jit3A_564 : i32 to vector<16xi32>
      %broadcast_in_dim3A_567 = vector.broadcast %jit3A_565 : i32 to vector<16xi32>
      %select_n3A_568 = arith.select %and3A_563, %broadcast_in_dim3A_566, %broadcast_in_dim3A_567 : vector<16xi1>, vector<16xi32>
      %broadcast_in_dim3A_569 = arith.constant true
      %broadcast_in_dim3A_570 = vector.broadcast %broadcast_in_dim3A_569 : i1 to vector<16xi1>
      %masked_cumsum3A = tpu.scan <sum>, %select_n3A_568 masked %broadcast_in_dim3A_570 : vector<16xi32>, vector<16xi1> -> vector<16xi32>
      %sub3A_571 = arith.constant 1 : i32
      %sub3A_572 = vector.broadcast %sub3A_571 : i32 to vector<16xi32>
      %sub3A_573 = arith.subi %masked_cumsum3A, %sub3A_572 : vector<16xi32>
      %add3A_574 = arith.addi %sub3A_573, %scan3A_553 : vector<16xi32>
      %iota3A_575 = tpu.iota {dimensions = array<i32: 0>} : vector<16xi32>
      %mul3A_576 = arith.constant 16 : i32
      %mul3A_577 = arith.muli %scan3A_552, %mul3A_576 : i32
      %add3A_578 = vector.broadcast %mul3A_577 : i32 to vector<16xi32>
      %add3A_579 = arith.addi %iota3A_575, %add3A_578 : vector<16xi32>
      tpu.vector_store_idx %arg7[%add3A_574], %add3A_579 masked %and3A_563 : memref<8208xi32, #tpu.memory_space<vmem>>[vector<16xi32>], vector<16xi32>, vector<16xi1>
      %all_reduce_population_count3A = tpu.all_reduce %and3A_563 {dim = 0 : i64, kind = #tpu.reduction_kind<sum>} : vector<16xi1> -> vector<16xi32>
      %add3A_580 = arith.addi %scan3A_553, %all_reduce_population_count3A : vector<16xi32>
      scf.yield %add3A_580 : vector<16xi32>
    }
    %scan3A_474 = arith.constant 512 : i32
    %reduce_max3A = arith.constant true
    %reduce_max3A_475 = vector.broadcast %reduce_max3A : i1 to vector<16xi1>
    %reduce_max3A_476 = arith.constant -2147483648 : i32
    %reduce_max3A_477 = vector.broadcast %reduce_max3A_476 : i32 to vector<16xi32>
    %reduce_max3A_478 = arith.xori %scan3A_473, %reduce_max3A_477 : vector<16xi32>
    %reduce_max3A_479 = tpu.scan <max>, %reduce_max3A_478 masked %reduce_max3A_475 : vector<16xi32>, vector<16xi1> -> vector<16xi32>
    %reduce_max3A_480 = arith.xori %reduce_max3A_479, %reduce_max3A_477 : vector<16xi32>
    %reduce_max3A_481 = vector.extract %reduce_max3A_480[15] : i32 from vector<16xi32>
    %iota3A_482 = tpu.iota {dimensions = array<i32: 0>} : vector<16xi32>
    %add3A_483 = vector.broadcast %reduce_max3A_481 : i32 to vector<16xi32>
    %add3A_484 = arith.addi %iota3A_482, %add3A_483 : vector<16xi32>
    %broadcast_in_dim3A_485 = arith.constant 8192 : i32
    %broadcast_in_dim3A_486 = vector.broadcast %broadcast_in_dim3A_485 : i32 to vector<16xi32>
    tpu.vector_store_idx %arg7[%add3A_484], %broadcast_in_dim3A_486 : memref<8208xi32, #tpu.memory_space<vmem>>[vector<16xi32>], vector<16xi32>,
    %add3A_487 = arith.constant 15 : i32
    %add3A_488 = arith.addi %reduce_max3A_481, %add3A_487 : i32
    %jit3A_489 = arith.constant 16 : i32
    %div3A_490 = arith.divsi %add3A_488, %jit3A_489 : i32
    %sign3A_491 = arith.constant 0 : i32
    %sign3A_492 = arith.cmpi sgt, %add3A_488, %sign3A_491 : i32
    %sign3A_493 = arith.extui %sign3A_492 : i1 to i32
    %sign3A_494 = arith.constant 0 : i32
    %sign3A_495 = arith.cmpi slt, %add3A_488, %sign3A_494 : i32
    %sign3A_496 = arith.extui %sign3A_495 : i1 to i32
    %sign3A_497 = arith.subi %sign3A_493, %sign3A_496 : i32
    %sign3A_498 = arith.constant 0 : i32
    %sign3A_499 = arith.cmpi sgt, %jit3A_489, %sign3A_498 : i32
    %sign3A_500 = arith.extui %sign3A_499 : i1 to i32
    %sign3A_501 = arith.constant 0 : i32
    %sign3A_502 = arith.cmpi slt, %jit3A_489, %sign3A_501 : i32
    %sign3A_503 = arith.extui %sign3A_502 : i1 to i32
    %sign3A_504 = arith.subi %sign3A_500, %sign3A_503 : i32
    %ne3A_505 = arith.cmpi ne, %sign3A_497, %sign3A_504 : i32
    %rem3A_506 = arith.remsi %add3A_488, %jit3A_489 : i32
    %ne3A_507 = arith.constant 0 : i32
    %ne3A_508 = arith.cmpi ne, %rem3A_506, %ne3A_507 : i32
    %and3A_509 = arith.andi %ne3A_505, %ne3A_508 : i1
    %sub3A_510 = arith.constant 1 : i32
    %sub3A_511 = arith.subi %div3A_490, %sub3A_510 : i32
    %select_n3A_512 = arith.select %and3A_509, %sub3A_511, %div3A_490 : i32
    %gt3A = arith.constant 0 : i32
    %gt3A_513 = arith.cmpi sgt, %select_n3A_512, %gt3A : i32
    %convert_element_type3A = arith.extui %gt3A_513 : i1 to i32
    %cond3A = arith.constant 0 : i32
    %cond3A_514 = arith.cmpi ne, %convert_element_type3A, %cond3A : i32
    scf.if %cond3A_514 {
      %get3A = arith.constant 0 : index
      %get3A_552 = tpu.vector_load %arg7[%get3A] {strides = array<i32>} : memref<8208xi32, #tpu.memory_space<vmem>>, vector<16xi32>,
      %dma_start3A = arith.constant 0 : i32
      %dma_start3A_553 = arith.constant 0 : i32
      %dma_start3A_554 = arith.constant 0 : i32
      %dma_start3A_555 = tpu.memref_slice %arg8[%dma_start3A, %dma_start3A_553, %dma_start3A_554] : memref<2x16x256xf32, #tpu.memory_space<vmem>> -> memref<1x16x256xf32, #tpu.memory_space<vmem>>
      %dma_start3A_556 = tpu.memref_squeeze %dma_start3A_555 : memref<1x16x256xf32, #tpu.memory_space<vmem>> -> memref<16x256xf32, #tpu.memory_space<vmem>>
      %dma_start3A_557 = arith.constant 0 : i32
      %dma_start3A_558 = arith.constant 0 : i32
      %dma_start3A_559 = tpu.memref_slice %arg2[%dma_start3A_557, %dma_start3A_558] : memref<8208x256xf32, #tpu.memory_space<hbm>> -> memref<8208x256xf32, #tpu.memory_space<hbm>>
      tpu.enqueue_indirect_dma source(%dma_start3A_559 : memref<8208x256xf32, #tpu.memory_space<hbm>>) target(%dma_start3A_556 : memref<16x256xf32, #tpu.memory_space<vmem>>) offsets(%get3A_552 : vector<16xi32>) semaphore(%arg9 : memref<!tpu.dma_semaphore, #tpu.memory_space<semaphore_mem>>)
    } else {
    }
    %add3A_515 = arith.constant 1 : i32
    %add3A_516 = arith.addi %select_n3A_512, %add3A_515 : i32
    %jit3A_517 = arith.constant 2 : i32
    %div3A_518 = arith.divsi %add3A_516, %jit3A_517 : i32
    %sign3A_519 = arith.constant 0 : i32
    %sign3A_520 = arith.cmpi sgt, %add3A_516, %sign3A_519 : i32
    %sign3A_521 = arith.extui %sign3A_520 : i1 to i32
    %sign3A_522 = arith.constant 0 : i32
    %sign3A_523 = arith.cmpi slt, %add3A_516, %sign3A_522 : i32
    %sign3A_524 = arith.extui %sign3A_523 : i1 to i32
    %sign3A_525 = arith.subi %sign3A_521, %sign3A_524 : i32
    %sign3A_526 = arith.constant 0 : i32
    %sign3A_527 = arith.cmpi sgt, %jit3A_517, %sign3A_526 : i32
    %sign3A_528 = arith.extui %sign3A_527 : i1 to i32
    %sign3A_529 = arith.constant 0 : i32
    %sign3A_530 = arith.cmpi slt, %jit3A_517, %sign3A_529 : i32
    %sign3A_531 = arith.extui %sign3A_530 : i1 to i32
    %sign3A_532 = arith.subi %sign3A_528, %sign3A_531 : i32
    %ne3A_533 = arith.cmpi ne, %sign3A_525, %sign3A_532 : i32
    %rem3A_534 = arith.remsi %add3A_516, %jit3A_517 : i32
    %ne3A_535 = arith.constant 0 : i32
    %ne3A_536 = arith.cmpi ne, %rem3A_534, %ne3A_535 : i32
    %and3A_537 = arith.andi %ne3A_533, %ne3A_536 : i1
    %sub3A_538 = arith.constant 1 : i32
    %sub3A_539 = arith.subi %div3A_518, %sub3A_538 : i32
    %select_n3A_540 = arith.select %and3A_537, %sub3A_539, %div3A_518 : i32
    %while3A = arith.constant 0 : i32
    %while3A_541 = arith.constant 0 : i32
    %while3A_542 = arith.subi %select_n3A_540, %while3A_541 : i32
    %while3A_543 = arith.addi %while3A_541, %while3A_542 : i32
    %while3A_544 = arith.constant 1 : i32
    %while3A_545 = arith.divsi %while3A_542, %while3A_544 : i32
    %while3A_546 = arith.muli %while3A_545, %while3A_544 : i32
    %while3A_547 = arith.addi %while3A_541, %while3A_546 : i32
    %while3A_548 = arith.constant 1 : i32
    scf.for %while3A_552 = %while3A_541 to %while3A_547 step %while3A_548  : i32 {
      %mul3A_553 = arith.constant 2 : i32
      %mul3A_554 = arith.muli %while3A_552, %mul3A_553 : i32
      %add3A_555 = arith.constant 0 : i32
      %add3A_556 = arith.addi %mul3A_554, %add3A_555 : i32
      %lt3A_557 = arith.cmpi slt, %add3A_556, %select_n3A_512 : i32
      %convert_element_type3A_558 = arith.extui %lt3A_557 : i1 to i32
      %cond3A_559 = arith.constant 0 : i32
      %cond3A_560 = arith.cmpi ne, %convert_element_type3A_558, %cond3A_559 : i32
      scf.if %cond3A_560 {
        %add3A_569 = arith.constant 1 : i32
        %add3A_570 = arith.addi %add3A_556, %add3A_569 : i32
        %lt3A_571 = arith.cmpi slt, %add3A_570, %select_n3A_512 : i32
        %convert_element_type3A_572 = arith.extui %lt3A_571 : i1 to i32
        %cond3A_573 = arith.constant 0 : i32
        %cond3A_574 = arith.cmpi ne, %convert_element_type3A_572, %cond3A_573 : i32
        scf.if %cond3A_574 {
          %add3A_591 = arith.constant 1 : i32
          %add3A_592 = arith.addi %add3A_556, %add3A_591 : i32
          %mul3A_593 = arith.constant 16 : i32
          %mul3A_594 = arith.muli %add3A_592, %mul3A_593 : i32
          %get3A_595 = arith.index_cast %mul3A_594 : i32 to index
          %get3A_596 = tpu.vector_load %arg7[%get3A_595] {strides = array<i32>} : memref<8208xi32, #tpu.memory_space<vmem>>, vector<16xi32>,
          %dma_start3A = arith.constant 1 : i32
          %dma_start3A_597 = arith.constant 0 : i32
          %dma_start3A_598 = arith.constant 0 : i32
          %dma_start3A_599 = tpu.memref_slice %arg8[%dma_start3A, %dma_start3A_597, %dma_start3A_598] : memref<2x16x256xf32, #tpu.memory_space<vmem>> -> memref<1x16x256xf32, #tpu.memory_space<vmem>>
          %dma_start3A_600 = tpu.memref_squeeze %dma_start3A_599 : memref<1x16x256xf32, #tpu.memory_space<vmem>> -> memref<16x256xf32, #tpu.memory_space<vmem>>
          %dma_start3A_601 = arith.constant 0 : i32
          %dma_start3A_602 = arith.constant 0 : i32
          %dma_start3A_603 = tpu.memref_slice %arg2[%dma_start3A_601, %dma_start3A_602] : memref<8208x256xf32, #tpu.memory_space<hbm>> -> memref<8208x256xf32, #tpu.memory_space<hbm>>
          tpu.enqueue_indirect_dma source(%dma_start3A_603 : memref<8208x256xf32, #tpu.memory_space<hbm>>) target(%dma_start3A_600 : memref<16x256xf32, #tpu.memory_space<vmem>>) offsets(%get3A_596 : vector<16xi32>) semaphore(%arg10 : memref<!tpu.dma_semaphore, #tpu.memory_space<semaphore_mem>>)
        } else {
        }
        %mul3A_575 = arith.constant 16 : i32
        %mul3A_576 = arith.muli %add3A_556, %mul3A_575 : i32
        %get3A = arith.index_cast %mul3A_576 : i32 to index
        %get3A_577 = tpu.vector_load %arg7[%get3A] {strides = array<i32>} : memref<8208xi32, #tpu.memory_space<vmem>>, vector<16xi32>,
        %dma_wait3A = arith.constant 0 : i32
        %dma_wait3A_578 = arith.constant 0 : i32
        %dma_wait3A_579 = arith.constant 0 : i32
        %dma_wait3A_580 = tpu.memref_slice %arg8[%dma_wait3A, %dma_wait3A_578, %dma_wait3A_579] : memref<2x16x256xf32, #tpu.memory_space<vmem>> -> memref<1x16x256xf32, #tpu.memory_space<vmem>>
        %dma_wait3A_581 = tpu.memref_squeeze %dma_wait3A_580 : memref<1x16x256xf32, #tpu.memory_space<vmem>> -> memref<16x256xf32, #tpu.memory_space<vmem>>
        %dma_wait3A_582 = arith.constant 0 : i32
        %dma_wait3A_583 = arith.constant 0 : i32
        %dma_wait3A_584 = tpu.memref_slice %arg2[%dma_wait3A_582, %dma_wait3A_583] : memref<8208x256xf32, #tpu.memory_space<hbm>> -> memref<8208x256xf32, #tpu.memory_space<hbm>>
        tpu.wait_indirect_dma semaphore(%arg9 : memref<!tpu.dma_semaphore, #tpu.memory_space<semaphore_mem>>) src(%dma_wait3A_584 : memref<8208x256xf32, #tpu.memory_space<hbm>>) dst(%dma_wait3A_581 : memref<16x256xf32, #tpu.memory_space<vmem>>)
        %scan3A_585 = arith.constant 0 : i32
        %scan3A_586 = arith.constant 0 : i32
        %scan3A_587 = arith.constant 16 : i32
        %scan3A_588 = arith.addi %scan3A_586, %scan3A_587 : i32
        %scan3A_589 = arith.constant 1 : i32
        scf.for %scan3A_591 = %scan3A_586 to %scan3A_588 step %scan3A_589  : i32 {
          %get3A_592 = arith.constant 0 : i32
          %get3A_593 = arith.index_cast %get3A_592 : i32 to index
          %get3A_594 = arith.index_cast %scan3A_591 : i32 to index
          %get3A_595 = arith.constant 0 : index
          %get3A_596 = tpu.vector_load %arg8[%get3A_593, %get3A_594, %get3A_595] {strides = array<i32>} : memref<2x16x256xf32, #tpu.memory_space<vmem>>, vector<16xf32>,
          %broadcast_in_dim3A_597 = arith.constant 0 : i32
          %broadcast_in_dim3A_598 = vector.broadcast %broadcast_in_dim3A_597 : i32 to vector<16xi32>
          %lt3A_599 = arith.constant 0 : i32
          %lt3A_600 = vector.broadcast %lt3A_599 : i32 to vector<16xi32>
          %lt3A_601 = arith.cmpi slt, %broadcast_in_dim3A_598, %lt3A_600 : vector<16xi32>
          %add3A_602 = arith.constant 16 : i32
          %add3A_603 = vector.broadcast %add3A_602 : i32 to vector<16xi32>
          %add3A_604 = arith.addi %broadcast_in_dim3A_598, %add3A_603 : vector<16xi32>
          %select_n3A_605 = arith.select %lt3A_601, %add3A_604, %broadcast_in_dim3A_598 : vector<16xi1>, vector<16xi32>
          %broadcast_in_dim3A_606 = vector.shape_cast %select_n3A_605 : vector<16xi32> to vector<16x1xi32>
          %gather3A = vector.shape_cast %broadcast_in_dim3A_606 : vector<16x1xi32> to vector<16xi32>
          %gather3A_607 = tpu.dynamic_gather %get3A_596[%gather3A] in [0] : vector<16xf32>, vector<16xi32> -> vector<16xf32>
          %broadcast_in_dim3A_608 = arith.constant 6 : i32
          %broadcast_in_dim3A_609 = vector.broadcast %broadcast_in_dim3A_608 : i32 to vector<16xi32>
          %lt3A_610 = arith.constant 0 : i32
          %lt3A_611 = vector.broadcast %lt3A_610 : i32 to vector<16xi32>
          %lt3A_612 = arith.cmpi slt, %broadcast_in_dim3A_609, %lt3A_611 : vector<16xi32>
          %add3A_613 = arith.constant 16 : i32
          %add3A_614 = vector.broadcast %add3A_613 : i32 to vector<16xi32>
          %add3A_615 = arith.addi %broadcast_in_dim3A_609, %add3A_614 : vector<16xi32>
          %select_n3A_616 = arith.select %lt3A_612, %add3A_615, %broadcast_in_dim3A_609 : vector<16xi1>, vector<16xi32>
          %broadcast_in_dim3A_617 = vector.shape_cast %select_n3A_616 : vector<16xi32> to vector<16x1xi32>
          %gather3A_618 = vector.shape_cast %broadcast_in_dim3A_617 : vector<16x1xi32> to vector<16xi32>
          %gather3A_619 = tpu.dynamic_gather %get3A_596[%gather3A_618] in [0] : vector<16xf32>, vector<16xi32> -> vector<16xf32>
          %broadcast_in_dim3A_620 = arith.constant 9 : i32
          %broadcast_in_dim3A_621 = vector.broadcast %broadcast_in_dim3A_620 : i32 to vector<16xi32>
          %lt3A_622 = arith.constant 0 : i32
          %lt3A_623 = vector.broadcast %lt3A_622 : i32 to vector<16xi32>
          %lt3A_624 = arith.cmpi slt, %broadcast_in_dim3A_621, %lt3A_623 : vector<16xi32>
          %add3A_625 = arith.constant 16 : i32
          %add3A_626 = vector.broadcast %add3A_625 : i32 to vector<16xi32>
          %add3A_627 = arith.addi %broadcast_in_dim3A_621, %add3A_626 : vector<16xi32>
          %select_n3A_628 = arith.select %lt3A_624, %add3A_627, %broadcast_in_dim3A_621 : vector<16xi1>, vector<16xi32>
          %broadcast_in_dim3A_629 = vector.shape_cast %select_n3A_628 : vector<16xi32> to vector<16x1xi32>
          %gather3A_630 = vector.shape_cast %broadcast_in_dim3A_629 : vector<16x1xi32> to vector<16xi32>
          %gather3A_631 = tpu.dynamic_gather %get3A_596[%gather3A_630] in [0] : vector<16xf32>, vector<16xi32> -> vector<16xf32>
          %bitcast3A = vector.bitcast %get3A_596 : vector<16xf32> to vector<16xi32>
          %slice3A = vector.extract_strided_slice %bitcast3A {offsets = [10], sizes = [1], strides = [1]} : vector<16xi32> to vector<1xi32>
          %squeeze3A = vector.extract %slice3A[0] : i32 from vector<1xi32>
          %shift_right_arithmetic3A = arith.constant 14 : i32
          %shift_right_arithmetic3A_632 = arith.shrsi %squeeze3A, %shift_right_arithmetic3A : i32
          %and3A_633 = arith.constant 16383 : i32
          %and3A_634 = arith.andi %squeeze3A, %and3A_633 : i32
          %max3A = arith.maxsi %shift_right_arithmetic3A_632, %mul3A_2 : i32
          %add3A_635 = arith.constant 10 : i32
          %add3A_636 = arith.addi %shift_right_arithmetic3A_632, %add3A_635 : i32
          %add3A_637 = arith.constant 4 : i32
          %add3A_638 = arith.addi %mul3A_2, %add3A_637 : i32
          %min3A = arith.minsi %add3A_636, %add3A_638 : i32
          %get3A_639 = arith.constant 0 : i32
          %get3A_640 = arith.index_cast %get3A_639 : i32 to index
          %get3A_641 = arith.index_cast %scan3A_591 : i32 to index
          %get3A_642 = arith.constant 16 : index
          %get3A_643 = tpu.vector_load %arg8[%get3A_640, %get3A_641, %get3A_642] {strides = array<i32>} : memref<2x16x256xf32, #tpu.memory_space<vmem>>, vector<16xf32>,
          %get3A_644 = arith.constant 0 : i32
          %get3A_645 = arith.index_cast %get3A_644 : i32 to index
          %get3A_646 = arith.index_cast %scan3A_591 : i32 to index
          %get3A_647 = arith.constant 128 : index
          %get3A_648 = tpu.vector_load %arg8[%get3A_645, %get3A_646, %get3A_647] {strides = array<i32>} : memref<2x16x256xf32, #tpu.memory_space<vmem>>, vector<16xf32>,
          %add3A_649 = vector.broadcast %and3A_634 : i32 to vector<16xi32>
          %add3A_650 = arith.addi %select_n3A_57, %add3A_649 : vector<16xi32>
          %get3A_651 = arith.constant 0 : i32
          %get3A_652 = arith.index_cast %get3A_651 : i32 to index
          %get3A_653 = arith.index_cast %scan3A_591 : i32 to index
          %get3A_654 = arith.constant 32 : index
          %get3A_655 = tpu.vector_load %arg8[%get3A_652, %get3A_653, %get3A_654] {strides = array<i32>} : memref<2x16x256xf32, #tpu.memory_space<vmem>>, vector<16xf32>,
          %get3A_656 = arith.constant 0 : i32
          %get3A_657 = arith.index_cast %get3A_656 : i32 to index
          %get3A_658 = arith.index_cast %scan3A_591 : i32 to index
          %get3A_659 = arith.constant 144 : index
          %get3A_660 = tpu.vector_load %arg8[%get3A_657, %get3A_658, %get3A_659] {strides = array<i32>} : memref<2x16x256xf32, #tpu.memory_space<vmem>>, vector<16xf32>,
          %add3A_661 = vector.broadcast %and3A_634 : i32 to vector<16xi32>
          %add3A_662 = arith.addi %select_n3A_124, %add3A_661 : vector<16xi32>
          %get3A_663 = arith.constant 0 : i32
          %get3A_664 = arith.index_cast %get3A_663 : i32 to index
          %get3A_665 = arith.index_cast %scan3A_591 : i32 to index
          %get3A_666 = arith.constant 48 : index
          %get3A_667 = tpu.vector_load %arg8[%get3A_664, %get3A_665, %get3A_666] {strides = array<i32>} : memref<2x16x256xf32, #tpu.memory_space<vmem>>, vector<16xf32>,
          %get3A_668 = arith.constant 0 : i32
          %get3A_669 = arith.index_cast %get3A_668 : i32 to index
          %get3A_670 = arith.index_cast %scan3A_591 : i32 to index
          %get3A_671 = arith.constant 160 : index
          %get3A_672 = tpu.vector_load %arg8[%get3A_669, %get3A_670, %get3A_671] {strides = array<i32>} : memref<2x16x256xf32, #tpu.memory_space<vmem>>, vector<16xf32>,
          %add3A_673 = vector.broadcast %and3A_634 : i32 to vector<16xi32>
          %add3A_674 = arith.addi %select_n3A_191, %add3A_673 : vector<16xi32>
          %get3A_675 = arith.constant 0 : i32
          %get3A_676 = arith.index_cast %get3A_675 : i32 to index
          %get3A_677 = arith.index_cast %scan3A_591 : i32 to index
          %get3A_678 = arith.constant 64 : index
          %get3A_679 = tpu.vector_load %arg8[%get3A_676, %get3A_677, %get3A_678] {strides = array<i32>} : memref<2x16x256xf32, #tpu.memory_space<vmem>>, vector<16xf32>,
          %get3A_680 = arith.constant 0 : i32
          %get3A_681 = arith.index_cast %get3A_680 : i32 to index
          %get3A_682 = arith.index_cast %scan3A_591 : i32 to index
          %get3A_683 = arith.constant 176 : index
          %get3A_684 = tpu.vector_load %arg8[%get3A_681, %get3A_682, %get3A_683] {strides = array<i32>} : memref<2x16x256xf32, #tpu.memory_space<vmem>>, vector<16xf32>,
          %add3A_685 = vector.broadcast %and3A_634 : i32 to vector<16xi32>
          %add3A_686 = arith.addi %select_n3A_258, %add3A_685 : vector<16xi32>
          %get3A_687 = arith.constant 0 : i32
          %get3A_688 = arith.index_cast %get3A_687 : i32 to index
          %get3A_689 = arith.index_cast %scan3A_591 : i32 to index
          %get3A_690 = arith.constant 80 : index
          %get3A_691 = tpu.vector_load %arg8[%get3A_688, %get3A_689, %get3A_690] {strides = array<i32>} : memref<2x16x256xf32, #tpu.memory_space<vmem>>, vector<16xf32>,
          %get3A_692 = arith.constant 0 : i32
          %get3A_693 = arith.index_cast %get3A_692 : i32 to index
          %get3A_694 = arith.index_cast %scan3A_591 : i32 to index
          %get3A_695 = arith.constant 192 : index
          %get3A_696 = tpu.vector_load %arg8[%get3A_693, %get3A_694, %get3A_695] {strides = array<i32>} : memref<2x16x256xf32, #tpu.memory_space<vmem>>, vector<16xf32>,
          %add3A_697 = vector.broadcast %and3A_634 : i32 to vector<16xi32>
          %add3A_698 = arith.addi %select_n3A_325, %add3A_697 : vector<16xi32>
          %get3A_699 = arith.constant 0 : i32
          %get3A_700 = arith.index_cast %get3A_699 : i32 to index
          %get3A_701 = arith.index_cast %scan3A_591 : i32 to index
          %get3A_702 = arith.constant 96 : index
          %get3A_703 = tpu.vector_load %arg8[%get3A_700, %get3A_701, %get3A_702] {strides = array<i32>} : memref<2x16x256xf32, #tpu.memory_space<vmem>>, vector<16xf32>,
          %get3A_704 = arith.constant 0 : i32
          %get3A_705 = arith.index_cast %get3A_704 : i32 to index
          %get3A_706 = arith.index_cast %scan3A_591 : i32 to index
          %get3A_707 = arith.constant 208 : index
          %get3A_708 = tpu.vector_load %arg8[%get3A_705, %get3A_706, %get3A_707] {strides = array<i32>} : memref<2x16x256xf32, #tpu.memory_space<vmem>>, vector<16xf32>,
          %add3A_709 = vector.broadcast %and3A_634 : i32 to vector<16xi32>
          %add3A_710 = arith.addi %select_n3A_392, %add3A_709 : vector<16xi32>
          %get3A_711 = arith.constant 0 : i32
          %get3A_712 = arith.index_cast %get3A_711 : i32 to index
          %get3A_713 = arith.index_cast %scan3A_591 : i32 to index
          %get3A_714 = arith.constant 112 : index
          %get3A_715 = tpu.vector_load %arg8[%get3A_712, %get3A_713, %get3A_714] {strides = array<i32>} : memref<2x16x256xf32, #tpu.memory_space<vmem>>, vector<16xf32>,
          %get3A_716 = arith.constant 0 : i32
          %get3A_717 = arith.index_cast %get3A_716 : i32 to index
          %get3A_718 = arith.index_cast %scan3A_591 : i32 to index
          %get3A_719 = arith.constant 224 : index
          %get3A_720 = tpu.vector_load %arg8[%get3A_717, %get3A_718, %get3A_719] {strides = array<i32>} : memref<2x16x256xf32, #tpu.memory_space<vmem>>, vector<16xf32>,
          %add3A_721 = vector.broadcast %and3A_634 : i32 to vector<16xi32>
          %add3A_722 = arith.addi %select_n3A_459, %add3A_721 : vector<16xi32>
          %while3A_723 = arith.constant 0 : i32
          %while3A_724 = arith.subi %min3A, %max3A : i32
          %while3A_725 = arith.addi %max3A, %while3A_724 : i32
          %while3A_726 = arith.constant 1 : i32
          %while3A_727 = arith.divsi %while3A_724, %while3A_726 : i32
          %while3A_728 = arith.muli %while3A_727, %while3A_726 : i32
          %while3A_729 = arith.addi %max3A, %while3A_728 : i32
          %while3A_730 = arith.constant 1 : i32
          scf.for %while3A_732 = %max3A to %while3A_729 step %while3A_730  : i32 {
            %broadcast_in_dim3A_733 = vector.broadcast %while3A_732 : i32 to vector<16xi32>
            %convert_element_type3A_734 = arith.sitofp %broadcast_in_dim3A_733 : vector<16xi32> to vector<16xf32>
            %sub3A_735 = arith.subf %convert_element_type3A_734, %gather3A_619 : vector<16xf32>
            %mul3A_736 = arith.mulf %gather3A_607, %sub3A_735 : vector<16xf32>
            %mul3A_737 = arith.mulf %mul3A_736, %sub3A_735 : vector<16xf32>
            %sub3A_738 = arith.subi %while3A_732, %mul3A_2 : i32
            %mul3A_739 = arith.constant 16384 : i32
            %mul3A_740 = arith.muli %sub3A_738, %mul3A_739 : i32
            %add3A_741 = arith.addf %mul3A_737, %get3A_643 : vector<16xf32>
            %mul3A_742 = arith.mulf %sub3A_735, %get3A_648 : vector<16xf32>
            %add3A_743 = arith.addf %add3A_741, %mul3A_742 : vector<16xf32>
            %exp3A = math.exp %add3A_743 : vector<16xf32>
            %mul3A_744 = arith.mulf %exp3A, %gather3A_631 : vector<16xf32>
            %ge3A = arith.constant -4.500000e+00 : f32
            %ge3A_745 = vector.broadcast %ge3A : f32 to vector<16xf32>
            %ge3A_746 = arith.cmpf oge, %add3A_743, %ge3A_745 : vector<16xf32>
            %jit3A_747 = arith.constant 0.000000e+00 : f32
            %broadcast_in_dim3A_748 = vector.broadcast %jit3A_747 : f32 to vector<16xf32>
            %select_n3A_749 = arith.select %ge3A_746, %mul3A_744, %broadcast_in_dim3A_748 : vector<16xi1>, vector<16xf32>
            %add3A_750 = vector.broadcast %mul3A_740 : i32 to vector<16xi32>
            %add3A_751 = arith.addi %add3A_650, %add3A_750 : vector<16xi32>
            tpu.vector_store_idx %arg5[%add3A_751], %select_n3A_749 masked %lt3A_51 {add = true} : memref<65536xf32, #tpu.memory_space<vmem>>[vector<16xi32>], vector<16xf32>, vector<16xi1>
            %add3A_752 = arith.addf %mul3A_737, %get3A_655 : vector<16xf32>
            %mul3A_753 = arith.mulf %sub3A_735, %get3A_660 : vector<16xf32>
            %add3A_754 = arith.addf %add3A_752, %mul3A_753 : vector<16xf32>
            %exp3A_755 = math.exp %add3A_754 : vector<16xf32>
            %mul3A_756 = arith.mulf %exp3A_755, %gather3A_631 : vector<16xf32>
            %ge3A_757 = arith.constant -4.500000e+00 : f32
            %ge3A_758 = vector.broadcast %ge3A_757 : f32 to vector<16xf32>
            %ge3A_759 = arith.cmpf oge, %add3A_754, %ge3A_758 : vector<16xf32>
            %jit3A_760 = arith.constant 0.000000e+00 : f32
            %broadcast_in_dim3A_761 = vector.broadcast %jit3A_760 : f32 to vector<16xf32>
            %select_n3A_762 = arith.select %ge3A_759, %mul3A_756, %broadcast_in_dim3A_761 : vector<16xi1>, vector<16xf32>
            %add3A_763 = vector.broadcast %mul3A_740 : i32 to vector<16xi32>
            %add3A_764 = arith.addi %add3A_662, %add3A_763 : vector<16xi32>
            tpu.vector_store_idx %arg5[%add3A_764], %select_n3A_762 masked %lt3A_117 {add = true} : memref<65536xf32, #tpu.memory_space<vmem>>[vector<16xi32>], vector<16xf32>, vector<16xi1>
            %add3A_765 = arith.addf %mul3A_737, %get3A_667 : vector<16xf32>
            %mul3A_766 = arith.mulf %sub3A_735, %get3A_672 : vector<16xf32>
            %add3A_767 = arith.addf %add3A_765, %mul3A_766 : vector<16xf32>
            %exp3A_768 = math.exp %add3A_767 : vector<16xf32>
            %mul3A_769 = arith.mulf %exp3A_768, %gather3A_631 : vector<16xf32>
            %ge3A_770 = arith.constant -4.500000e+00 : f32
            %ge3A_771 = vector.broadcast %ge3A_770 : f32 to vector<16xf32>
            %ge3A_772 = arith.cmpf oge, %add3A_767, %ge3A_771 : vector<16xf32>
            %jit3A_773 = arith.constant 0.000000e+00 : f32
            %broadcast_in_dim3A_774 = vector.broadcast %jit3A_773 : f32 to vector<16xf32>
            %select_n3A_775 = arith.select %ge3A_772, %mul3A_769, %broadcast_in_dim3A_774 : vector<16xi1>, vector<16xf32>
            %add3A_776 = vector.broadcast %mul3A_740 : i32 to vector<16xi32>
            %add3A_777 = arith.addi %add3A_674, %add3A_776 : vector<16xi32>
            tpu.vector_store_idx %arg5[%add3A_777], %select_n3A_775 masked %lt3A_184 {add = true} : memref<65536xf32, #tpu.memory_space<vmem>>[vector<16xi32>], vector<16xf32>, vector<16xi1>
            %add3A_778 = arith.addf %mul3A_737, %get3A_679 : vector<16xf32>
            %mul3A_779 = arith.mulf %sub3A_735, %get3A_684 : vector<16xf32>
            %add3A_780 = arith.addf %add3A_778, %mul3A_779 : vector<16xf32>
            %exp3A_781 = math.exp %add3A_780 : vector<16xf32>
            %mul3A_782 = arith.mulf %exp3A_781, %gather3A_631 : vector<16xf32>
            %ge3A_783 = arith.constant -4.500000e+00 : f32
            %ge3A_784 = vector.broadcast %ge3A_783 : f32 to vector<16xf32>
            %ge3A_785 = arith.cmpf oge, %add3A_780, %ge3A_784 : vector<16xf32>
            %jit3A_786 = arith.constant 0.000000e+00 : f32
            %broadcast_in_dim3A_787 = vector.broadcast %jit3A_786 : f32 to vector<16xf32>
            %select_n3A_788 = arith.select %ge3A_785, %mul3A_782, %broadcast_in_dim3A_787 : vector<16xi1>, vector<16xf32>
            %add3A_789 = vector.broadcast %mul3A_740 : i32 to vector<16xi32>
            %add3A_790 = arith.addi %add3A_686, %add3A_789 : vector<16xi32>
            tpu.vector_store_idx %arg5[%add3A_790], %select_n3A_788 masked %lt3A_251 {add = true} : memref<65536xf32, #tpu.memory_space<vmem>>[vector<16xi32>], vector<16xf32>, vector<16xi1>
            %add3A_791 = arith.addf %mul3A_737, %get3A_691 : vector<16xf32>
            %mul3A_792 = arith.mulf %sub3A_735, %get3A_696 : vector<16xf32>
            %add3A_793 = arith.addf %add3A_791, %mul3A_792 : vector<16xf32>
            %exp3A_794 = math.exp %add3A_793 : vector<16xf32>
            %mul3A_795 = arith.mulf %exp3A_794, %gather3A_631 : vector<16xf32>
            %ge3A_796 = arith.constant -4.500000e+00 : f32
            %ge3A_797 = vector.broadcast %ge3A_796 : f32 to vector<16xf32>
            %ge3A_798 = arith.cmpf oge, %add3A_793, %ge3A_797 : vector<16xf32>
            %jit3A_799 = arith.constant 0.000000e+00 : f32
            %broadcast_in_dim3A_800 = vector.broadcast %jit3A_799 : f32 to vector<16xf32>
            %select_n3A_801 = arith.select %ge3A_798, %mul3A_795, %broadcast_in_dim3A_800 : vector<16xi1>, vector<16xf32>
            %add3A_802 = vector.broadcast %mul3A_740 : i32 to vector<16xi32>
            %add3A_803 = arith.addi %add3A_698, %add3A_802 : vector<16xi32>
            tpu.vector_store_idx %arg5[%add3A_803], %select_n3A_801 masked %lt3A_318 {add = true} : memref<65536xf32, #tpu.memory_space<vmem>>[vector<16xi32>], vector<16xf32>, vector<16xi1>
            %add3A_804 = arith.addf %mul3A_737, %get3A_703 : vector<16xf32>
            %mul3A_805 = arith.mulf %sub3A_735, %get3A_708 : vector<16xf32>
            %add3A_806 = arith.addf %add3A_804, %mul3A_805 : vector<16xf32>
            %exp3A_807 = math.exp %add3A_806 : vector<16xf32>
            %mul3A_808 = arith.mulf %exp3A_807, %gather3A_631 : vector<16xf32>
            %ge3A_809 = arith.constant -4.500000e+00 : f32
            %ge3A_810 = vector.broadcast %ge3A_809 : f32 to vector<16xf32>
            %ge3A_811 = arith.cmpf oge, %add3A_806, %ge3A_810 : vector<16xf32>
            %jit3A_812 = arith.constant 0.000000e+00 : f32
            %broadcast_in_dim3A_813 = vector.broadcast %jit3A_812 : f32 to vector<16xf32>
            %select_n3A_814 = arith.select %ge3A_811, %mul3A_808, %broadcast_in_dim3A_813 : vector<16xi1>, vector<16xf32>
            %add3A_815 = vector.broadcast %mul3A_740 : i32 to vector<16xi32>
            %add3A_816 = arith.addi %add3A_710, %add3A_815 : vector<16xi32>
            tpu.vector_store_idx %arg5[%add3A_816], %select_n3A_814 masked %lt3A_385 {add = true} : memref<65536xf32, #tpu.memory_space<vmem>>[vector<16xi32>], vector<16xf32>, vector<16xi1>
            %add3A_817 = arith.addf %mul3A_737, %get3A_715 : vector<16xf32>
            %mul3A_818 = arith.mulf %sub3A_735, %get3A_720 : vector<16xf32>
            %add3A_819 = arith.addf %add3A_817, %mul3A_818 : vector<16xf32>
            %exp3A_820 = math.exp %add3A_819 : vector<16xf32>
            %mul3A_821 = arith.mulf %exp3A_820, %gather3A_631 : vector<16xf32>
            %ge3A_822 = arith.constant -4.500000e+00 : f32
            %ge3A_823 = vector.broadcast %ge3A_822 : f32 to vector<16xf32>
            %ge3A_824 = arith.cmpf oge, %add3A_819, %ge3A_823 : vector<16xf32>
            %jit3A_825 = arith.constant 0.000000e+00 : f32
            %broadcast_in_dim3A_826 = vector.broadcast %jit3A_825 : f32 to vector<16xf32>
            %select_n3A_827 = arith.select %ge3A_824, %mul3A_821, %broadcast_in_dim3A_826 : vector<16xi1>, vector<16xf32>
            %add3A_828 = vector.broadcast %mul3A_740 : i32 to vector<16xi32>
            %add3A_829 = arith.addi %add3A_722, %add3A_828 : vector<16xi32>
            tpu.vector_store_idx %arg5[%add3A_829], %select_n3A_827 masked %lt3A_452 {add = true} : memref<65536xf32, #tpu.memory_space<vmem>>[vector<16xi32>], vector<16xf32>, vector<16xi1>
          }
          %while3A_731 = arith.constant 1 : i32
          scf.for %while3A_732 = %while3A_729 to %while3A_725 step %while3A_731  : i32 {
            %broadcast_in_dim3A_733 = vector.broadcast %while3A_732 : i32 to vector<16xi32>
            %convert_element_type3A_734 = arith.sitofp %broadcast_in_dim3A_733 : vector<16xi32> to vector<16xf32>
            %sub3A_735 = arith.subf %convert_element_type3A_734, %gather3A_619 : vector<16xf32>
            %mul3A_736 = arith.mulf %gather3A_607, %sub3A_735 : vector<16xf32>
            %mul3A_737 = arith.mulf %mul3A_736, %sub3A_735 : vector<16xf32>
            %sub3A_738 = arith.subi %while3A_732, %mul3A_2 : i32
            %mul3A_739 = arith.constant 16384 : i32
            %mul3A_740 = arith.muli %sub3A_738, %mul3A_739 : i32
            %add3A_741 = arith.addf %mul3A_737, %get3A_643 : vector<16xf32>
            %mul3A_742 = arith.mulf %sub3A_735, %get3A_648 : vector<16xf32>
            %add3A_743 = arith.addf %add3A_741, %mul3A_742 : vector<16xf32>
            %exp3A = math.exp %add3A_743 : vector<16xf32>
            %mul3A_744 = arith.mulf %exp3A, %gather3A_631 : vector<16xf32>
            %ge3A = arith.constant -4.500000e+00 : f32
            %ge3A_745 = vector.broadcast %ge3A : f32 to vector<16xf32>
            %ge3A_746 = arith.cmpf oge, %add3A_743, %ge3A_745 : vector<16xf32>
            %jit3A_747 = arith.constant 0.000000e+00 : f32
            %broadcast_in_dim3A_748 = vector.broadcast %jit3A_747 : f32 to vector<16xf32>
            %select_n3A_749 = arith.select %ge3A_746, %mul3A_744, %broadcast_in_dim3A_748 : vector<16xi1>, vector<16xf32>
            %add3A_750 = vector.broadcast %mul3A_740 : i32 to vector<16xi32>
            %add3A_751 = arith.addi %add3A_650, %add3A_750 : vector<16xi32>
            tpu.vector_store_idx %arg5[%add3A_751], %select_n3A_749 masked %lt3A_51 {add = true} : memref<65536xf32, #tpu.memory_space<vmem>>[vector<16xi32>], vector<16xf32>, vector<16xi1>
            %add3A_752 = arith.addf %mul3A_737, %get3A_655 : vector<16xf32>
            %mul3A_753 = arith.mulf %sub3A_735, %get3A_660 : vector<16xf32>
            %add3A_754 = arith.addf %add3A_752, %mul3A_753 : vector<16xf32>
            %exp3A_755 = math.exp %add3A_754 : vector<16xf32>
            %mul3A_756 = arith.mulf %exp3A_755, %gather3A_631 : vector<16xf32>
            %ge3A_757 = arith.constant -4.500000e+00 : f32
            %ge3A_758 = vector.broadcast %ge3A_757 : f32 to vector<16xf32>
            %ge3A_759 = arith.cmpf oge, %add3A_754, %ge3A_758 : vector<16xf32>
            %jit3A_760 = arith.constant 0.000000e+00 : f32
            %broadcast_in_dim3A_761 = vector.broadcast %jit3A_760 : f32 to vector<16xf32>
            %select_n3A_762 = arith.select %ge3A_759, %mul3A_756, %broadcast_in_dim3A_761 : vector<16xi1>, vector<16xf32>
            %add3A_763 = vector.broadcast %mul3A_740 : i32 to vector<16xi32>
            %add3A_764 = arith.addi %add3A_662, %add3A_763 : vector<16xi32>
            tpu.vector_store_idx %arg5[%add3A_764], %select_n3A_762 masked %lt3A_117 {add = true} : memref<65536xf32, #tpu.memory_space<vmem>>[vector<16xi32>], vector<16xf32>, vector<16xi1>
            %add3A_765 = arith.addf %mul3A_737, %get3A_667 : vector<16xf32>
            %mul3A_766 = arith.mulf %sub3A_735, %get3A_672 : vector<16xf32>
            %add3A_767 = arith.addf %add3A_765, %mul3A_766 : vector<16xf32>
            %exp3A_768 = math.exp %add3A_767 : vector<16xf32>
            %mul3A_769 = arith.mulf %exp3A_768, %gather3A_631 : vector<16xf32>
            %ge3A_770 = arith.constant -4.500000e+00 : f32
            %ge3A_771 = vector.broadcast %ge3A_770 : f32 to vector<16xf32>
            %ge3A_772 = arith.cmpf oge, %add3A_767, %ge3A_771 : vector<16xf32>
            %jit3A_773 = arith.constant 0.000000e+00 : f32
            %broadcast_in_dim3A_774 = vector.broadcast %jit3A_773 : f32 to vector<16xf32>
            %select_n3A_775 = arith.select %ge3A_772, %mul3A_769, %broadcast_in_dim3A_774 : vector<16xi1>, vector<16xf32>
            %add3A_776 = vector.broadcast %mul3A_740 : i32 to vector<16xi32>
            %add3A_777 = arith.addi %add3A_674, %add3A_776 : vector<16xi32>
            tpu.vector_store_idx %arg5[%add3A_777], %select_n3A_775 masked %lt3A_184 {add = true} : memref<65536xf32, #tpu.memory_space<vmem>>[vector<16xi32>], vector<16xf32>, vector<16xi1>
            %add3A_778 = arith.addf %mul3A_737, %get3A_679 : vector<16xf32>
            %mul3A_779 = arith.mulf %sub3A_735, %get3A_684 : vector<16xf32>
            %add3A_780 = arith.addf %add3A_778, %mul3A_779 : vector<16xf32>
            %exp3A_781 = math.exp %add3A_780 : vector<16xf32>
            %mul3A_782 = arith.mulf %exp3A_781, %gather3A_631 : vector<16xf32>
            %ge3A_783 = arith.constant -4.500000e+00 : f32
            %ge3A_784 = vector.broadcast %ge3A_783 : f32 to vector<16xf32>
            %ge3A_785 = arith.cmpf oge, %add3A_780, %ge3A_784 : vector<16xf32>
            %jit3A_786 = arith.constant 0.000000e+00 : f32
            %broadcast_in_dim3A_787 = vector.broadcast %jit3A_786 : f32 to vector<16xf32>
            %select_n3A_788 = arith.select %ge3A_785, %mul3A_782, %broadcast_in_dim3A_787 : vector<16xi1>, vector<16xf32>
            %add3A_789 = vector.broadcast %mul3A_740 : i32 to vector<16xi32>
            %add3A_790 = arith.addi %add3A_686, %add3A_789 : vector<16xi32>
            tpu.vector_store_idx %arg5[%add3A_790], %select_n3A_788 masked %lt3A_251 {add = true} : memref<65536xf32, #tpu.memory_space<vmem>>[vector<16xi32>], vector<16xf32>, vector<16xi1>
            %add3A_791 = arith.addf %mul3A_737, %get3A_691 : vector<16xf32>
            %mul3A_792 = arith.mulf %sub3A_735, %get3A_696 : vector<16xf32>
            %add3A_793 = arith.addf %add3A_791, %mul3A_792 : vector<16xf32>
            %exp3A_794 = math.exp %add3A_793 : vector<16xf32>
            %mul3A_795 = arith.mulf %exp3A_794, %gather3A_631 : vector<16xf32>
            %ge3A_796 = arith.constant -4.500000e+00 : f32
            %ge3A_797 = vector.broadcast %ge3A_796 : f32 to vector<16xf32>
            %ge3A_798 = arith.cmpf oge, %add3A_793, %ge3A_797 : vector<16xf32>
            %jit3A_799 = arith.constant 0.000000e+00 : f32
            %broadcast_in_dim3A_800 = vector.broadcast %jit3A_799 : f32 to vector<16xf32>
            %select_n3A_801 = arith.select %ge3A_798, %mul3A_795, %broadcast_in_dim3A_800 : vector<16xi1>, vector<16xf32>
            %add3A_802 = vector.broadcast %mul3A_740 : i32 to vector<16xi32>
            %add3A_803 = arith.addi %add3A_698, %add3A_802 : vector<16xi32>
            tpu.vector_store_idx %arg5[%add3A_803], %select_n3A_801 masked %lt3A_318 {add = true} : memref<65536xf32, #tpu.memory_space<vmem>>[vector<16xi32>], vector<16xf32>, vector<16xi1>
            %add3A_804 = arith.addf %mul3A_737, %get3A_703 : vector<16xf32>
            %mul3A_805 = arith.mulf %sub3A_735, %get3A_708 : vector<16xf32>
            %add3A_806 = arith.addf %add3A_804, %mul3A_805 : vector<16xf32>
            %exp3A_807 = math.exp %add3A_806 : vector<16xf32>
            %mul3A_808 = arith.mulf %exp3A_807, %gather3A_631 : vector<16xf32>
            %ge3A_809 = arith.constant -4.500000e+00 : f32
            %ge3A_810 = vector.broadcast %ge3A_809 : f32 to vector<16xf32>
            %ge3A_811 = arith.cmpf oge, %add3A_806, %ge3A_810 : vector<16xf32>
            %jit3A_812 = arith.constant 0.000000e+00 : f32
            %broadcast_in_dim3A_813 = vector.broadcast %jit3A_812 : f32 to vector<16xf32>
            %select_n3A_814 = arith.select %ge3A_811, %mul3A_808, %broadcast_in_dim3A_813 : vector<16xi1>, vector<16xf32>
            %add3A_815 = vector.broadcast %mul3A_740 : i32 to vector<16xi32>
            %add3A_816 = arith.addi %add3A_710, %add3A_815 : vector<16xi32>
            tpu.vector_store_idx %arg5[%add3A_816], %select_n3A_814 masked %lt3A_385 {add = true} : memref<65536xf32, #tpu.memory_space<vmem>>[vector<16xi32>], vector<16xf32>, vector<16xi1>
            %add3A_817 = arith.addf %mul3A_737, %get3A_715 : vector<16xf32>
            %mul3A_818 = arith.mulf %sub3A_735, %get3A_720 : vector<16xf32>
            %add3A_819 = arith.addf %add3A_817, %mul3A_818 : vector<16xf32>
            %exp3A_820 = math.exp %add3A_819 : vector<16xf32>
            %mul3A_821 = arith.mulf %exp3A_820, %gather3A_631 : vector<16xf32>
            %ge3A_822 = arith.constant -4.500000e+00 : f32
            %ge3A_823 = vector.broadcast %ge3A_822 : f32 to vector<16xf32>
            %ge3A_824 = arith.cmpf oge, %add3A_819, %ge3A_823 : vector<16xf32>
            %jit3A_825 = arith.constant 0.000000e+00 : f32
            %broadcast_in_dim3A_826 = vector.broadcast %jit3A_825 : f32 to vector<16xf32>
            %select_n3A_827 = arith.select %ge3A_824, %mul3A_821, %broadcast_in_dim3A_826 : vector<16xi1>, vector<16xf32>
            %add3A_828 = vector.broadcast %mul3A_740 : i32 to vector<16xi32>
            %add3A_829 = arith.addi %add3A_722, %add3A_828 : vector<16xi32>
            tpu.vector_store_idx %arg5[%add3A_829], %select_n3A_827 masked %lt3A_452 {add = true} : memref<65536xf32, #tpu.memory_space<vmem>>[vector<16xi32>], vector<16xf32>, vector<16xi1>
          }
        }
        %scan3A_590 = arith.constant 16 : i32
      } else {
      }
      %mul3A_561 = arith.constant 2 : i32
      %mul3A_562 = arith.muli %while3A_552, %mul3A_561 : i32
      %add3A_563 = arith.constant 1 : i32
      %add3A_564 = arith.addi %mul3A_562, %add3A_563 : i32
      %lt3A_565 = arith.cmpi slt, %add3A_564, %select_n3A_512 : i32
      %convert_element_type3A_566 = arith.extui %lt3A_565 : i1 to i32
      %cond3A_567 = arith.constant 0 : i32
      %cond3A_568 = arith.cmpi ne, %convert_element_type3A_566, %cond3A_567 : i32
      scf.if %cond3A_568 {
        %add3A_569 = arith.constant 1 : i32
        %add3A_570 = arith.addi %add3A_564, %add3A_569 : i32
        %lt3A_571 = arith.cmpi slt, %add3A_570, %select_n3A_512 : i32
        %convert_element_type3A_572 = arith.extui %lt3A_571 : i1 to i32
        %cond3A_573 = arith.constant 0 : i32
        %cond3A_574 = arith.cmpi ne, %convert_element_type3A_572, %cond3A_573 : i32
        scf.if %cond3A_574 {
          %add3A_591 = arith.constant 1 : i32
          %add3A_592 = arith.addi %add3A_564, %add3A_591 : i32
          %mul3A_593 = arith.constant 16 : i32
          %mul3A_594 = arith.muli %add3A_592, %mul3A_593 : i32
          %get3A_595 = arith.index_cast %mul3A_594 : i32 to index
          %get3A_596 = tpu.vector_load %arg7[%get3A_595] {strides = array<i32>} : memref<8208xi32, #tpu.memory_space<vmem>>, vector<16xi32>,
          %dma_start3A = arith.constant 0 : i32
          %dma_start3A_597 = arith.constant 0 : i32
          %dma_start3A_598 = arith.constant 0 : i32
          %dma_start3A_599 = tpu.memref_slice %arg8[%dma_start3A, %dma_start3A_597, %dma_start3A_598] : memref<2x16x256xf32, #tpu.memory_space<vmem>> -> memref<1x16x256xf32, #tpu.memory_space<vmem>>
          %dma_start3A_600 = tpu.memref_squeeze %dma_start3A_599 : memref<1x16x256xf32, #tpu.memory_space<vmem>> -> memref<16x256xf32, #tpu.memory_space<vmem>>
          %dma_start3A_601 = arith.constant 0 : i32
          %dma_start3A_602 = arith.constant 0 : i32
          %dma_start3A_603 = tpu.memref_slice %arg2[%dma_start3A_601, %dma_start3A_602] : memref<8208x256xf32, #tpu.memory_space<hbm>> -> memref<8208x256xf32, #tpu.memory_space<hbm>>
          tpu.enqueue_indirect_dma source(%dma_start3A_603 : memref<8208x256xf32, #tpu.memory_space<hbm>>) target(%dma_start3A_600 : memref<16x256xf32, #tpu.memory_space<vmem>>) offsets(%get3A_596 : vector<16xi32>) semaphore(%arg9 : memref<!tpu.dma_semaphore, #tpu.memory_space<semaphore_mem>>)
        } else {
        }
        %mul3A_575 = arith.constant 16 : i32
        %mul3A_576 = arith.muli %add3A_564, %mul3A_575 : i32
        %get3A = arith.index_cast %mul3A_576 : i32 to index
        %get3A_577 = tpu.vector_load %arg7[%get3A] {strides = array<i32>} : memref<8208xi32, #tpu.memory_space<vmem>>, vector<16xi32>,
        %dma_wait3A = arith.constant 1 : i32
        %dma_wait3A_578 = arith.constant 0 : i32
        %dma_wait3A_579 = arith.constant 0 : i32
        %dma_wait3A_580 = tpu.memref_slice %arg8[%dma_wait3A, %dma_wait3A_578, %dma_wait3A_579] : memref<2x16x256xf32, #tpu.memory_space<vmem>> -> memref<1x16x256xf32, #tpu.memory_space<vmem>>
        %dma_wait3A_581 = tpu.memref_squeeze %dma_wait3A_580 : memref<1x16x256xf32, #tpu.memory_space<vmem>> -> memref<16x256xf32, #tpu.memory_space<vmem>>
        %dma_wait3A_582 = arith.constant 0 : i32
        %dma_wait3A_583 = arith.constant 0 : i32
        %dma_wait3A_584 = tpu.memref_slice %arg2[%dma_wait3A_582, %dma_wait3A_583] : memref<8208x256xf32, #tpu.memory_space<hbm>> -> memref<8208x256xf32, #tpu.memory_space<hbm>>
        tpu.wait_indirect_dma semaphore(%arg10 : memref<!tpu.dma_semaphore, #tpu.memory_space<semaphore_mem>>) src(%dma_wait3A_584 : memref<8208x256xf32, #tpu.memory_space<hbm>>) dst(%dma_wait3A_581 : memref<16x256xf32, #tpu.memory_space<vmem>>)
        %scan3A_585 = arith.constant 0 : i32
        %scan3A_586 = arith.constant 0 : i32
        %scan3A_587 = arith.constant 16 : i32
        %scan3A_588 = arith.addi %scan3A_586, %scan3A_587 : i32
        %scan3A_589 = arith.constant 1 : i32
        scf.for %scan3A_591 = %scan3A_586 to %scan3A_588 step %scan3A_589  : i32 {
          %get3A_592 = arith.constant 1 : i32
          %get3A_593 = arith.index_cast %get3A_592 : i32 to index
          %get3A_594 = arith.index_cast %scan3A_591 : i32 to index
          %get3A_595 = arith.constant 0 : index
          %get3A_596 = tpu.vector_load %arg8[%get3A_593, %get3A_594, %get3A_595] {strides = array<i32>} : memref<2x16x256xf32, #tpu.memory_space<vmem>>, vector<16xf32>,
          %broadcast_in_dim3A_597 = arith.constant 0 : i32
          %broadcast_in_dim3A_598 = vector.broadcast %broadcast_in_dim3A_597 : i32 to vector<16xi32>
          %lt3A_599 = arith.constant 0 : i32
          %lt3A_600 = vector.broadcast %lt3A_599 : i32 to vector<16xi32>
          %lt3A_601 = arith.cmpi slt, %broadcast_in_dim3A_598, %lt3A_600 : vector<16xi32>
          %add3A_602 = arith.constant 16 : i32
          %add3A_603 = vector.broadcast %add3A_602 : i32 to vector<16xi32>
          %add3A_604 = arith.addi %broadcast_in_dim3A_598, %add3A_603 : vector<16xi32>
          %select_n3A_605 = arith.select %lt3A_601, %add3A_604, %broadcast_in_dim3A_598 : vector<16xi1>, vector<16xi32>
          %broadcast_in_dim3A_606 = vector.shape_cast %select_n3A_605 : vector<16xi32> to vector<16x1xi32>
          %gather3A = vector.shape_cast %broadcast_in_dim3A_606 : vector<16x1xi32> to vector<16xi32>
          %gather3A_607 = tpu.dynamic_gather %get3A_596[%gather3A] in [0] : vector<16xf32>, vector<16xi32> -> vector<16xf32>
          %broadcast_in_dim3A_608 = arith.constant 6 : i32
          %broadcast_in_dim3A_609 = vector.broadcast %broadcast_in_dim3A_608 : i32 to vector<16xi32>
          %lt3A_610 = arith.constant 0 : i32
          %lt3A_611 = vector.broadcast %lt3A_610 : i32 to vector<16xi32>
          %lt3A_612 = arith.cmpi slt, %broadcast_in_dim3A_609, %lt3A_611 : vector<16xi32>
          %add3A_613 = arith.constant 16 : i32
          %add3A_614 = vector.broadcast %add3A_613 : i32 to vector<16xi32>
          %add3A_615 = arith.addi %broadcast_in_dim3A_609, %add3A_614 : vector<16xi32>
          %select_n3A_616 = arith.select %lt3A_612, %add3A_615, %broadcast_in_dim3A_609 : vector<16xi1>, vector<16xi32>
          %broadcast_in_dim3A_617 = vector.shape_cast %select_n3A_616 : vector<16xi32> to vector<16x1xi32>
          %gather3A_618 = vector.shape_cast %broadcast_in_dim3A_617 : vector<16x1xi32> to vector<16xi32>
          %gather3A_619 = tpu.dynamic_gather %get3A_596[%gather3A_618] in [0] : vector<16xf32>, vector<16xi32> -> vector<16xf32>
          %broadcast_in_dim3A_620 = arith.constant 9 : i32
          %broadcast_in_dim3A_621 = vector.broadcast %broadcast_in_dim3A_620 : i32 to vector<16xi32>
          %lt3A_622 = arith.constant 0 : i32
          %lt3A_623 = vector.broadcast %lt3A_622 : i32 to vector<16xi32>
          %lt3A_624 = arith.cmpi slt, %broadcast_in_dim3A_621, %lt3A_623 : vector<16xi32>
          %add3A_625 = arith.constant 16 : i32
          %add3A_626 = vector.broadcast %add3A_625 : i32 to vector<16xi32>
          %add3A_627 = arith.addi %broadcast_in_dim3A_621, %add3A_626 : vector<16xi32>
          %select_n3A_628 = arith.select %lt3A_624, %add3A_627, %broadcast_in_dim3A_621 : vector<16xi1>, vector<16xi32>
          %broadcast_in_dim3A_629 = vector.shape_cast %select_n3A_628 : vector<16xi32> to vector<16x1xi32>
          %gather3A_630 = vector.shape_cast %broadcast_in_dim3A_629 : vector<16x1xi32> to vector<16xi32>
          %gather3A_631 = tpu.dynamic_gather %get3A_596[%gather3A_630] in [0] : vector<16xf32>, vector<16xi32> -> vector<16xf32>
          %bitcast3A = vector.bitcast %get3A_596 : vector<16xf32> to vector<16xi32>
          %slice3A = vector.extract_strided_slice %bitcast3A {offsets = [10], sizes = [1], strides = [1]} : vector<16xi32> to vector<1xi32>
          %squeeze3A = vector.extract %slice3A[0] : i32 from vector<1xi32>
          %shift_right_arithmetic3A = arith.constant 14 : i32
          %shift_right_arithmetic3A_632 = arith.shrsi %squeeze3A, %shift_right_arithmetic3A : i32
          %and3A_633 = arith.constant 16383 : i32
          %and3A_634 = arith.andi %squeeze3A, %and3A_633 : i32
          %max3A = arith.maxsi %shift_right_arithmetic3A_632, %mul3A_2 : i32
          %add3A_635 = arith.constant 10 : i32
          %add3A_636 = arith.addi %shift_right_arithmetic3A_632, %add3A_635 : i32
          %add3A_637 = arith.constant 4 : i32
          %add3A_638 = arith.addi %mul3A_2, %add3A_637 : i32
          %min3A = arith.minsi %add3A_636, %add3A_638 : i32
          %get3A_639 = arith.constant 1 : i32
          %get3A_640 = arith.index_cast %get3A_639 : i32 to index
          %get3A_641 = arith.index_cast %scan3A_591 : i32 to index
          %get3A_642 = arith.constant 16 : index
          %get3A_643 = tpu.vector_load %arg8[%get3A_640, %get3A_641, %get3A_642] {strides = array<i32>} : memref<2x16x256xf32, #tpu.memory_space<vmem>>, vector<16xf32>,
          %get3A_644 = arith.constant 1 : i32
          %get3A_645 = arith.index_cast %get3A_644 : i32 to index
          %get3A_646 = arith.index_cast %scan3A_591 : i32 to index
          %get3A_647 = arith.constant 128 : index
          %get3A_648 = tpu.vector_load %arg8[%get3A_645, %get3A_646, %get3A_647] {strides = array<i32>} : memref<2x16x256xf32, #tpu.memory_space<vmem>>, vector<16xf32>,
          %add3A_649 = vector.broadcast %and3A_634 : i32 to vector<16xi32>
          %add3A_650 = arith.addi %select_n3A_57, %add3A_649 : vector<16xi32>
          %get3A_651 = arith.constant 1 : i32
          %get3A_652 = arith.index_cast %get3A_651 : i32 to index
          %get3A_653 = arith.index_cast %scan3A_591 : i32 to index
          %get3A_654 = arith.constant 32 : index
          %get3A_655 = tpu.vector_load %arg8[%get3A_652, %get3A_653, %get3A_654] {strides = array<i32>} : memref<2x16x256xf32, #tpu.memory_space<vmem>>, vector<16xf32>,
          %get3A_656 = arith.constant 1 : i32
          %get3A_657 = arith.index_cast %get3A_656 : i32 to index
          %get3A_658 = arith.index_cast %scan3A_591 : i32 to index
          %get3A_659 = arith.constant 144 : index
          %get3A_660 = tpu.vector_load %arg8[%get3A_657, %get3A_658, %get3A_659] {strides = array<i32>} : memref<2x16x256xf32, #tpu.memory_space<vmem>>, vector<16xf32>,
          %add3A_661 = vector.broadcast %and3A_634 : i32 to vector<16xi32>
          %add3A_662 = arith.addi %select_n3A_124, %add3A_661 : vector<16xi32>
          %get3A_663 = arith.constant 1 : i32
          %get3A_664 = arith.index_cast %get3A_663 : i32 to index
          %get3A_665 = arith.index_cast %scan3A_591 : i32 to index
          %get3A_666 = arith.constant 48 : index
          %get3A_667 = tpu.vector_load %arg8[%get3A_664, %get3A_665, %get3A_666] {strides = array<i32>} : memref<2x16x256xf32, #tpu.memory_space<vmem>>, vector<16xf32>,
          %get3A_668 = arith.constant 1 : i32
          %get3A_669 = arith.index_cast %get3A_668 : i32 to index
          %get3A_670 = arith.index_cast %scan3A_591 : i32 to index
          %get3A_671 = arith.constant 160 : index
          %get3A_672 = tpu.vector_load %arg8[%get3A_669, %get3A_670, %get3A_671] {strides = array<i32>} : memref<2x16x256xf32, #tpu.memory_space<vmem>>, vector<16xf32>,
          %add3A_673 = vector.broadcast %and3A_634 : i32 to vector<16xi32>
          %add3A_674 = arith.addi %select_n3A_191, %add3A_673 : vector<16xi32>
          %get3A_675 = arith.constant 1 : i32
          %get3A_676 = arith.index_cast %get3A_675 : i32 to index
          %get3A_677 = arith.index_cast %scan3A_591 : i32 to index
          %get3A_678 = arith.constant 64 : index
          %get3A_679 = tpu.vector_load %arg8[%get3A_676, %get3A_677, %get3A_678] {strides = array<i32>} : memref<2x16x256xf32, #tpu.memory_space<vmem>>, vector<16xf32>,
          %get3A_680 = arith.constant 1 : i32
          %get3A_681 = arith.index_cast %get3A_680 : i32 to index
          %get3A_682 = arith.index_cast %scan3A_591 : i32 to index
          %get3A_683 = arith.constant 176 : index
          %get3A_684 = tpu.vector_load %arg8[%get3A_681, %get3A_682, %get3A_683] {strides = array<i32>} : memref<2x16x256xf32, #tpu.memory_space<vmem>>, vector<16xf32>,
          %add3A_685 = vector.broadcast %and3A_634 : i32 to vector<16xi32>
          %add3A_686 = arith.addi %select_n3A_258, %add3A_685 : vector<16xi32>
          %get3A_687 = arith.constant 1 : i32
          %get3A_688 = arith.index_cast %get3A_687 : i32 to index
          %get3A_689 = arith.index_cast %scan3A_591 : i32 to index
          %get3A_690 = arith.constant 80 : index
          %get3A_691 = tpu.vector_load %arg8[%get3A_688, %get3A_689, %get3A_690] {strides = array<i32>} : memref<2x16x256xf32, #tpu.memory_space<vmem>>, vector<16xf32>,
          %get3A_692 = arith.constant 1 : i32
          %get3A_693 = arith.index_cast %get3A_692 : i32 to index
          %get3A_694 = arith.index_cast %scan3A_591 : i32 to index
          %get3A_695 = arith.constant 192 : index
          %get3A_696 = tpu.vector_load %arg8[%get3A_693, %get3A_694, %get3A_695] {strides = array<i32>} : memref<2x16x256xf32, #tpu.memory_space<vmem>>, vector<16xf32>,
          %add3A_697 = vector.broadcast %and3A_634 : i32 to vector<16xi32>
          %add3A_698 = arith.addi %select_n3A_325, %add3A_697 : vector<16xi32>
          %get3A_699 = arith.constant 1 : i32
          %get3A_700 = arith.index_cast %get3A_699 : i32 to index
          %get3A_701 = arith.index_cast %scan3A_591 : i32 to index
          %get3A_702 = arith.constant 96 : index
          %get3A_703 = tpu.vector_load %arg8[%get3A_700, %get3A_701, %get3A_702] {strides = array<i32>} : memref<2x16x256xf32, #tpu.memory_space<vmem>>, vector<16xf32>,
          %get3A_704 = arith.constant 1 : i32
          %get3A_705 = arith.index_cast %get3A_704 : i32 to index
          %get3A_706 = arith.index_cast %scan3A_591 : i32 to index
          %get3A_707 = arith.constant 208 : index
          %get3A_708 = tpu.vector_load %arg8[%get3A_705, %get3A_706, %get3A_707] {strides = array<i32>} : memref<2x16x256xf32, #tpu.memory_space<vmem>>, vector<16xf32>,
          %add3A_709 = vector.broadcast %and3A_634 : i32 to vector<16xi32>
          %add3A_710 = arith.addi %select_n3A_392, %add3A_709 : vector<16xi32>
          %get3A_711 = arith.constant 1 : i32
          %get3A_712 = arith.index_cast %get3A_711 : i32 to index
          %get3A_713 = arith.index_cast %scan3A_591 : i32 to index
          %get3A_714 = arith.constant 112 : index
          %get3A_715 = tpu.vector_load %arg8[%get3A_712, %get3A_713, %get3A_714] {strides = array<i32>} : memref<2x16x256xf32, #tpu.memory_space<vmem>>, vector<16xf32>,
          %get3A_716 = arith.constant 1 : i32
          %get3A_717 = arith.index_cast %get3A_716 : i32 to index
          %get3A_718 = arith.index_cast %scan3A_591 : i32 to index
          %get3A_719 = arith.constant 224 : index
          %get3A_720 = tpu.vector_load %arg8[%get3A_717, %get3A_718, %get3A_719] {strides = array<i32>} : memref<2x16x256xf32, #tpu.memory_space<vmem>>, vector<16xf32>,
          %add3A_721 = vector.broadcast %and3A_634 : i32 to vector<16xi32>
          %add3A_722 = arith.addi %select_n3A_459, %add3A_721 : vector<16xi32>
          %while3A_723 = arith.constant 0 : i32
          %while3A_724 = arith.subi %min3A, %max3A : i32
          %while3A_725 = arith.addi %max3A, %while3A_724 : i32
          %while3A_726 = arith.constant 1 : i32
          %while3A_727 = arith.divsi %while3A_724, %while3A_726 : i32
          %while3A_728 = arith.muli %while3A_727, %while3A_726 : i32
          %while3A_729 = arith.addi %max3A, %while3A_728 : i32
          %while3A_730 = arith.constant 1 : i32
          scf.for %while3A_732 = %max3A to %while3A_729 step %while3A_730  : i32 {
            %broadcast_in_dim3A_733 = vector.broadcast %while3A_732 : i32 to vector<16xi32>
            %convert_element_type3A_734 = arith.sitofp %broadcast_in_dim3A_733 : vector<16xi32> to vector<16xf32>
            %sub3A_735 = arith.subf %convert_element_type3A_734, %gather3A_619 : vector<16xf32>
            %mul3A_736 = arith.mulf %gather3A_607, %sub3A_735 : vector<16xf32>
            %mul3A_737 = arith.mulf %mul3A_736, %sub3A_735 : vector<16xf32>
            %sub3A_738 = arith.subi %while3A_732, %mul3A_2 : i32
            %mul3A_739 = arith.constant 16384 : i32
            %mul3A_740 = arith.muli %sub3A_738, %mul3A_739 : i32
            %add3A_741 = arith.addf %mul3A_737, %get3A_643 : vector<16xf32>
            %mul3A_742 = arith.mulf %sub3A_735, %get3A_648 : vector<16xf32>
            %add3A_743 = arith.addf %add3A_741, %mul3A_742 : vector<16xf32>
            %exp3A = math.exp %add3A_743 : vector<16xf32>
            %mul3A_744 = arith.mulf %exp3A, %gather3A_631 : vector<16xf32>
            %ge3A = arith.constant -4.500000e+00 : f32
            %ge3A_745 = vector.broadcast %ge3A : f32 to vector<16xf32>
            %ge3A_746 = arith.cmpf oge, %add3A_743, %ge3A_745 : vector<16xf32>
            %jit3A_747 = arith.constant 0.000000e+00 : f32
            %broadcast_in_dim3A_748 = vector.broadcast %jit3A_747 : f32 to vector<16xf32>
            %select_n3A_749 = arith.select %ge3A_746, %mul3A_744, %broadcast_in_dim3A_748 : vector<16xi1>, vector<16xf32>
            %add3A_750 = vector.broadcast %mul3A_740 : i32 to vector<16xi32>
            %add3A_751 = arith.addi %add3A_650, %add3A_750 : vector<16xi32>
            tpu.vector_store_idx %arg5[%add3A_751], %select_n3A_749 masked %lt3A_51 {add = true} : memref<65536xf32, #tpu.memory_space<vmem>>[vector<16xi32>], vector<16xf32>, vector<16xi1>
            %add3A_752 = arith.addf %mul3A_737, %get3A_655 : vector<16xf32>
            %mul3A_753 = arith.mulf %sub3A_735, %get3A_660 : vector<16xf32>
            %add3A_754 = arith.addf %add3A_752, %mul3A_753 : vector<16xf32>
            %exp3A_755 = math.exp %add3A_754 : vector<16xf32>
            %mul3A_756 = arith.mulf %exp3A_755, %gather3A_631 : vector<16xf32>
            %ge3A_757 = arith.constant -4.500000e+00 : f32
            %ge3A_758 = vector.broadcast %ge3A_757 : f32 to vector<16xf32>
            %ge3A_759 = arith.cmpf oge, %add3A_754, %ge3A_758 : vector<16xf32>
            %jit3A_760 = arith.constant 0.000000e+00 : f32
            %broadcast_in_dim3A_761 = vector.broadcast %jit3A_760 : f32 to vector<16xf32>
            %select_n3A_762 = arith.select %ge3A_759, %mul3A_756, %broadcast_in_dim3A_761 : vector<16xi1>, vector<16xf32>
            %add3A_763 = vector.broadcast %mul3A_740 : i32 to vector<16xi32>
            %add3A_764 = arith.addi %add3A_662, %add3A_763 : vector<16xi32>
            tpu.vector_store_idx %arg5[%add3A_764], %select_n3A_762 masked %lt3A_117 {add = true} : memref<65536xf32, #tpu.memory_space<vmem>>[vector<16xi32>], vector<16xf32>, vector<16xi1>
            %add3A_765 = arith.addf %mul3A_737, %get3A_667 : vector<16xf32>
            %mul3A_766 = arith.mulf %sub3A_735, %get3A_672 : vector<16xf32>
            %add3A_767 = arith.addf %add3A_765, %mul3A_766 : vector<16xf32>
            %exp3A_768 = math.exp %add3A_767 : vector<16xf32>
            %mul3A_769 = arith.mulf %exp3A_768, %gather3A_631 : vector<16xf32>
            %ge3A_770 = arith.constant -4.500000e+00 : f32
            %ge3A_771 = vector.broadcast %ge3A_770 : f32 to vector<16xf32>
            %ge3A_772 = arith.cmpf oge, %add3A_767, %ge3A_771 : vector<16xf32>
            %jit3A_773 = arith.constant 0.000000e+00 : f32
            %broadcast_in_dim3A_774 = vector.broadcast %jit3A_773 : f32 to vector<16xf32>
            %select_n3A_775 = arith.select %ge3A_772, %mul3A_769, %broadcast_in_dim3A_774 : vector<16xi1>, vector<16xf32>
            %add3A_776 = vector.broadcast %mul3A_740 : i32 to vector<16xi32>
            %add3A_777 = arith.addi %add3A_674, %add3A_776 : vector<16xi32>
            tpu.vector_store_idx %arg5[%add3A_777], %select_n3A_775 masked %lt3A_184 {add = true} : memref<65536xf32, #tpu.memory_space<vmem>>[vector<16xi32>], vector<16xf32>, vector<16xi1>
            %add3A_778 = arith.addf %mul3A_737, %get3A_679 : vector<16xf32>
            %mul3A_779 = arith.mulf %sub3A_735, %get3A_684 : vector<16xf32>
            %add3A_780 = arith.addf %add3A_778, %mul3A_779 : vector<16xf32>
            %exp3A_781 = math.exp %add3A_780 : vector<16xf32>
            %mul3A_782 = arith.mulf %exp3A_781, %gather3A_631 : vector<16xf32>
            %ge3A_783 = arith.constant -4.500000e+00 : f32
            %ge3A_784 = vector.broadcast %ge3A_783 : f32 to vector<16xf32>
            %ge3A_785 = arith.cmpf oge, %add3A_780, %ge3A_784 : vector<16xf32>
            %jit3A_786 = arith.constant 0.000000e+00 : f32
            %broadcast_in_dim3A_787 = vector.broadcast %jit3A_786 : f32 to vector<16xf32>
            %select_n3A_788 = arith.select %ge3A_785, %mul3A_782, %broadcast_in_dim3A_787 : vector<16xi1>, vector<16xf32>
            %add3A_789 = vector.broadcast %mul3A_740 : i32 to vector<16xi32>
            %add3A_790 = arith.addi %add3A_686, %add3A_789 : vector<16xi32>
            tpu.vector_store_idx %arg5[%add3A_790], %select_n3A_788 masked %lt3A_251 {add = true} : memref<65536xf32, #tpu.memory_space<vmem>>[vector<16xi32>], vector<16xf32>, vector<16xi1>
            %add3A_791 = arith.addf %mul3A_737, %get3A_691 : vector<16xf32>
            %mul3A_792 = arith.mulf %sub3A_735, %get3A_696 : vector<16xf32>
            %add3A_793 = arith.addf %add3A_791, %mul3A_792 : vector<16xf32>
            %exp3A_794 = math.exp %add3A_793 : vector<16xf32>
            %mul3A_795 = arith.mulf %exp3A_794, %gather3A_631 : vector<16xf32>
            %ge3A_796 = arith.constant -4.500000e+00 : f32
            %ge3A_797 = vector.broadcast %ge3A_796 : f32 to vector<16xf32>
            %ge3A_798 = arith.cmpf oge, %add3A_793, %ge3A_797 : vector<16xf32>
            %jit3A_799 = arith.constant 0.000000e+00 : f32
            %broadcast_in_dim3A_800 = vector.broadcast %jit3A_799 : f32 to vector<16xf32>
            %select_n3A_801 = arith.select %ge3A_798, %mul3A_795, %broadcast_in_dim3A_800 : vector<16xi1>, vector<16xf32>
            %add3A_802 = vector.broadcast %mul3A_740 : i32 to vector<16xi32>
            %add3A_803 = arith.addi %add3A_698, %add3A_802 : vector<16xi32>
            tpu.vector_store_idx %arg5[%add3A_803], %select_n3A_801 masked %lt3A_318 {add = true} : memref<65536xf32, #tpu.memory_space<vmem>>[vector<16xi32>], vector<16xf32>, vector<16xi1>
            %add3A_804 = arith.addf %mul3A_737, %get3A_703 : vector<16xf32>
            %mul3A_805 = arith.mulf %sub3A_735, %get3A_708 : vector<16xf32>
            %add3A_806 = arith.addf %add3A_804, %mul3A_805 : vector<16xf32>
            %exp3A_807 = math.exp %add3A_806 : vector<16xf32>
            %mul3A_808 = arith.mulf %exp3A_807, %gather3A_631 : vector<16xf32>
            %ge3A_809 = arith.constant -4.500000e+00 : f32
            %ge3A_810 = vector.broadcast %ge3A_809 : f32 to vector<16xf32>
            %ge3A_811 = arith.cmpf oge, %add3A_806, %ge3A_810 : vector<16xf32>
            %jit3A_812 = arith.constant 0.000000e+00 : f32
            %broadcast_in_dim3A_813 = vector.broadcast %jit3A_812 : f32 to vector<16xf32>
            %select_n3A_814 = arith.select %ge3A_811, %mul3A_808, %broadcast_in_dim3A_813 : vector<16xi1>, vector<16xf32>
            %add3A_815 = vector.broadcast %mul3A_740 : i32 to vector<16xi32>
            %add3A_816 = arith.addi %add3A_710, %add3A_815 : vector<16xi32>
            tpu.vector_store_idx %arg5[%add3A_816], %select_n3A_814 masked %lt3A_385 {add = true} : memref<65536xf32, #tpu.memory_space<vmem>>[vector<16xi32>], vector<16xf32>, vector<16xi1>
            %add3A_817 = arith.addf %mul3A_737, %get3A_715 : vector<16xf32>
            %mul3A_818 = arith.mulf %sub3A_735, %get3A_720 : vector<16xf32>
            %add3A_819 = arith.addf %add3A_817, %mul3A_818 : vector<16xf32>
            %exp3A_820 = math.exp %add3A_819 : vector<16xf32>
            %mul3A_821 = arith.mulf %exp3A_820, %gather3A_631 : vector<16xf32>
            %ge3A_822 = arith.constant -4.500000e+00 : f32
            %ge3A_823 = vector.broadcast %ge3A_822 : f32 to vector<16xf32>
            %ge3A_824 = arith.cmpf oge, %add3A_819, %ge3A_823 : vector<16xf32>
            %jit3A_825 = arith.constant 0.000000e+00 : f32
            %broadcast_in_dim3A_826 = vector.broadcast %jit3A_825 : f32 to vector<16xf32>
            %select_n3A_827 = arith.select %ge3A_824, %mul3A_821, %broadcast_in_dim3A_826 : vector<16xi1>, vector<16xf32>
            %add3A_828 = vector.broadcast %mul3A_740 : i32 to vector<16xi32>
            %add3A_829 = arith.addi %add3A_722, %add3A_828 : vector<16xi32>
            tpu.vector_store_idx %arg5[%add3A_829], %select_n3A_827 masked %lt3A_452 {add = true} : memref<65536xf32, #tpu.memory_space<vmem>>[vector<16xi32>], vector<16xf32>, vector<16xi1>
          }
          %while3A_731 = arith.constant 1 : i32
          scf.for %while3A_732 = %while3A_729 to %while3A_725 step %while3A_731  : i32 {
            %broadcast_in_dim3A_733 = vector.broadcast %while3A_732 : i32 to vector<16xi32>
            %convert_element_type3A_734 = arith.sitofp %broadcast_in_dim3A_733 : vector<16xi32> to vector<16xf32>
            %sub3A_735 = arith.subf %convert_element_type3A_734, %gather3A_619 : vector<16xf32>
            %mul3A_736 = arith.mulf %gather3A_607, %sub3A_735 : vector<16xf32>
            %mul3A_737 = arith.mulf %mul3A_736, %sub3A_735 : vector<16xf32>
            %sub3A_738 = arith.subi %while3A_732, %mul3A_2 : i32
            %mul3A_739 = arith.constant 16384 : i32
            %mul3A_740 = arith.muli %sub3A_738, %mul3A_739 : i32
            %add3A_741 = arith.addf %mul3A_737, %get3A_643 : vector<16xf32>
            %mul3A_742 = arith.mulf %sub3A_735, %get3A_648 : vector<16xf32>
            %add3A_743 = arith.addf %add3A_741, %mul3A_742 : vector<16xf32>
            %exp3A = math.exp %add3A_743 : vector<16xf32>
            %mul3A_744 = arith.mulf %exp3A, %gather3A_631 : vector<16xf32>
            %ge3A = arith.constant -4.500000e+00 : f32
            %ge3A_745 = vector.broadcast %ge3A : f32 to vector<16xf32>
            %ge3A_746 = arith.cmpf oge, %add3A_743, %ge3A_745 : vector<16xf32>
            %jit3A_747 = arith.constant 0.000000e+00 : f32
            %broadcast_in_dim3A_748 = vector.broadcast %jit3A_747 : f32 to vector<16xf32>
            %select_n3A_749 = arith.select %ge3A_746, %mul3A_744, %broadcast_in_dim3A_748 : vector<16xi1>, vector<16xf32>
            %add3A_750 = vector.broadcast %mul3A_740 : i32 to vector<16xi32>
            %add3A_751 = arith.addi %add3A_650, %add3A_750 : vector<16xi32>
            tpu.vector_store_idx %arg5[%add3A_751], %select_n3A_749 masked %lt3A_51 {add = true} : memref<65536xf32, #tpu.memory_space<vmem>>[vector<16xi32>], vector<16xf32>, vector<16xi1>
            %add3A_752 = arith.addf %mul3A_737, %get3A_655 : vector<16xf32>
            %mul3A_753 = arith.mulf %sub3A_735, %get3A_660 : vector<16xf32>
            %add3A_754 = arith.addf %add3A_752, %mul3A_753 : vector<16xf32>
            %exp3A_755 = math.exp %add3A_754 : vector<16xf32>
            %mul3A_756 = arith.mulf %exp3A_755, %gather3A_631 : vector<16xf32>
            %ge3A_757 = arith.constant -4.500000e+00 : f32
            %ge3A_758 = vector.broadcast %ge3A_757 : f32 to vector<16xf32>
            %ge3A_759 = arith.cmpf oge, %add3A_754, %ge3A_758 : vector<16xf32>
            %jit3A_760 = arith.constant 0.000000e+00 : f32
            %broadcast_in_dim3A_761 = vector.broadcast %jit3A_760 : f32 to vector<16xf32>
            %select_n3A_762 = arith.select %ge3A_759, %mul3A_756, %broadcast_in_dim3A_761 : vector<16xi1>, vector<16xf32>
            %add3A_763 = vector.broadcast %mul3A_740 : i32 to vector<16xi32>
            %add3A_764 = arith.addi %add3A_662, %add3A_763 : vector<16xi32>
            tpu.vector_store_idx %arg5[%add3A_764], %select_n3A_762 masked %lt3A_117 {add = true} : memref<65536xf32, #tpu.memory_space<vmem>>[vector<16xi32>], vector<16xf32>, vector<16xi1>
            %add3A_765 = arith.addf %mul3A_737, %get3A_667 : vector<16xf32>
            %mul3A_766 = arith.mulf %sub3A_735, %get3A_672 : vector<16xf32>
            %add3A_767 = arith.addf %add3A_765, %mul3A_766 : vector<16xf32>
            %exp3A_768 = math.exp %add3A_767 : vector<16xf32>
            %mul3A_769 = arith.mulf %exp3A_768, %gather3A_631 : vector<16xf32>
            %ge3A_770 = arith.constant -4.500000e+00 : f32
            %ge3A_771 = vector.broadcast %ge3A_770 : f32 to vector<16xf32>
            %ge3A_772 = arith.cmpf oge, %add3A_767, %ge3A_771 : vector<16xf32>
            %jit3A_773 = arith.constant 0.000000e+00 : f32
            %broadcast_in_dim3A_774 = vector.broadcast %jit3A_773 : f32 to vector<16xf32>
            %select_n3A_775 = arith.select %ge3A_772, %mul3A_769, %broadcast_in_dim3A_774 : vector<16xi1>, vector<16xf32>
            %add3A_776 = vector.broadcast %mul3A_740 : i32 to vector<16xi32>
            %add3A_777 = arith.addi %add3A_674, %add3A_776 : vector<16xi32>
            tpu.vector_store_idx %arg5[%add3A_777], %select_n3A_775 masked %lt3A_184 {add = true} : memref<65536xf32, #tpu.memory_space<vmem>>[vector<16xi32>], vector<16xf32>, vector<16xi1>
            %add3A_778 = arith.addf %mul3A_737, %get3A_679 : vector<16xf32>
            %mul3A_779 = arith.mulf %sub3A_735, %get3A_684 : vector<16xf32>
            %add3A_780 = arith.addf %add3A_778, %mul3A_779 : vector<16xf32>
            %exp3A_781 = math.exp %add3A_780 : vector<16xf32>
            %mul3A_782 = arith.mulf %exp3A_781, %gather3A_631 : vector<16xf32>
            %ge3A_783 = arith.constant -4.500000e+00 : f32
            %ge3A_784 = vector.broadcast %ge3A_783 : f32 to vector<16xf32>
            %ge3A_785 = arith.cmpf oge, %add3A_780, %ge3A_784 : vector<16xf32>
            %jit3A_786 = arith.constant 0.000000e+00 : f32
            %broadcast_in_dim3A_787 = vector.broadcast %jit3A_786 : f32 to vector<16xf32>
            %select_n3A_788 = arith.select %ge3A_785, %mul3A_782, %broadcast_in_dim3A_787 : vector<16xi1>, vector<16xf32>
            %add3A_789 = vector.broadcast %mul3A_740 : i32 to vector<16xi32>
            %add3A_790 = arith.addi %add3A_686, %add3A_789 : vector<16xi32>
            tpu.vector_store_idx %arg5[%add3A_790], %select_n3A_788 masked %lt3A_251 {add = true} : memref<65536xf32, #tpu.memory_space<vmem>>[vector<16xi32>], vector<16xf32>, vector<16xi1>
            %add3A_791 = arith.addf %mul3A_737, %get3A_691 : vector<16xf32>
            %mul3A_792 = arith.mulf %sub3A_735, %get3A_696 : vector<16xf32>
            %add3A_793 = arith.addf %add3A_791, %mul3A_792 : vector<16xf32>
            %exp3A_794 = math.exp %add3A_793 : vector<16xf32>
            %mul3A_795 = arith.mulf %exp3A_794, %gather3A_631 : vector<16xf32>
            %ge3A_796 = arith.constant -4.500000e+00 : f32
            %ge3A_797 = vector.broadcast %ge3A_796 : f32 to vector<16xf32>
            %ge3A_798 = arith.cmpf oge, %add3A_793, %ge3A_797 : vector<16xf32>
            %jit3A_799 = arith.constant 0.000000e+00 : f32
            %broadcast_in_dim3A_800 = vector.broadcast %jit3A_799 : f32 to vector<16xf32>
            %select_n3A_801 = arith.select %ge3A_798, %mul3A_795, %broadcast_in_dim3A_800 : vector<16xi1>, vector<16xf32>
            %add3A_802 = vector.broadcast %mul3A_740 : i32 to vector<16xi32>
            %add3A_803 = arith.addi %add3A_698, %add3A_802 : vector<16xi32>
            tpu.vector_store_idx %arg5[%add3A_803], %select_n3A_801 masked %lt3A_318 {add = true} : memref<65536xf32, #tpu.memory_space<vmem>>[vector<16xi32>], vector<16xf32>, vector<16xi1>
            %add3A_804 = arith.addf %mul3A_737, %get3A_703 : vector<16xf32>
            %mul3A_805 = arith.mulf %sub3A_735, %get3A_708 : vector<16xf32>
            %add3A_806 = arith.addf %add3A_804, %mul3A_805 : vector<16xf32>
            %exp3A_807 = math.exp %add3A_806 : vector<16xf32>
            %mul3A_808 = arith.mulf %exp3A_807, %gather3A_631 : vector<16xf32>
            %ge3A_809 = arith.constant -4.500000e+00 : f32
            %ge3A_810 = vector.broadcast %ge3A_809 : f32 to vector<16xf32>
            %ge3A_811 = arith.cmpf oge, %add3A_806, %ge3A_810 : vector<16xf32>
            %jit3A_812 = arith.constant 0.000000e+00 : f32
            %broadcast_in_dim3A_813 = vector.broadcast %jit3A_812 : f32 to vector<16xf32>
            %select_n3A_814 = arith.select %ge3A_811, %mul3A_808, %broadcast_in_dim3A_813 : vector<16xi1>, vector<16xf32>
            %add3A_815 = vector.broadcast %mul3A_740 : i32 to vector<16xi32>
            %add3A_816 = arith.addi %add3A_710, %add3A_815 : vector<16xi32>
            tpu.vector_store_idx %arg5[%add3A_816], %select_n3A_814 masked %lt3A_385 {add = true} : memref<65536xf32, #tpu.memory_space<vmem>>[vector<16xi32>], vector<16xf32>, vector<16xi1>
            %add3A_817 = arith.addf %mul3A_737, %get3A_715 : vector<16xf32>
            %mul3A_818 = arith.mulf %sub3A_735, %get3A_720 : vector<16xf32>
            %add3A_819 = arith.addf %add3A_817, %mul3A_818 : vector<16xf32>
            %exp3A_820 = math.exp %add3A_819 : vector<16xf32>
            %mul3A_821 = arith.mulf %exp3A_820, %gather3A_631 : vector<16xf32>
            %ge3A_822 = arith.constant -4.500000e+00 : f32
            %ge3A_823 = vector.broadcast %ge3A_822 : f32 to vector<16xf32>
            %ge3A_824 = arith.cmpf oge, %add3A_819, %ge3A_823 : vector<16xf32>
            %jit3A_825 = arith.constant 0.000000e+00 : f32
            %broadcast_in_dim3A_826 = vector.broadcast %jit3A_825 : f32 to vector<16xf32>
            %select_n3A_827 = arith.select %ge3A_824, %mul3A_821, %broadcast_in_dim3A_826 : vector<16xi1>, vector<16xf32>
            %add3A_828 = vector.broadcast %mul3A_740 : i32 to vector<16xi32>
            %add3A_829 = arith.addi %add3A_722, %add3A_828 : vector<16xi32>
            tpu.vector_store_idx %arg5[%add3A_829], %select_n3A_827 masked %lt3A_452 {add = true} : memref<65536xf32, #tpu.memory_space<vmem>>[vector<16xi32>], vector<16xf32>, vector<16xi1>
          }
        }
        %scan3A_590 = arith.constant 16 : i32
      } else {
      }
    }
    %while3A_549 = arith.constant 1 : i32
    scf.for %while3A_552 = %while3A_547 to %while3A_543 step %while3A_549  : i32 {
      %mul3A_553 = arith.constant 2 : i32
      %mul3A_554 = arith.muli %while3A_552, %mul3A_553 : i32
      %add3A_555 = arith.constant 0 : i32
      %add3A_556 = arith.addi %mul3A_554, %add3A_555 : i32
      %lt3A_557 = arith.cmpi slt, %add3A_556, %select_n3A_512 : i32
      %convert_element_type3A_558 = arith.extui %lt3A_557 : i1 to i32
      %cond3A_559 = arith.constant 0 : i32
      %cond3A_560 = arith.cmpi ne, %convert_element_type3A_558, %cond3A_559 : i32
      scf.if %cond3A_560 {
        %add3A_569 = arith.constant 1 : i32
        %add3A_570 = arith.addi %add3A_556, %add3A_569 : i32
        %lt3A_571 = arith.cmpi slt, %add3A_570, %select_n3A_512 : i32
        %convert_element_type3A_572 = arith.extui %lt3A_571 : i1 to i32
        %cond3A_573 = arith.constant 0 : i32
        %cond3A_574 = arith.cmpi ne, %convert_element_type3A_572, %cond3A_573 : i32
        scf.if %cond3A_574 {
          %add3A_591 = arith.constant 1 : i32
          %add3A_592 = arith.addi %add3A_556, %add3A_591 : i32
          %mul3A_593 = arith.constant 16 : i32
          %mul3A_594 = arith.muli %add3A_592, %mul3A_593 : i32
          %get3A_595 = arith.index_cast %mul3A_594 : i32 to index
          %get3A_596 = tpu.vector_load %arg7[%get3A_595] {strides = array<i32>} : memref<8208xi32, #tpu.memory_space<vmem>>, vector<16xi32>,
          %dma_start3A = arith.constant 1 : i32
          %dma_start3A_597 = arith.constant 0 : i32
          %dma_start3A_598 = arith.constant 0 : i32
          %dma_start3A_599 = tpu.memref_slice %arg8[%dma_start3A, %dma_start3A_597, %dma_start3A_598] : memref<2x16x256xf32, #tpu.memory_space<vmem>> -> memref<1x16x256xf32, #tpu.memory_space<vmem>>
          %dma_start3A_600 = tpu.memref_squeeze %dma_start3A_599 : memref<1x16x256xf32, #tpu.memory_space<vmem>> -> memref<16x256xf32, #tpu.memory_space<vmem>>
          %dma_start3A_601 = arith.constant 0 : i32
          %dma_start3A_602 = arith.constant 0 : i32
          %dma_start3A_603 = tpu.memref_slice %arg2[%dma_start3A_601, %dma_start3A_602] : memref<8208x256xf32, #tpu.memory_space<hbm>> -> memref<8208x256xf32, #tpu.memory_space<hbm>>
          tpu.enqueue_indirect_dma source(%dma_start3A_603 : memref<8208x256xf32, #tpu.memory_space<hbm>>) target(%dma_start3A_600 : memref<16x256xf32, #tpu.memory_space<vmem>>) offsets(%get3A_596 : vector<16xi32>) semaphore(%arg10 : memref<!tpu.dma_semaphore, #tpu.memory_space<semaphore_mem>>)
        } else {
        }
        %mul3A_575 = arith.constant 16 : i32
        %mul3A_576 = arith.muli %add3A_556, %mul3A_575 : i32
        %get3A = arith.index_cast %mul3A_576 : i32 to index
        %get3A_577 = tpu.vector_load %arg7[%get3A] {strides = array<i32>} : memref<8208xi32, #tpu.memory_space<vmem>>, vector<16xi32>,
        %dma_wait3A = arith.constant 0 : i32
        %dma_wait3A_578 = arith.constant 0 : i32
        %dma_wait3A_579 = arith.constant 0 : i32
        %dma_wait3A_580 = tpu.memref_slice %arg8[%dma_wait3A, %dma_wait3A_578, %dma_wait3A_579] : memref<2x16x256xf32, #tpu.memory_space<vmem>> -> memref<1x16x256xf32, #tpu.memory_space<vmem>>
        %dma_wait3A_581 = tpu.memref_squeeze %dma_wait3A_580 : memref<1x16x256xf32, #tpu.memory_space<vmem>> -> memref<16x256xf32, #tpu.memory_space<vmem>>
        %dma_wait3A_582 = arith.constant 0 : i32
        %dma_wait3A_583 = arith.constant 0 : i32
        %dma_wait3A_584 = tpu.memref_slice %arg2[%dma_wait3A_582, %dma_wait3A_583] : memref<8208x256xf32, #tpu.memory_space<hbm>> -> memref<8208x256xf32, #tpu.memory_space<hbm>>
        tpu.wait_indirect_dma semaphore(%arg9 : memref<!tpu.dma_semaphore, #tpu.memory_space<semaphore_mem>>) src(%dma_wait3A_584 : memref<8208x256xf32, #tpu.memory_space<hbm>>) dst(%dma_wait3A_581 : memref<16x256xf32, #tpu.memory_space<vmem>>)
        %scan3A_585 = arith.constant 0 : i32
        %scan3A_586 = arith.constant 0 : i32
        %scan3A_587 = arith.constant 16 : i32
        %scan3A_588 = arith.addi %scan3A_586, %scan3A_587 : i32
        %scan3A_589 = arith.constant 1 : i32
        scf.for %scan3A_591 = %scan3A_586 to %scan3A_588 step %scan3A_589  : i32 {
          %get3A_592 = arith.constant 0 : i32
          %get3A_593 = arith.index_cast %get3A_592 : i32 to index
          %get3A_594 = arith.index_cast %scan3A_591 : i32 to index
          %get3A_595 = arith.constant 0 : index
          %get3A_596 = tpu.vector_load %arg8[%get3A_593, %get3A_594, %get3A_595] {strides = array<i32>} : memref<2x16x256xf32, #tpu.memory_space<vmem>>, vector<16xf32>,
          %broadcast_in_dim3A_597 = arith.constant 0 : i32
          %broadcast_in_dim3A_598 = vector.broadcast %broadcast_in_dim3A_597 : i32 to vector<16xi32>
          %lt3A_599 = arith.constant 0 : i32
          %lt3A_600 = vector.broadcast %lt3A_599 : i32 to vector<16xi32>
          %lt3A_601 = arith.cmpi slt, %broadcast_in_dim3A_598, %lt3A_600 : vector<16xi32>
          %add3A_602 = arith.constant 16 : i32
          %add3A_603 = vector.broadcast %add3A_602 : i32 to vector<16xi32>
          %add3A_604 = arith.addi %broadcast_in_dim3A_598, %add3A_603 : vector<16xi32>
          %select_n3A_605 = arith.select %lt3A_601, %add3A_604, %broadcast_in_dim3A_598 : vector<16xi1>, vector<16xi32>
          %broadcast_in_dim3A_606 = vector.shape_cast %select_n3A_605 : vector<16xi32> to vector<16x1xi32>
          %gather3A = vector.shape_cast %broadcast_in_dim3A_606 : vector<16x1xi32> to vector<16xi32>
          %gather3A_607 = tpu.dynamic_gather %get3A_596[%gather3A] in [0] : vector<16xf32>, vector<16xi32> -> vector<16xf32>
          %broadcast_in_dim3A_608 = arith.constant 6 : i32
          %broadcast_in_dim3A_609 = vector.broadcast %broadcast_in_dim3A_608 : i32 to vector<16xi32>
          %lt3A_610 = arith.constant 0 : i32
          %lt3A_611 = vector.broadcast %lt3A_610 : i32 to vector<16xi32>
          %lt3A_612 = arith.cmpi slt, %broadcast_in_dim3A_609, %lt3A_611 : vector<16xi32>
          %add3A_613 = arith.constant 16 : i32
          %add3A_614 = vector.broadcast %add3A_613 : i32 to vector<16xi32>
          %add3A_615 = arith.addi %broadcast_in_dim3A_609, %add3A_614 : vector<16xi32>
          %select_n3A_616 = arith.select %lt3A_612, %add3A_615, %broadcast_in_dim3A_609 : vector<16xi1>, vector<16xi32>
          %broadcast_in_dim3A_617 = vector.shape_cast %select_n3A_616 : vector<16xi32> to vector<16x1xi32>
          %gather3A_618 = vector.shape_cast %broadcast_in_dim3A_617 : vector<16x1xi32> to vector<16xi32>
          %gather3A_619 = tpu.dynamic_gather %get3A_596[%gather3A_618] in [0] : vector<16xf32>, vector<16xi32> -> vector<16xf32>
          %broadcast_in_dim3A_620 = arith.constant 9 : i32
          %broadcast_in_dim3A_621 = vector.broadcast %broadcast_in_dim3A_620 : i32 to vector<16xi32>
          %lt3A_622 = arith.constant 0 : i32
          %lt3A_623 = vector.broadcast %lt3A_622 : i32 to vector<16xi32>
          %lt3A_624 = arith.cmpi slt, %broadcast_in_dim3A_621, %lt3A_623 : vector<16xi32>
          %add3A_625 = arith.constant 16 : i32
          %add3A_626 = vector.broadcast %add3A_625 : i32 to vector<16xi32>
          %add3A_627 = arith.addi %broadcast_in_dim3A_621, %add3A_626 : vector<16xi32>
          %select_n3A_628 = arith.select %lt3A_624, %add3A_627, %broadcast_in_dim3A_621 : vector<16xi1>, vector<16xi32>
          %broadcast_in_dim3A_629 = vector.shape_cast %select_n3A_628 : vector<16xi32> to vector<16x1xi32>
          %gather3A_630 = vector.shape_cast %broadcast_in_dim3A_629 : vector<16x1xi32> to vector<16xi32>
          %gather3A_631 = tpu.dynamic_gather %get3A_596[%gather3A_630] in [0] : vector<16xf32>, vector<16xi32> -> vector<16xf32>
          %bitcast3A = vector.bitcast %get3A_596 : vector<16xf32> to vector<16xi32>
          %slice3A = vector.extract_strided_slice %bitcast3A {offsets = [10], sizes = [1], strides = [1]} : vector<16xi32> to vector<1xi32>
          %squeeze3A = vector.extract %slice3A[0] : i32 from vector<1xi32>
          %shift_right_arithmetic3A = arith.constant 14 : i32
          %shift_right_arithmetic3A_632 = arith.shrsi %squeeze3A, %shift_right_arithmetic3A : i32
          %and3A_633 = arith.constant 16383 : i32
          %and3A_634 = arith.andi %squeeze3A, %and3A_633 : i32
          %max3A = arith.maxsi %shift_right_arithmetic3A_632, %mul3A_2 : i32
          %add3A_635 = arith.constant 10 : i32
          %add3A_636 = arith.addi %shift_right_arithmetic3A_632, %add3A_635 : i32
          %add3A_637 = arith.constant 4 : i32
          %add3A_638 = arith.addi %mul3A_2, %add3A_637 : i32
          %min3A = arith.minsi %add3A_636, %add3A_638 : i32
          %get3A_639 = arith.constant 0 : i32
          %get3A_640 = arith.index_cast %get3A_639 : i32 to index
          %get3A_641 = arith.index_cast %scan3A_591 : i32 to index
          %get3A_642 = arith.constant 16 : index
          %get3A_643 = tpu.vector_load %arg8[%get3A_640, %get3A_641, %get3A_642] {strides = array<i32>} : memref<2x16x256xf32, #tpu.memory_space<vmem>>, vector<16xf32>,
          %get3A_644 = arith.constant 0 : i32
          %get3A_645 = arith.index_cast %get3A_644 : i32 to index
          %get3A_646 = arith.index_cast %scan3A_591 : i32 to index
          %get3A_647 = arith.constant 128 : index
          %get3A_648 = tpu.vector_load %arg8[%get3A_645, %get3A_646, %get3A_647] {strides = array<i32>} : memref<2x16x256xf32, #tpu.memory_space<vmem>>, vector<16xf32>,
          %add3A_649 = vector.broadcast %and3A_634 : i32 to vector<16xi32>
          %add3A_650 = arith.addi %select_n3A_57, %add3A_649 : vector<16xi32>
          %get3A_651 = arith.constant 0 : i32
          %get3A_652 = arith.index_cast %get3A_651 : i32 to index
          %get3A_653 = arith.index_cast %scan3A_591 : i32 to index
          %get3A_654 = arith.constant 32 : index
          %get3A_655 = tpu.vector_load %arg8[%get3A_652, %get3A_653, %get3A_654] {strides = array<i32>} : memref<2x16x256xf32, #tpu.memory_space<vmem>>, vector<16xf32>,
          %get3A_656 = arith.constant 0 : i32
          %get3A_657 = arith.index_cast %get3A_656 : i32 to index
          %get3A_658 = arith.index_cast %scan3A_591 : i32 to index
          %get3A_659 = arith.constant 144 : index
          %get3A_660 = tpu.vector_load %arg8[%get3A_657, %get3A_658, %get3A_659] {strides = array<i32>} : memref<2x16x256xf32, #tpu.memory_space<vmem>>, vector<16xf32>,
          %add3A_661 = vector.broadcast %and3A_634 : i32 to vector<16xi32>
          %add3A_662 = arith.addi %select_n3A_124, %add3A_661 : vector<16xi32>
          %get3A_663 = arith.constant 0 : i32
          %get3A_664 = arith.index_cast %get3A_663 : i32 to index
          %get3A_665 = arith.index_cast %scan3A_591 : i32 to index
          %get3A_666 = arith.constant 48 : index
          %get3A_667 = tpu.vector_load %arg8[%get3A_664, %get3A_665, %get3A_666] {strides = array<i32>} : memref<2x16x256xf32, #tpu.memory_space<vmem>>, vector<16xf32>,
          %get3A_668 = arith.constant 0 : i32
          %get3A_669 = arith.index_cast %get3A_668 : i32 to index
          %get3A_670 = arith.index_cast %scan3A_591 : i32 to index
          %get3A_671 = arith.constant 160 : index
          %get3A_672 = tpu.vector_load %arg8[%get3A_669, %get3A_670, %get3A_671] {strides = array<i32>} : memref<2x16x256xf32, #tpu.memory_space<vmem>>, vector<16xf32>,
          %add3A_673 = vector.broadcast %and3A_634 : i32 to vector<16xi32>
          %add3A_674 = arith.addi %select_n3A_191, %add3A_673 : vector<16xi32>
          %get3A_675 = arith.constant 0 : i32
          %get3A_676 = arith.index_cast %get3A_675 : i32 to index
          %get3A_677 = arith.index_cast %scan3A_591 : i32 to index
          %get3A_678 = arith.constant 64 : index
          %get3A_679 = tpu.vector_load %arg8[%get3A_676, %get3A_677, %get3A_678] {strides = array<i32>} : memref<2x16x256xf32, #tpu.memory_space<vmem>>, vector<16xf32>,
          %get3A_680 = arith.constant 0 : i32
          %get3A_681 = arith.index_cast %get3A_680 : i32 to index
          %get3A_682 = arith.index_cast %scan3A_591 : i32 to index
          %get3A_683 = arith.constant 176 : index
          %get3A_684 = tpu.vector_load %arg8[%get3A_681, %get3A_682, %get3A_683] {strides = array<i32>} : memref<2x16x256xf32, #tpu.memory_space<vmem>>, vector<16xf32>,
          %add3A_685 = vector.broadcast %and3A_634 : i32 to vector<16xi32>
          %add3A_686 = arith.addi %select_n3A_258, %add3A_685 : vector<16xi32>
          %get3A_687 = arith.constant 0 : i32
          %get3A_688 = arith.index_cast %get3A_687 : i32 to index
          %get3A_689 = arith.index_cast %scan3A_591 : i32 to index
          %get3A_690 = arith.constant 80 : index
          %get3A_691 = tpu.vector_load %arg8[%get3A_688, %get3A_689, %get3A_690] {strides = array<i32>} : memref<2x16x256xf32, #tpu.memory_space<vmem>>, vector<16xf32>,
          %get3A_692 = arith.constant 0 : i32
          %get3A_693 = arith.index_cast %get3A_692 : i32 to index
          %get3A_694 = arith.index_cast %scan3A_591 : i32 to index
          %get3A_695 = arith.constant 192 : index
          %get3A_696 = tpu.vector_load %arg8[%get3A_693, %get3A_694, %get3A_695] {strides = array<i32>} : memref<2x16x256xf32, #tpu.memory_space<vmem>>, vector<16xf32>,
          %add3A_697 = vector.broadcast %and3A_634 : i32 to vector<16xi32>
          %add3A_698 = arith.addi %select_n3A_325, %add3A_697 : vector<16xi32>
          %get3A_699 = arith.constant 0 : i32
          %get3A_700 = arith.index_cast %get3A_699 : i32 to index
          %get3A_701 = arith.index_cast %scan3A_591 : i32 to index
          %get3A_702 = arith.constant 96 : index
          %get3A_703 = tpu.vector_load %arg8[%get3A_700, %get3A_701, %get3A_702] {strides = array<i32>} : memref<2x16x256xf32, #tpu.memory_space<vmem>>, vector<16xf32>,
          %get3A_704 = arith.constant 0 : i32
          %get3A_705 = arith.index_cast %get3A_704 : i32 to index
          %get3A_706 = arith.index_cast %scan3A_591 : i32 to index
          %get3A_707 = arith.constant 208 : index
          %get3A_708 = tpu.vector_load %arg8[%get3A_705, %get3A_706, %get3A_707] {strides = array<i32>} : memref<2x16x256xf32, #tpu.memory_space<vmem>>, vector<16xf32>,
          %add3A_709 = vector.broadcast %and3A_634 : i32 to vector<16xi32>
          %add3A_710 = arith.addi %select_n3A_392, %add3A_709 : vector<16xi32>
          %get3A_711 = arith.constant 0 : i32
          %get3A_712 = arith.index_cast %get3A_711 : i32 to index
          %get3A_713 = arith.index_cast %scan3A_591 : i32 to index
          %get3A_714 = arith.constant 112 : index
          %get3A_715 = tpu.vector_load %arg8[%get3A_712, %get3A_713, %get3A_714] {strides = array<i32>} : memref<2x16x256xf32, #tpu.memory_space<vmem>>, vector<16xf32>,
          %get3A_716 = arith.constant 0 : i32
          %get3A_717 = arith.index_cast %get3A_716 : i32 to index
          %get3A_718 = arith.index_cast %scan3A_591 : i32 to index
          %get3A_719 = arith.constant 224 : index
          %get3A_720 = tpu.vector_load %arg8[%get3A_717, %get3A_718, %get3A_719] {strides = array<i32>} : memref<2x16x256xf32, #tpu.memory_space<vmem>>, vector<16xf32>,
          %add3A_721 = vector.broadcast %and3A_634 : i32 to vector<16xi32>
          %add3A_722 = arith.addi %select_n3A_459, %add3A_721 : vector<16xi32>
          %while3A_723 = arith.constant 0 : i32
          %while3A_724 = arith.subi %min3A, %max3A : i32
          %while3A_725 = arith.addi %max3A, %while3A_724 : i32
          %while3A_726 = arith.constant 1 : i32
          %while3A_727 = arith.divsi %while3A_724, %while3A_726 : i32
          %while3A_728 = arith.muli %while3A_727, %while3A_726 : i32
          %while3A_729 = arith.addi %max3A, %while3A_728 : i32
          %while3A_730 = arith.constant 1 : i32
          scf.for %while3A_732 = %max3A to %while3A_729 step %while3A_730  : i32 {
            %broadcast_in_dim3A_733 = vector.broadcast %while3A_732 : i32 to vector<16xi32>
            %convert_element_type3A_734 = arith.sitofp %broadcast_in_dim3A_733 : vector<16xi32> to vector<16xf32>
            %sub3A_735 = arith.subf %convert_element_type3A_734, %gather3A_619 : vector<16xf32>
            %mul3A_736 = arith.mulf %gather3A_607, %sub3A_735 : vector<16xf32>
            %mul3A_737 = arith.mulf %mul3A_736, %sub3A_735 : vector<16xf32>
            %sub3A_738 = arith.subi %while3A_732, %mul3A_2 : i32
            %mul3A_739 = arith.constant 16384 : i32
            %mul3A_740 = arith.muli %sub3A_738, %mul3A_739 : i32
            %add3A_741 = arith.addf %mul3A_737, %get3A_643 : vector<16xf32>
            %mul3A_742 = arith.mulf %sub3A_735, %get3A_648 : vector<16xf32>
            %add3A_743 = arith.addf %add3A_741, %mul3A_742 : vector<16xf32>
            %exp3A = math.exp %add3A_743 : vector<16xf32>
            %mul3A_744 = arith.mulf %exp3A, %gather3A_631 : vector<16xf32>
            %ge3A = arith.constant -4.500000e+00 : f32
            %ge3A_745 = vector.broadcast %ge3A : f32 to vector<16xf32>
            %ge3A_746 = arith.cmpf oge, %add3A_743, %ge3A_745 : vector<16xf32>
            %jit3A_747 = arith.constant 0.000000e+00 : f32
            %broadcast_in_dim3A_748 = vector.broadcast %jit3A_747 : f32 to vector<16xf32>
            %select_n3A_749 = arith.select %ge3A_746, %mul3A_744, %broadcast_in_dim3A_748 : vector<16xi1>, vector<16xf32>
            %add3A_750 = vector.broadcast %mul3A_740 : i32 to vector<16xi32>
            %add3A_751 = arith.addi %add3A_650, %add3A_750 : vector<16xi32>
            tpu.vector_store_idx %arg5[%add3A_751], %select_n3A_749 masked %lt3A_51 {add = true} : memref<65536xf32, #tpu.memory_space<vmem>>[vector<16xi32>], vector<16xf32>, vector<16xi1>
            %add3A_752 = arith.addf %mul3A_737, %get3A_655 : vector<16xf32>
            %mul3A_753 = arith.mulf %sub3A_735, %get3A_660 : vector<16xf32>
            %add3A_754 = arith.addf %add3A_752, %mul3A_753 : vector<16xf32>
            %exp3A_755 = math.exp %add3A_754 : vector<16xf32>
            %mul3A_756 = arith.mulf %exp3A_755, %gather3A_631 : vector<16xf32>
            %ge3A_757 = arith.constant -4.500000e+00 : f32
            %ge3A_758 = vector.broadcast %ge3A_757 : f32 to vector<16xf32>
            %ge3A_759 = arith.cmpf oge, %add3A_754, %ge3A_758 : vector<16xf32>
            %jit3A_760 = arith.constant 0.000000e+00 : f32
            %broadcast_in_dim3A_761 = vector.broadcast %jit3A_760 : f32 to vector<16xf32>
            %select_n3A_762 = arith.select %ge3A_759, %mul3A_756, %broadcast_in_dim3A_761 : vector<16xi1>, vector<16xf32>
            %add3A_763 = vector.broadcast %mul3A_740 : i32 to vector<16xi32>
            %add3A_764 = arith.addi %add3A_662, %add3A_763 : vector<16xi32>
            tpu.vector_store_idx %arg5[%add3A_764], %select_n3A_762 masked %lt3A_117 {add = true} : memref<65536xf32, #tpu.memory_space<vmem>>[vector<16xi32>], vector<16xf32>, vector<16xi1>
            %add3A_765 = arith.addf %mul3A_737, %get3A_667 : vector<16xf32>
            %mul3A_766 = arith.mulf %sub3A_735, %get3A_672 : vector<16xf32>
            %add3A_767 = arith.addf %add3A_765, %mul3A_766 : vector<16xf32>
            %exp3A_768 = math.exp %add3A_767 : vector<16xf32>
            %mul3A_769 = arith.mulf %exp3A_768, %gather3A_631 : vector<16xf32>
            %ge3A_770 = arith.constant -4.500000e+00 : f32
            %ge3A_771 = vector.broadcast %ge3A_770 : f32 to vector<16xf32>
            %ge3A_772 = arith.cmpf oge, %add3A_767, %ge3A_771 : vector<16xf32>
            %jit3A_773 = arith.constant 0.000000e+00 : f32
            %broadcast_in_dim3A_774 = vector.broadcast %jit3A_773 : f32 to vector<16xf32>
            %select_n3A_775 = arith.select %ge3A_772, %mul3A_769, %broadcast_in_dim3A_774 : vector<16xi1>, vector<16xf32>
            %add3A_776 = vector.broadcast %mul3A_740 : i32 to vector<16xi32>
            %add3A_777 = arith.addi %add3A_674, %add3A_776 : vector<16xi32>
            tpu.vector_store_idx %arg5[%add3A_777], %select_n3A_775 masked %lt3A_184 {add = true} : memref<65536xf32, #tpu.memory_space<vmem>>[vector<16xi32>], vector<16xf32>, vector<16xi1>
            %add3A_778 = arith.addf %mul3A_737, %get3A_679 : vector<16xf32>
            %mul3A_779 = arith.mulf %sub3A_735, %get3A_684 : vector<16xf32>
            %add3A_780 = arith.addf %add3A_778, %mul3A_779 : vector<16xf32>
            %exp3A_781 = math.exp %add3A_780 : vector<16xf32>
            %mul3A_782 = arith.mulf %exp3A_781, %gather3A_631 : vector<16xf32>
            %ge3A_783 = arith.constant -4.500000e+00 : f32
            %ge3A_784 = vector.broadcast %ge3A_783 : f32 to vector<16xf32>
            %ge3A_785 = arith.cmpf oge, %add3A_780, %ge3A_784 : vector<16xf32>
            %jit3A_786 = arith.constant 0.000000e+00 : f32
            %broadcast_in_dim3A_787 = vector.broadcast %jit3A_786 : f32 to vector<16xf32>
            %select_n3A_788 = arith.select %ge3A_785, %mul3A_782, %broadcast_in_dim3A_787 : vector<16xi1>, vector<16xf32>
            %add3A_789 = vector.broadcast %mul3A_740 : i32 to vector<16xi32>
            %add3A_790 = arith.addi %add3A_686, %add3A_789 : vector<16xi32>
            tpu.vector_store_idx %arg5[%add3A_790], %select_n3A_788 masked %lt3A_251 {add = true} : memref<65536xf32, #tpu.memory_space<vmem>>[vector<16xi32>], vector<16xf32>, vector<16xi1>
            %add3A_791 = arith.addf %mul3A_737, %get3A_691 : vector<16xf32>
            %mul3A_792 = arith.mulf %sub3A_735, %get3A_696 : vector<16xf32>
            %add3A_793 = arith.addf %add3A_791, %mul3A_792 : vector<16xf32>
            %exp3A_794 = math.exp %add3A_793 : vector<16xf32>
            %mul3A_795 = arith.mulf %exp3A_794, %gather3A_631 : vector<16xf32>
            %ge3A_796 = arith.constant -4.500000e+00 : f32
            %ge3A_797 = vector.broadcast %ge3A_796 : f32 to vector<16xf32>
            %ge3A_798 = arith.cmpf oge, %add3A_793, %ge3A_797 : vector<16xf32>
            %jit3A_799 = arith.constant 0.000000e+00 : f32
            %broadcast_in_dim3A_800 = vector.broadcast %jit3A_799 : f32 to vector<16xf32>
            %select_n3A_801 = arith.select %ge3A_798, %mul3A_795, %broadcast_in_dim3A_800 : vector<16xi1>, vector<16xf32>
            %add3A_802 = vector.broadcast %mul3A_740 : i32 to vector<16xi32>
            %add3A_803 = arith.addi %add3A_698, %add3A_802 : vector<16xi32>
            tpu.vector_store_idx %arg5[%add3A_803], %select_n3A_801 masked %lt3A_318 {add = true} : memref<65536xf32, #tpu.memory_space<vmem>>[vector<16xi32>], vector<16xf32>, vector<16xi1>
            %add3A_804 = arith.addf %mul3A_737, %get3A_703 : vector<16xf32>
            %mul3A_805 = arith.mulf %sub3A_735, %get3A_708 : vector<16xf32>
            %add3A_806 = arith.addf %add3A_804, %mul3A_805 : vector<16xf32>
            %exp3A_807 = math.exp %add3A_806 : vector<16xf32>
            %mul3A_808 = arith.mulf %exp3A_807, %gather3A_631 : vector<16xf32>
            %ge3A_809 = arith.constant -4.500000e+00 : f32
            %ge3A_810 = vector.broadcast %ge3A_809 : f32 to vector<16xf32>
            %ge3A_811 = arith.cmpf oge, %add3A_806, %ge3A_810 : vector<16xf32>
            %jit3A_812 = arith.constant 0.000000e+00 : f32
            %broadcast_in_dim3A_813 = vector.broadcast %jit3A_812 : f32 to vector<16xf32>
            %select_n3A_814 = arith.select %ge3A_811, %mul3A_808, %broadcast_in_dim3A_813 : vector<16xi1>, vector<16xf32>
            %add3A_815 = vector.broadcast %mul3A_740 : i32 to vector<16xi32>
            %add3A_816 = arith.addi %add3A_710, %add3A_815 : vector<16xi32>
            tpu.vector_store_idx %arg5[%add3A_816], %select_n3A_814 masked %lt3A_385 {add = true} : memref<65536xf32, #tpu.memory_space<vmem>>[vector<16xi32>], vector<16xf32>, vector<16xi1>
            %add3A_817 = arith.addf %mul3A_737, %get3A_715 : vector<16xf32>
            %mul3A_818 = arith.mulf %sub3A_735, %get3A_720 : vector<16xf32>
            %add3A_819 = arith.addf %add3A_817, %mul3A_818 : vector<16xf32>
            %exp3A_820 = math.exp %add3A_819 : vector<16xf32>
            %mul3A_821 = arith.mulf %exp3A_820, %gather3A_631 : vector<16xf32>
            %ge3A_822 = arith.constant -4.500000e+00 : f32
            %ge3A_823 = vector.broadcast %ge3A_822 : f32 to vector<16xf32>
            %ge3A_824 = arith.cmpf oge, %add3A_819, %ge3A_823 : vector<16xf32>
            %jit3A_825 = arith.constant 0.000000e+00 : f32
            %broadcast_in_dim3A_826 = vector.broadcast %jit3A_825 : f32 to vector<16xf32>
            %select_n3A_827 = arith.select %ge3A_824, %mul3A_821, %broadcast_in_dim3A_826 : vector<16xi1>, vector<16xf32>
            %add3A_828 = vector.broadcast %mul3A_740 : i32 to vector<16xi32>
            %add3A_829 = arith.addi %add3A_722, %add3A_828 : vector<16xi32>
            tpu.vector_store_idx %arg5[%add3A_829], %select_n3A_827 masked %lt3A_452 {add = true} : memref<65536xf32, #tpu.memory_space<vmem>>[vector<16xi32>], vector<16xf32>, vector<16xi1>
          }
          %while3A_731 = arith.constant 1 : i32
          scf.for %while3A_732 = %while3A_729 to %while3A_725 step %while3A_731  : i32 {
            %broadcast_in_dim3A_733 = vector.broadcast %while3A_732 : i32 to vector<16xi32>
            %convert_element_type3A_734 = arith.sitofp %broadcast_in_dim3A_733 : vector<16xi32> to vector<16xf32>
            %sub3A_735 = arith.subf %convert_element_type3A_734, %gather3A_619 : vector<16xf32>
            %mul3A_736 = arith.mulf %gather3A_607, %sub3A_735 : vector<16xf32>
            %mul3A_737 = arith.mulf %mul3A_736, %sub3A_735 : vector<16xf32>
            %sub3A_738 = arith.subi %while3A_732, %mul3A_2 : i32
            %mul3A_739 = arith.constant 16384 : i32
            %mul3A_740 = arith.muli %sub3A_738, %mul3A_739 : i32
            %add3A_741 = arith.addf %mul3A_737, %get3A_643 : vector<16xf32>
            %mul3A_742 = arith.mulf %sub3A_735, %get3A_648 : vector<16xf32>
            %add3A_743 = arith.addf %add3A_741, %mul3A_742 : vector<16xf32>
            %exp3A = math.exp %add3A_743 : vector<16xf32>
            %mul3A_744 = arith.mulf %exp3A, %gather3A_631 : vector<16xf32>
            %ge3A = arith.constant -4.500000e+00 : f32
            %ge3A_745 = vector.broadcast %ge3A : f32 to vector<16xf32>
            %ge3A_746 = arith.cmpf oge, %add3A_743, %ge3A_745 : vector<16xf32>
            %jit3A_747 = arith.constant 0.000000e+00 : f32
            %broadcast_in_dim3A_748 = vector.broadcast %jit3A_747 : f32 to vector<16xf32>
            %select_n3A_749 = arith.select %ge3A_746, %mul3A_744, %broadcast_in_dim3A_748 : vector<16xi1>, vector<16xf32>
            %add3A_750 = vector.broadcast %mul3A_740 : i32 to vector<16xi32>
            %add3A_751 = arith.addi %add3A_650, %add3A_750 : vector<16xi32>
            tpu.vector_store_idx %arg5[%add3A_751], %select_n3A_749 masked %lt3A_51 {add = true} : memref<65536xf32, #tpu.memory_space<vmem>>[vector<16xi32>], vector<16xf32>, vector<16xi1>
            %add3A_752 = arith.addf %mul3A_737, %get3A_655 : vector<16xf32>
            %mul3A_753 = arith.mulf %sub3A_735, %get3A_660 : vector<16xf32>
            %add3A_754 = arith.addf %add3A_752, %mul3A_753 : vector<16xf32>
            %exp3A_755 = math.exp %add3A_754 : vector<16xf32>
            %mul3A_756 = arith.mulf %exp3A_755, %gather3A_631 : vector<16xf32>
            %ge3A_757 = arith.constant -4.500000e+00 : f32
            %ge3A_758 = vector.broadcast %ge3A_757 : f32 to vector<16xf32>
            %ge3A_759 = arith.cmpf oge, %add3A_754, %ge3A_758 : vector<16xf32>
            %jit3A_760 = arith.constant 0.000000e+00 : f32
            %broadcast_in_dim3A_761 = vector.broadcast %jit3A_760 : f32 to vector<16xf32>
            %select_n3A_762 = arith.select %ge3A_759, %mul3A_756, %broadcast_in_dim3A_761 : vector<16xi1>, vector<16xf32>
            %add3A_763 = vector.broadcast %mul3A_740 : i32 to vector<16xi32>
            %add3A_764 = arith.addi %add3A_662, %add3A_763 : vector<16xi32>
            tpu.vector_store_idx %arg5[%add3A_764], %select_n3A_762 masked %lt3A_117 {add = true} : memref<65536xf32, #tpu.memory_space<vmem>>[vector<16xi32>], vector<16xf32>, vector<16xi1>
            %add3A_765 = arith.addf %mul3A_737, %get3A_667 : vector<16xf32>
            %mul3A_766 = arith.mulf %sub3A_735, %get3A_672 : vector<16xf32>
            %add3A_767 = arith.addf %add3A_765, %mul3A_766 : vector<16xf32>
            %exp3A_768 = math.exp %add3A_767 : vector<16xf32>
            %mul3A_769 = arith.mulf %exp3A_768, %gather3A_631 : vector<16xf32>
            %ge3A_770 = arith.constant -4.500000e+00 : f32
            %ge3A_771 = vector.broadcast %ge3A_770 : f32 to vector<16xf32>
            %ge3A_772 = arith.cmpf oge, %add3A_767, %ge3A_771 : vector<16xf32>
            %jit3A_773 = arith.constant 0.000000e+00 : f32
            %broadcast_in_dim3A_774 = vector.broadcast %jit3A_773 : f32 to vector<16xf32>
            %select_n3A_775 = arith.select %ge3A_772, %mul3A_769, %broadcast_in_dim3A_774 : vector<16xi1>, vector<16xf32>
            %add3A_776 = vector.broadcast %mul3A_740 : i32 to vector<16xi32>
            %add3A_777 = arith.addi %add3A_674, %add3A_776 : vector<16xi32>
            tpu.vector_store_idx %arg5[%add3A_777], %select_n3A_775 masked %lt3A_184 {add = true} : memref<65536xf32, #tpu.memory_space<vmem>>[vector<16xi32>], vector<16xf32>, vector<16xi1>
            %add3A_778 = arith.addf %mul3A_737, %get3A_679 : vector<16xf32>
            %mul3A_779 = arith.mulf %sub3A_735, %get3A_684 : vector<16xf32>
            %add3A_780 = arith.addf %add3A_778, %mul3A_779 : vector<16xf32>
            %exp3A_781 = math.exp %add3A_780 : vector<16xf32>
            %mul3A_782 = arith.mulf %exp3A_781, %gather3A_631 : vector<16xf32>
            %ge3A_783 = arith.constant -4.500000e+00 : f32
            %ge3A_784 = vector.broadcast %ge3A_783 : f32 to vector<16xf32>
            %ge3A_785 = arith.cmpf oge, %add3A_780, %ge3A_784 : vector<16xf32>
            %jit3A_786 = arith.constant 0.000000e+00 : f32
            %broadcast_in_dim3A_787 = vector.broadcast %jit3A_786 : f32 to vector<16xf32>
            %select_n3A_788 = arith.select %ge3A_785, %mul3A_782, %broadcast_in_dim3A_787 : vector<16xi1>, vector<16xf32>
            %add3A_789 = vector.broadcast %mul3A_740 : i32 to vector<16xi32>
            %add3A_790 = arith.addi %add3A_686, %add3A_789 : vector<16xi32>
            tpu.vector_store_idx %arg5[%add3A_790], %select_n3A_788 masked %lt3A_251 {add = true} : memref<65536xf32, #tpu.memory_space<vmem>>[vector<16xi32>], vector<16xf32>, vector<16xi1>
            %add3A_791 = arith.addf %mul3A_737, %get3A_691 : vector<16xf32>
            %mul3A_792 = arith.mulf %sub3A_735, %get3A_696 : vector<16xf32>
            %add3A_793 = arith.addf %add3A_791, %mul3A_792 : vector<16xf32>
            %exp3A_794 = math.exp %add3A_793 : vector<16xf32>
            %mul3A_795 = arith.mulf %exp3A_794, %gather3A_631 : vector<16xf32>
            %ge3A_796 = arith.constant -4.500000e+00 : f32
            %ge3A_797 = vector.broadcast %ge3A_796 : f32 to vector<16xf32>
            %ge3A_798 = arith.cmpf oge, %add3A_793, %ge3A_797 : vector<16xf32>
            %jit3A_799 = arith.constant 0.000000e+00 : f32
            %broadcast_in_dim3A_800 = vector.broadcast %jit3A_799 : f32 to vector<16xf32>
            %select_n3A_801 = arith.select %ge3A_798, %mul3A_795, %broadcast_in_dim3A_800 : vector<16xi1>, vector<16xf32>
            %add3A_802 = vector.broadcast %mul3A_740 : i32 to vector<16xi32>
            %add3A_803 = arith.addi %add3A_698, %add3A_802 : vector<16xi32>
            tpu.vector_store_idx %arg5[%add3A_803], %select_n3A_801 masked %lt3A_318 {add = true} : memref<65536xf32, #tpu.memory_space<vmem>>[vector<16xi32>], vector<16xf32>, vector<16xi1>
            %add3A_804 = arith.addf %mul3A_737, %get3A_703 : vector<16xf32>
            %mul3A_805 = arith.mulf %sub3A_735, %get3A_708 : vector<16xf32>
            %add3A_806 = arith.addf %add3A_804, %mul3A_805 : vector<16xf32>
            %exp3A_807 = math.exp %add3A_806 : vector<16xf32>
            %mul3A_808 = arith.mulf %exp3A_807, %gather3A_631 : vector<16xf32>
            %ge3A_809 = arith.constant -4.500000e+00 : f32
            %ge3A_810 = vector.broadcast %ge3A_809 : f32 to vector<16xf32>
            %ge3A_811 = arith.cmpf oge, %add3A_806, %ge3A_810 : vector<16xf32>
            %jit3A_812 = arith.constant 0.000000e+00 : f32
            %broadcast_in_dim3A_813 = vector.broadcast %jit3A_812 : f32 to vector<16xf32>
            %select_n3A_814 = arith.select %ge3A_811, %mul3A_808, %broadcast_in_dim3A_813 : vector<16xi1>, vector<16xf32>
            %add3A_815 = vector.broadcast %mul3A_740 : i32 to vector<16xi32>
            %add3A_816 = arith.addi %add3A_710, %add3A_815 : vector<16xi32>
            tpu.vector_store_idx %arg5[%add3A_816], %select_n3A_814 masked %lt3A_385 {add = true} : memref<65536xf32, #tpu.memory_space<vmem>>[vector<16xi32>], vector<16xf32>, vector<16xi1>
            %add3A_817 = arith.addf %mul3A_737, %get3A_715 : vector<16xf32>
            %mul3A_818 = arith.mulf %sub3A_735, %get3A_720 : vector<16xf32>
            %add3A_819 = arith.addf %add3A_817, %mul3A_818 : vector<16xf32>
            %exp3A_820 = math.exp %add3A_819 : vector<16xf32>
            %mul3A_821 = arith.mulf %exp3A_820, %gather3A_631 : vector<16xf32>
            %ge3A_822 = arith.constant -4.500000e+00 : f32
            %ge3A_823 = vector.broadcast %ge3A_822 : f32 to vector<16xf32>
            %ge3A_824 = arith.cmpf oge, %add3A_819, %ge3A_823 : vector<16xf32>
            %jit3A_825 = arith.constant 0.000000e+00 : f32
            %broadcast_in_dim3A_826 = vector.broadcast %jit3A_825 : f32 to vector<16xf32>
            %select_n3A_827 = arith.select %ge3A_824, %mul3A_821, %broadcast_in_dim3A_826 : vector<16xi1>, vector<16xf32>
            %add3A_828 = vector.broadcast %mul3A_740 : i32 to vector<16xi32>
            %add3A_829 = arith.addi %add3A_722, %add3A_828 : vector<16xi32>
            tpu.vector_store_idx %arg5[%add3A_829], %select_n3A_827 masked %lt3A_452 {add = true} : memref<65536xf32, #tpu.memory_space<vmem>>[vector<16xi32>], vector<16xf32>, vector<16xi1>
          }
        }
        %scan3A_590 = arith.constant 16 : i32
      } else {
      }
      %mul3A_561 = arith.constant 2 : i32
      %mul3A_562 = arith.muli %while3A_552, %mul3A_561 : i32
      %add3A_563 = arith.constant 1 : i32
      %add3A_564 = arith.addi %mul3A_562, %add3A_563 : i32
      %lt3A_565 = arith.cmpi slt, %add3A_564, %select_n3A_512 : i32
      %convert_element_type3A_566 = arith.extui %lt3A_565 : i1 to i32
      %cond3A_567 = arith.constant 0 : i32
      %cond3A_568 = arith.cmpi ne, %convert_element_type3A_566, %cond3A_567 : i32
      scf.if %cond3A_568 {
        %add3A_569 = arith.constant 1 : i32
        %add3A_570 = arith.addi %add3A_564, %add3A_569 : i32
        %lt3A_571 = arith.cmpi slt, %add3A_570, %select_n3A_512 : i32
        %convert_element_type3A_572 = arith.extui %lt3A_571 : i1 to i32
        %cond3A_573 = arith.constant 0 : i32
        %cond3A_574 = arith.cmpi ne, %convert_element_type3A_572, %cond3A_573 : i32
        scf.if %cond3A_574 {
          %add3A_591 = arith.constant 1 : i32
          %add3A_592 = arith.addi %add3A_564, %add3A_591 : i32
          %mul3A_593 = arith.constant 16 : i32
          %mul3A_594 = arith.muli %add3A_592, %mul3A_593 : i32
          %get3A_595 = arith.index_cast %mul3A_594 : i32 to index
          %get3A_596 = tpu.vector_load %arg7[%get3A_595] {strides = array<i32>} : memref<8208xi32, #tpu.memory_space<vmem>>, vector<16xi32>,
          %dma_start3A = arith.constant 0 : i32
          %dma_start3A_597 = arith.constant 0 : i32
          %dma_start3A_598 = arith.constant 0 : i32
          %dma_start3A_599 = tpu.memref_slice %arg8[%dma_start3A, %dma_start3A_597, %dma_start3A_598] : memref<2x16x256xf32, #tpu.memory_space<vmem>> -> memref<1x16x256xf32, #tpu.memory_space<vmem>>
          %dma_start3A_600 = tpu.memref_squeeze %dma_start3A_599 : memref<1x16x256xf32, #tpu.memory_space<vmem>> -> memref<16x256xf32, #tpu.memory_space<vmem>>
          %dma_start3A_601 = arith.constant 0 : i32
          %dma_start3A_602 = arith.constant 0 : i32
          %dma_start3A_603 = tpu.memref_slice %arg2[%dma_start3A_601, %dma_start3A_602] : memref<8208x256xf32, #tpu.memory_space<hbm>> -> memref<8208x256xf32, #tpu.memory_space<hbm>>
          tpu.enqueue_indirect_dma source(%dma_start3A_603 : memref<8208x256xf32, #tpu.memory_space<hbm>>) target(%dma_start3A_600 : memref<16x256xf32, #tpu.memory_space<vmem>>) offsets(%get3A_596 : vector<16xi32>) semaphore(%arg9 : memref<!tpu.dma_semaphore, #tpu.memory_space<semaphore_mem>>)
        } else {
        }
        %mul3A_575 = arith.constant 16 : i32
        %mul3A_576 = arith.muli %add3A_564, %mul3A_575 : i32
        %get3A = arith.index_cast %mul3A_576 : i32 to index
        %get3A_577 = tpu.vector_load %arg7[%get3A] {strides = array<i32>} : memref<8208xi32, #tpu.memory_space<vmem>>, vector<16xi32>,
        %dma_wait3A = arith.constant 1 : i32
        %dma_wait3A_578 = arith.constant 0 : i32
        %dma_wait3A_579 = arith.constant 0 : i32
        %dma_wait3A_580 = tpu.memref_slice %arg8[%dma_wait3A, %dma_wait3A_578, %dma_wait3A_579] : memref<2x16x256xf32, #tpu.memory_space<vmem>> -> memref<1x16x256xf32, #tpu.memory_space<vmem>>
        %dma_wait3A_581 = tpu.memref_squeeze %dma_wait3A_580 : memref<1x16x256xf32, #tpu.memory_space<vmem>> -> memref<16x256xf32, #tpu.memory_space<vmem>>
        %dma_wait3A_582 = arith.constant 0 : i32
        %dma_wait3A_583 = arith.constant 0 : i32
        %dma_wait3A_584 = tpu.memref_slice %arg2[%dma_wait3A_582, %dma_wait3A_583] : memref<8208x256xf32, #tpu.memory_space<hbm>> -> memref<8208x256xf32, #tpu.memory_space<hbm>>
        tpu.wait_indirect_dma semaphore(%arg10 : memref<!tpu.dma_semaphore, #tpu.memory_space<semaphore_mem>>) src(%dma_wait3A_584 : memref<8208x256xf32, #tpu.memory_space<hbm>>) dst(%dma_wait3A_581 : memref<16x256xf32, #tpu.memory_space<vmem>>)
        %scan3A_585 = arith.constant 0 : i32
        %scan3A_586 = arith.constant 0 : i32
        %scan3A_587 = arith.constant 16 : i32
        %scan3A_588 = arith.addi %scan3A_586, %scan3A_587 : i32
        %scan3A_589 = arith.constant 1 : i32
        scf.for %scan3A_591 = %scan3A_586 to %scan3A_588 step %scan3A_589  : i32 {
          %get3A_592 = arith.constant 1 : i32
          %get3A_593 = arith.index_cast %get3A_592 : i32 to index
          %get3A_594 = arith.index_cast %scan3A_591 : i32 to index
          %get3A_595 = arith.constant 0 : index
          %get3A_596 = tpu.vector_load %arg8[%get3A_593, %get3A_594, %get3A_595] {strides = array<i32>} : memref<2x16x256xf32, #tpu.memory_space<vmem>>, vector<16xf32>,
          %broadcast_in_dim3A_597 = arith.constant 0 : i32
          %broadcast_in_dim3A_598 = vector.broadcast %broadcast_in_dim3A_597 : i32 to vector<16xi32>
          %lt3A_599 = arith.constant 0 : i32
          %lt3A_600 = vector.broadcast %lt3A_599 : i32 to vector<16xi32>
          %lt3A_601 = arith.cmpi slt, %broadcast_in_dim3A_598, %lt3A_600 : vector<16xi32>
          %add3A_602 = arith.constant 16 : i32
          %add3A_603 = vector.broadcast %add3A_602 : i32 to vector<16xi32>
          %add3A_604 = arith.addi %broadcast_in_dim3A_598, %add3A_603 : vector<16xi32>
          %select_n3A_605 = arith.select %lt3A_601, %add3A_604, %broadcast_in_dim3A_598 : vector<16xi1>, vector<16xi32>
          %broadcast_in_dim3A_606 = vector.shape_cast %select_n3A_605 : vector<16xi32> to vector<16x1xi32>
          %gather3A = vector.shape_cast %broadcast_in_dim3A_606 : vector<16x1xi32> to vector<16xi32>
          %gather3A_607 = tpu.dynamic_gather %get3A_596[%gather3A] in [0] : vector<16xf32>, vector<16xi32> -> vector<16xf32>
          %broadcast_in_dim3A_608 = arith.constant 6 : i32
          %broadcast_in_dim3A_609 = vector.broadcast %broadcast_in_dim3A_608 : i32 to vector<16xi32>
          %lt3A_610 = arith.constant 0 : i32
          %lt3A_611 = vector.broadcast %lt3A_610 : i32 to vector<16xi32>
          %lt3A_612 = arith.cmpi slt, %broadcast_in_dim3A_609, %lt3A_611 : vector<16xi32>
          %add3A_613 = arith.constant 16 : i32
          %add3A_614 = vector.broadcast %add3A_613 : i32 to vector<16xi32>
          %add3A_615 = arith.addi %broadcast_in_dim3A_609, %add3A_614 : vector<16xi32>
          %select_n3A_616 = arith.select %lt3A_612, %add3A_615, %broadcast_in_dim3A_609 : vector<16xi1>, vector<16xi32>
          %broadcast_in_dim3A_617 = vector.shape_cast %select_n3A_616 : vector<16xi32> to vector<16x1xi32>
          %gather3A_618 = vector.shape_cast %broadcast_in_dim3A_617 : vector<16x1xi32> to vector<16xi32>
          %gather3A_619 = tpu.dynamic_gather %get3A_596[%gather3A_618] in [0] : vector<16xf32>, vector<16xi32> -> vector<16xf32>
          %broadcast_in_dim3A_620 = arith.constant 9 : i32
          %broadcast_in_dim3A_621 = vector.broadcast %broadcast_in_dim3A_620 : i32 to vector<16xi32>
          %lt3A_622 = arith.constant 0 : i32
          %lt3A_623 = vector.broadcast %lt3A_622 : i32 to vector<16xi32>
          %lt3A_624 = arith.cmpi slt, %broadcast_in_dim3A_621, %lt3A_623 : vector<16xi32>
          %add3A_625 = arith.constant 16 : i32
          %add3A_626 = vector.broadcast %add3A_625 : i32 to vector<16xi32>
          %add3A_627 = arith.addi %broadcast_in_dim3A_621, %add3A_626 : vector<16xi32>
          %select_n3A_628 = arith.select %lt3A_624, %add3A_627, %broadcast_in_dim3A_621 : vector<16xi1>, vector<16xi32>
          %broadcast_in_dim3A_629 = vector.shape_cast %select_n3A_628 : vector<16xi32> to vector<16x1xi32>
          %gather3A_630 = vector.shape_cast %broadcast_in_dim3A_629 : vector<16x1xi32> to vector<16xi32>
          %gather3A_631 = tpu.dynamic_gather %get3A_596[%gather3A_630] in [0] : vector<16xf32>, vector<16xi32> -> vector<16xf32>
          %bitcast3A = vector.bitcast %get3A_596 : vector<16xf32> to vector<16xi32>
          %slice3A = vector.extract_strided_slice %bitcast3A {offsets = [10], sizes = [1], strides = [1]} : vector<16xi32> to vector<1xi32>
          %squeeze3A = vector.extract %slice3A[0] : i32 from vector<1xi32>
          %shift_right_arithmetic3A = arith.constant 14 : i32
          %shift_right_arithmetic3A_632 = arith.shrsi %squeeze3A, %shift_right_arithmetic3A : i32
          %and3A_633 = arith.constant 16383 : i32
          %and3A_634 = arith.andi %squeeze3A, %and3A_633 : i32
          %max3A = arith.maxsi %shift_right_arithmetic3A_632, %mul3A_2 : i32
          %add3A_635 = arith.constant 10 : i32
          %add3A_636 = arith.addi %shift_right_arithmetic3A_632, %add3A_635 : i32
          %add3A_637 = arith.constant 4 : i32
          %add3A_638 = arith.addi %mul3A_2, %add3A_637 : i32
          %min3A = arith.minsi %add3A_636, %add3A_638 : i32
          %get3A_639 = arith.constant 1 : i32
          %get3A_640 = arith.index_cast %get3A_639 : i32 to index
          %get3A_641 = arith.index_cast %scan3A_591 : i32 to index
          %get3A_642 = arith.constant 16 : index
          %get3A_643 = tpu.vector_load %arg8[%get3A_640, %get3A_641, %get3A_642] {strides = array<i32>} : memref<2x16x256xf32, #tpu.memory_space<vmem>>, vector<16xf32>,
          %get3A_644 = arith.constant 1 : i32
          %get3A_645 = arith.index_cast %get3A_644 : i32 to index
          %get3A_646 = arith.index_cast %scan3A_591 : i32 to index
          %get3A_647 = arith.constant 128 : index
          %get3A_648 = tpu.vector_load %arg8[%get3A_645, %get3A_646, %get3A_647] {strides = array<i32>} : memref<2x16x256xf32, #tpu.memory_space<vmem>>, vector<16xf32>,
          %add3A_649 = vector.broadcast %and3A_634 : i32 to vector<16xi32>
          %add3A_650 = arith.addi %select_n3A_57, %add3A_649 : vector<16xi32>
          %get3A_651 = arith.constant 1 : i32
          %get3A_652 = arith.index_cast %get3A_651 : i32 to index
          %get3A_653 = arith.index_cast %scan3A_591 : i32 to index
          %get3A_654 = arith.constant 32 : index
          %get3A_655 = tpu.vector_load %arg8[%get3A_652, %get3A_653, %get3A_654] {strides = array<i32>} : memref<2x16x256xf32, #tpu.memory_space<vmem>>, vector<16xf32>,
          %get3A_656 = arith.constant 1 : i32
          %get3A_657 = arith.index_cast %get3A_656 : i32 to index
          %get3A_658 = arith.index_cast %scan3A_591 : i32 to index
          %get3A_659 = arith.constant 144 : index
          %get3A_660 = tpu.vector_load %arg8[%get3A_657, %get3A_658, %get3A_659] {strides = array<i32>} : memref<2x16x256xf32, #tpu.memory_space<vmem>>, vector<16xf32>,
          %add3A_661 = vector.broadcast %and3A_634 : i32 to vector<16xi32>
          %add3A_662 = arith.addi %select_n3A_124, %add3A_661 : vector<16xi32>
          %get3A_663 = arith.constant 1 : i32
          %get3A_664 = arith.index_cast %get3A_663 : i32 to index
          %get3A_665 = arith.index_cast %scan3A_591 : i32 to index
          %get3A_666 = arith.constant 48 : index
          %get3A_667 = tpu.vector_load %arg8[%get3A_664, %get3A_665, %get3A_666] {strides = array<i32>} : memref<2x16x256xf32, #tpu.memory_space<vmem>>, vector<16xf32>,
          %get3A_668 = arith.constant 1 : i32
          %get3A_669 = arith.index_cast %get3A_668 : i32 to index
          %get3A_670 = arith.index_cast %scan3A_591 : i32 to index
          %get3A_671 = arith.constant 160 : index
          %get3A_672 = tpu.vector_load %arg8[%get3A_669, %get3A_670, %get3A_671] {strides = array<i32>} : memref<2x16x256xf32, #tpu.memory_space<vmem>>, vector<16xf32>,
          %add3A_673 = vector.broadcast %and3A_634 : i32 to vector<16xi32>
          %add3A_674 = arith.addi %select_n3A_191, %add3A_673 : vector<16xi32>
          %get3A_675 = arith.constant 1 : i32
          %get3A_676 = arith.index_cast %get3A_675 : i32 to index
          %get3A_677 = arith.index_cast %scan3A_591 : i32 to index
          %get3A_678 = arith.constant 64 : index
          %get3A_679 = tpu.vector_load %arg8[%get3A_676, %get3A_677, %get3A_678] {strides = array<i32>} : memref<2x16x256xf32, #tpu.memory_space<vmem>>, vector<16xf32>,
          %get3A_680 = arith.constant 1 : i32
          %get3A_681 = arith.index_cast %get3A_680 : i32 to index
          %get3A_682 = arith.index_cast %scan3A_591 : i32 to index
          %get3A_683 = arith.constant 176 : index
          %get3A_684 = tpu.vector_load %arg8[%get3A_681, %get3A_682, %get3A_683] {strides = array<i32>} : memref<2x16x256xf32, #tpu.memory_space<vmem>>, vector<16xf32>,
          %add3A_685 = vector.broadcast %and3A_634 : i32 to vector<16xi32>
          %add3A_686 = arith.addi %select_n3A_258, %add3A_685 : vector<16xi32>
          %get3A_687 = arith.constant 1 : i32
          %get3A_688 = arith.index_cast %get3A_687 : i32 to index
          %get3A_689 = arith.index_cast %scan3A_591 : i32 to index
          %get3A_690 = arith.constant 80 : index
          %get3A_691 = tpu.vector_load %arg8[%get3A_688, %get3A_689, %get3A_690] {strides = array<i32>} : memref<2x16x256xf32, #tpu.memory_space<vmem>>, vector<16xf32>,
          %get3A_692 = arith.constant 1 : i32
          %get3A_693 = arith.index_cast %get3A_692 : i32 to index
          %get3A_694 = arith.index_cast %scan3A_591 : i32 to index
          %get3A_695 = arith.constant 192 : index
          %get3A_696 = tpu.vector_load %arg8[%get3A_693, %get3A_694, %get3A_695] {strides = array<i32>} : memref<2x16x256xf32, #tpu.memory_space<vmem>>, vector<16xf32>,
          %add3A_697 = vector.broadcast %and3A_634 : i32 to vector<16xi32>
          %add3A_698 = arith.addi %select_n3A_325, %add3A_697 : vector<16xi32>
          %get3A_699 = arith.constant 1 : i32
          %get3A_700 = arith.index_cast %get3A_699 : i32 to index
          %get3A_701 = arith.index_cast %scan3A_591 : i32 to index
          %get3A_702 = arith.constant 96 : index
          %get3A_703 = tpu.vector_load %arg8[%get3A_700, %get3A_701, %get3A_702] {strides = array<i32>} : memref<2x16x256xf32, #tpu.memory_space<vmem>>, vector<16xf32>,
          %get3A_704 = arith.constant 1 : i32
          %get3A_705 = arith.index_cast %get3A_704 : i32 to index
          %get3A_706 = arith.index_cast %scan3A_591 : i32 to index
          %get3A_707 = arith.constant 208 : index
          %get3A_708 = tpu.vector_load %arg8[%get3A_705, %get3A_706, %get3A_707] {strides = array<i32>} : memref<2x16x256xf32, #tpu.memory_space<vmem>>, vector<16xf32>,
          %add3A_709 = vector.broadcast %and3A_634 : i32 to vector<16xi32>
          %add3A_710 = arith.addi %select_n3A_392, %add3A_709 : vector<16xi32>
          %get3A_711 = arith.constant 1 : i32
          %get3A_712 = arith.index_cast %get3A_711 : i32 to index
          %get3A_713 = arith.index_cast %scan3A_591 : i32 to index
          %get3A_714 = arith.constant 112 : index
          %get3A_715 = tpu.vector_load %arg8[%get3A_712, %get3A_713, %get3A_714] {strides = array<i32>} : memref<2x16x256xf32, #tpu.memory_space<vmem>>, vector<16xf32>,
          %get3A_716 = arith.constant 1 : i32
          %get3A_717 = arith.index_cast %get3A_716 : i32 to index
          %get3A_718 = arith.index_cast %scan3A_591 : i32 to index
          %get3A_719 = arith.constant 224 : index
          %get3A_720 = tpu.vector_load %arg8[%get3A_717, %get3A_718, %get3A_719] {strides = array<i32>} : memref<2x16x256xf32, #tpu.memory_space<vmem>>, vector<16xf32>,
          %add3A_721 = vector.broadcast %and3A_634 : i32 to vector<16xi32>
          %add3A_722 = arith.addi %select_n3A_459, %add3A_721 : vector<16xi32>
          %while3A_723 = arith.constant 0 : i32
          %while3A_724 = arith.subi %min3A, %max3A : i32
          %while3A_725 = arith.addi %max3A, %while3A_724 : i32
          %while3A_726 = arith.constant 1 : i32
          %while3A_727 = arith.divsi %while3A_724, %while3A_726 : i32
          %while3A_728 = arith.muli %while3A_727, %while3A_726 : i32
          %while3A_729 = arith.addi %max3A, %while3A_728 : i32
          %while3A_730 = arith.constant 1 : i32
          scf.for %while3A_732 = %max3A to %while3A_729 step %while3A_730  : i32 {
            %broadcast_in_dim3A_733 = vector.broadcast %while3A_732 : i32 to vector<16xi32>
            %convert_element_type3A_734 = arith.sitofp %broadcast_in_dim3A_733 : vector<16xi32> to vector<16xf32>
            %sub3A_735 = arith.subf %convert_element_type3A_734, %gather3A_619 : vector<16xf32>
            %mul3A_736 = arith.mulf %gather3A_607, %sub3A_735 : vector<16xf32>
            %mul3A_737 = arith.mulf %mul3A_736, %sub3A_735 : vector<16xf32>
            %sub3A_738 = arith.subi %while3A_732, %mul3A_2 : i32
            %mul3A_739 = arith.constant 16384 : i32
            %mul3A_740 = arith.muli %sub3A_738, %mul3A_739 : i32
            %add3A_741 = arith.addf %mul3A_737, %get3A_643 : vector<16xf32>
            %mul3A_742 = arith.mulf %sub3A_735, %get3A_648 : vector<16xf32>
            %add3A_743 = arith.addf %add3A_741, %mul3A_742 : vector<16xf32>
            %exp3A = math.exp %add3A_743 : vector<16xf32>
            %mul3A_744 = arith.mulf %exp3A, %gather3A_631 : vector<16xf32>
            %ge3A = arith.constant -4.500000e+00 : f32
            %ge3A_745 = vector.broadcast %ge3A : f32 to vector<16xf32>
            %ge3A_746 = arith.cmpf oge, %add3A_743, %ge3A_745 : vector<16xf32>
            %jit3A_747 = arith.constant 0.000000e+00 : f32
            %broadcast_in_dim3A_748 = vector.broadcast %jit3A_747 : f32 to vector<16xf32>
            %select_n3A_749 = arith.select %ge3A_746, %mul3A_744, %broadcast_in_dim3A_748 : vector<16xi1>, vector<16xf32>
            %add3A_750 = vector.broadcast %mul3A_740 : i32 to vector<16xi32>
            %add3A_751 = arith.addi %add3A_650, %add3A_750 : vector<16xi32>
            tpu.vector_store_idx %arg5[%add3A_751], %select_n3A_749 masked %lt3A_51 {add = true} : memref<65536xf32, #tpu.memory_space<vmem>>[vector<16xi32>], vector<16xf32>, vector<16xi1>
            %add3A_752 = arith.addf %mul3A_737, %get3A_655 : vector<16xf32>
            %mul3A_753 = arith.mulf %sub3A_735, %get3A_660 : vector<16xf32>
            %add3A_754 = arith.addf %add3A_752, %mul3A_753 : vector<16xf32>
            %exp3A_755 = math.exp %add3A_754 : vector<16xf32>
            %mul3A_756 = arith.mulf %exp3A_755, %gather3A_631 : vector<16xf32>
            %ge3A_757 = arith.constant -4.500000e+00 : f32
            %ge3A_758 = vector.broadcast %ge3A_757 : f32 to vector<16xf32>
            %ge3A_759 = arith.cmpf oge, %add3A_754, %ge3A_758 : vector<16xf32>
            %jit3A_760 = arith.constant 0.000000e+00 : f32
            %broadcast_in_dim3A_761 = vector.broadcast %jit3A_760 : f32 to vector<16xf32>
            %select_n3A_762 = arith.select %ge3A_759, %mul3A_756, %broadcast_in_dim3A_761 : vector<16xi1>, vector<16xf32>
            %add3A_763 = vector.broadcast %mul3A_740 : i32 to vector<16xi32>
            %add3A_764 = arith.addi %add3A_662, %add3A_763 : vector<16xi32>
            tpu.vector_store_idx %arg5[%add3A_764], %select_n3A_762 masked %lt3A_117 {add = true} : memref<65536xf32, #tpu.memory_space<vmem>>[vector<16xi32>], vector<16xf32>, vector<16xi1>
            %add3A_765 = arith.addf %mul3A_737, %get3A_667 : vector<16xf32>
            %mul3A_766 = arith.mulf %sub3A_735, %get3A_672 : vector<16xf32>
            %add3A_767 = arith.addf %add3A_765, %mul3A_766 : vector<16xf32>
            %exp3A_768 = math.exp %add3A_767 : vector<16xf32>
            %mul3A_769 = arith.mulf %exp3A_768, %gather3A_631 : vector<16xf32>
            %ge3A_770 = arith.constant -4.500000e+00 : f32
            %ge3A_771 = vector.broadcast %ge3A_770 : f32 to vector<16xf32>
            %ge3A_772 = arith.cmpf oge, %add3A_767, %ge3A_771 : vector<16xf32>
            %jit3A_773 = arith.constant 0.000000e+00 : f32
            %broadcast_in_dim3A_774 = vector.broadcast %jit3A_773 : f32 to vector<16xf32>
            %select_n3A_775 = arith.select %ge3A_772, %mul3A_769, %broadcast_in_dim3A_774 : vector<16xi1>, vector<16xf32>
            %add3A_776 = vector.broadcast %mul3A_740 : i32 to vector<16xi32>
            %add3A_777 = arith.addi %add3A_674, %add3A_776 : vector<16xi32>
            tpu.vector_store_idx %arg5[%add3A_777], %select_n3A_775 masked %lt3A_184 {add = true} : memref<65536xf32, #tpu.memory_space<vmem>>[vector<16xi32>], vector<16xf32>, vector<16xi1>
            %add3A_778 = arith.addf %mul3A_737, %get3A_679 : vector<16xf32>
            %mul3A_779 = arith.mulf %sub3A_735, %get3A_684 : vector<16xf32>
            %add3A_780 = arith.addf %add3A_778, %mul3A_779 : vector<16xf32>
            %exp3A_781 = math.exp %add3A_780 : vector<16xf32>
            %mul3A_782 = arith.mulf %exp3A_781, %gather3A_631 : vector<16xf32>
            %ge3A_783 = arith.constant -4.500000e+00 : f32
            %ge3A_784 = vector.broadcast %ge3A_783 : f32 to vector<16xf32>
            %ge3A_785 = arith.cmpf oge, %add3A_780, %ge3A_784 : vector<16xf32>
            %jit3A_786 = arith.constant 0.000000e+00 : f32
            %broadcast_in_dim3A_787 = vector.broadcast %jit3A_786 : f32 to vector<16xf32>
            %select_n3A_788 = arith.select %ge3A_785, %mul3A_782, %broadcast_in_dim3A_787 : vector<16xi1>, vector<16xf32>
            %add3A_789 = vector.broadcast %mul3A_740 : i32 to vector<16xi32>
            %add3A_790 = arith.addi %add3A_686, %add3A_789 : vector<16xi32>
            tpu.vector_store_idx %arg5[%add3A_790], %select_n3A_788 masked %lt3A_251 {add = true} : memref<65536xf32, #tpu.memory_space<vmem>>[vector<16xi32>], vector<16xf32>, vector<16xi1>
            %add3A_791 = arith.addf %mul3A_737, %get3A_691 : vector<16xf32>
            %mul3A_792 = arith.mulf %sub3A_735, %get3A_696 : vector<16xf32>
            %add3A_793 = arith.addf %add3A_791, %mul3A_792 : vector<16xf32>
            %exp3A_794 = math.exp %add3A_793 : vector<16xf32>
            %mul3A_795 = arith.mulf %exp3A_794, %gather3A_631 : vector<16xf32>
            %ge3A_796 = arith.constant -4.500000e+00 : f32
            %ge3A_797 = vector.broadcast %ge3A_796 : f32 to vector<16xf32>
            %ge3A_798 = arith.cmpf oge, %add3A_793, %ge3A_797 : vector<16xf32>
            %jit3A_799 = arith.constant 0.000000e+00 : f32
            %broadcast_in_dim3A_800 = vector.broadcast %jit3A_799 : f32 to vector<16xf32>
            %select_n3A_801 = arith.select %ge3A_798, %mul3A_795, %broadcast_in_dim3A_800 : vector<16xi1>, vector<16xf32>
            %add3A_802 = vector.broadcast %mul3A_740 : i32 to vector<16xi32>
            %add3A_803 = arith.addi %add3A_698, %add3A_802 : vector<16xi32>
            tpu.vector_store_idx %arg5[%add3A_803], %select_n3A_801 masked %lt3A_318 {add = true} : memref<65536xf32, #tpu.memory_space<vmem>>[vector<16xi32>], vector<16xf32>, vector<16xi1>
            %add3A_804 = arith.addf %mul3A_737, %get3A_703 : vector<16xf32>
            %mul3A_805 = arith.mulf %sub3A_735, %get3A_708 : vector<16xf32>
            %add3A_806 = arith.addf %add3A_804, %mul3A_805 : vector<16xf32>
            %exp3A_807 = math.exp %add3A_806 : vector<16xf32>
            %mul3A_808 = arith.mulf %exp3A_807, %gather3A_631 : vector<16xf32>
            %ge3A_809 = arith.constant -4.500000e+00 : f32
            %ge3A_810 = vector.broadcast %ge3A_809 : f32 to vector<16xf32>
            %ge3A_811 = arith.cmpf oge, %add3A_806, %ge3A_810 : vector<16xf32>
            %jit3A_812 = arith.constant 0.000000e+00 : f32
            %broadcast_in_dim3A_813 = vector.broadcast %jit3A_812 : f32 to vector<16xf32>
            %select_n3A_814 = arith.select %ge3A_811, %mul3A_808, %broadcast_in_dim3A_813 : vector<16xi1>, vector<16xf32>
            %add3A_815 = vector.broadcast %mul3A_740 : i32 to vector<16xi32>
            %add3A_816 = arith.addi %add3A_710, %add3A_815 : vector<16xi32>
            tpu.vector_store_idx %arg5[%add3A_816], %select_n3A_814 masked %lt3A_385 {add = true} : memref<65536xf32, #tpu.memory_space<vmem>>[vector<16xi32>], vector<16xf32>, vector<16xi1>
            %add3A_817 = arith.addf %mul3A_737, %get3A_715 : vector<16xf32>
            %mul3A_818 = arith.mulf %sub3A_735, %get3A_720 : vector<16xf32>
            %add3A_819 = arith.addf %add3A_817, %mul3A_818 : vector<16xf32>
            %exp3A_820 = math.exp %add3A_819 : vector<16xf32>
            %mul3A_821 = arith.mulf %exp3A_820, %gather3A_631 : vector<16xf32>
            %ge3A_822 = arith.constant -4.500000e+00 : f32
            %ge3A_823 = vector.broadcast %ge3A_822 : f32 to vector<16xf32>
            %ge3A_824 = arith.cmpf oge, %add3A_819, %ge3A_823 : vector<16xf32>
            %jit3A_825 = arith.constant 0.000000e+00 : f32
            %broadcast_in_dim3A_826 = vector.broadcast %jit3A_825 : f32 to vector<16xf32>
            %select_n3A_827 = arith.select %ge3A_824, %mul3A_821, %broadcast_in_dim3A_826 : vector<16xi1>, vector<16xf32>
            %add3A_828 = vector.broadcast %mul3A_740 : i32 to vector<16xi32>
            %add3A_829 = arith.addi %add3A_722, %add3A_828 : vector<16xi32>
            tpu.vector_store_idx %arg5[%add3A_829], %select_n3A_827 masked %lt3A_452 {add = true} : memref<65536xf32, #tpu.memory_space<vmem>>[vector<16xi32>], vector<16xf32>, vector<16xi1>
          }
          %while3A_731 = arith.constant 1 : i32
          scf.for %while3A_732 = %while3A_729 to %while3A_725 step %while3A_731  : i32 {
            %broadcast_in_dim3A_733 = vector.broadcast %while3A_732 : i32 to vector<16xi32>
            %convert_element_type3A_734 = arith.sitofp %broadcast_in_dim3A_733 : vector<16xi32> to vector<16xf32>
            %sub3A_735 = arith.subf %convert_element_type3A_734, %gather3A_619 : vector<16xf32>
            %mul3A_736 = arith.mulf %gather3A_607, %sub3A_735 : vector<16xf32>
            %mul3A_737 = arith.mulf %mul3A_736, %sub3A_735 : vector<16xf32>
            %sub3A_738 = arith.subi %while3A_732, %mul3A_2 : i32
            %mul3A_739 = arith.constant 16384 : i32
            %mul3A_740 = arith.muli %sub3A_738, %mul3A_739 : i32
            %add3A_741 = arith.addf %mul3A_737, %get3A_643 : vector<16xf32>
            %mul3A_742 = arith.mulf %sub3A_735, %get3A_648 : vector<16xf32>
            %add3A_743 = arith.addf %add3A_741, %mul3A_742 : vector<16xf32>
            %exp3A = math.exp %add3A_743 : vector<16xf32>
            %mul3A_744 = arith.mulf %exp3A, %gather3A_631 : vector<16xf32>
            %ge3A = arith.constant -4.500000e+00 : f32
            %ge3A_745 = vector.broadcast %ge3A : f32 to vector<16xf32>
            %ge3A_746 = arith.cmpf oge, %add3A_743, %ge3A_745 : vector<16xf32>
            %jit3A_747 = arith.constant 0.000000e+00 : f32
            %broadcast_in_dim3A_748 = vector.broadcast %jit3A_747 : f32 to vector<16xf32>
            %select_n3A_749 = arith.select %ge3A_746, %mul3A_744, %broadcast_in_dim3A_748 : vector<16xi1>, vector<16xf32>
            %add3A_750 = vector.broadcast %mul3A_740 : i32 to vector<16xi32>
            %add3A_751 = arith.addi %add3A_650, %add3A_750 : vector<16xi32>
            tpu.vector_store_idx %arg5[%add3A_751], %select_n3A_749 masked %lt3A_51 {add = true} : memref<65536xf32, #tpu.memory_space<vmem>>[vector<16xi32>], vector<16xf32>, vector<16xi1>
            %add3A_752 = arith.addf %mul3A_737, %get3A_655 : vector<16xf32>
            %mul3A_753 = arith.mulf %sub3A_735, %get3A_660 : vector<16xf32>
            %add3A_754 = arith.addf %add3A_752, %mul3A_753 : vector<16xf32>
            %exp3A_755 = math.exp %add3A_754 : vector<16xf32>
            %mul3A_756 = arith.mulf %exp3A_755, %gather3A_631 : vector<16xf32>
            %ge3A_757 = arith.constant -4.500000e+00 : f32
            %ge3A_758 = vector.broadcast %ge3A_757 : f32 to vector<16xf32>
            %ge3A_759 = arith.cmpf oge, %add3A_754, %ge3A_758 : vector<16xf32>
            %jit3A_760 = arith.constant 0.000000e+00 : f32
            %broadcast_in_dim3A_761 = vector.broadcast %jit3A_760 : f32 to vector<16xf32>
            %select_n3A_762 = arith.select %ge3A_759, %mul3A_756, %broadcast_in_dim3A_761 : vector<16xi1>, vector<16xf32>
            %add3A_763 = vector.broadcast %mul3A_740 : i32 to vector<16xi32>
            %add3A_764 = arith.addi %add3A_662, %add3A_763 : vector<16xi32>
            tpu.vector_store_idx %arg5[%add3A_764], %select_n3A_762 masked %lt3A_117 {add = true} : memref<65536xf32, #tpu.memory_space<vmem>>[vector<16xi32>], vector<16xf32>, vector<16xi1>
            %add3A_765 = arith.addf %mul3A_737, %get3A_667 : vector<16xf32>
            %mul3A_766 = arith.mulf %sub3A_735, %get3A_672 : vector<16xf32>
            %add3A_767 = arith.addf %add3A_765, %mul3A_766 : vector<16xf32>
            %exp3A_768 = math.exp %add3A_767 : vector<16xf32>
            %mul3A_769 = arith.mulf %exp3A_768, %gather3A_631 : vector<16xf32>
            %ge3A_770 = arith.constant -4.500000e+00 : f32
            %ge3A_771 = vector.broadcast %ge3A_770 : f32 to vector<16xf32>
            %ge3A_772 = arith.cmpf oge, %add3A_767, %ge3A_771 : vector<16xf32>
            %jit3A_773 = arith.constant 0.000000e+00 : f32
            %broadcast_in_dim3A_774 = vector.broadcast %jit3A_773 : f32 to vector<16xf32>
            %select_n3A_775 = arith.select %ge3A_772, %mul3A_769, %broadcast_in_dim3A_774 : vector<16xi1>, vector<16xf32>
            %add3A_776 = vector.broadcast %mul3A_740 : i32 to vector<16xi32>
            %add3A_777 = arith.addi %add3A_674, %add3A_776 : vector<16xi32>
            tpu.vector_store_idx %arg5[%add3A_777], %select_n3A_775 masked %lt3A_184 {add = true} : memref<65536xf32, #tpu.memory_space<vmem>>[vector<16xi32>], vector<16xf32>, vector<16xi1>
            %add3A_778 = arith.addf %mul3A_737, %get3A_679 : vector<16xf32>
            %mul3A_779 = arith.mulf %sub3A_735, %get3A_684 : vector<16xf32>
            %add3A_780 = arith.addf %add3A_778, %mul3A_779 : vector<16xf32>
            %exp3A_781 = math.exp %add3A_780 : vector<16xf32>
            %mul3A_782 = arith.mulf %exp3A_781, %gather3A_631 : vector<16xf32>
            %ge3A_783 = arith.constant -4.500000e+00 : f32
            %ge3A_784 = vector.broadcast %ge3A_783 : f32 to vector<16xf32>
            %ge3A_785 = arith.cmpf oge, %add3A_780, %ge3A_784 : vector<16xf32>
            %jit3A_786 = arith.constant 0.000000e+00 : f32
            %broadcast_in_dim3A_787 = vector.broadcast %jit3A_786 : f32 to vector<16xf32>
            %select_n3A_788 = arith.select %ge3A_785, %mul3A_782, %broadcast_in_dim3A_787 : vector<16xi1>, vector<16xf32>
            %add3A_789 = vector.broadcast %mul3A_740 : i32 to vector<16xi32>
            %add3A_790 = arith.addi %add3A_686, %add3A_789 : vector<16xi32>
            tpu.vector_store_idx %arg5[%add3A_790], %select_n3A_788 masked %lt3A_251 {add = true} : memref<65536xf32, #tpu.memory_space<vmem>>[vector<16xi32>], vector<16xf32>, vector<16xi1>
            %add3A_791 = arith.addf %mul3A_737, %get3A_691 : vector<16xf32>
            %mul3A_792 = arith.mulf %sub3A_735, %get3A_696 : vector<16xf32>
            %add3A_793 = arith.addf %add3A_791, %mul3A_792 : vector<16xf32>
            %exp3A_794 = math.exp %add3A_793 : vector<16xf32>
            %mul3A_795 = arith.mulf %exp3A_794, %gather3A_631 : vector<16xf32>
            %ge3A_796 = arith.constant -4.500000e+00 : f32
            %ge3A_797 = vector.broadcast %ge3A_796 : f32 to vector<16xf32>
            %ge3A_798 = arith.cmpf oge, %add3A_793, %ge3A_797 : vector<16xf32>
            %jit3A_799 = arith.constant 0.000000e+00 : f32
            %broadcast_in_dim3A_800 = vector.broadcast %jit3A_799 : f32 to vector<16xf32>
            %select_n3A_801 = arith.select %ge3A_798, %mul3A_795, %broadcast_in_dim3A_800 : vector<16xi1>, vector<16xf32>
            %add3A_802 = vector.broadcast %mul3A_740 : i32 to vector<16xi32>
            %add3A_803 = arith.addi %add3A_698, %add3A_802 : vector<16xi32>
            tpu.vector_store_idx %arg5[%add3A_803], %select_n3A_801 masked %lt3A_318 {add = true} : memref<65536xf32, #tpu.memory_space<vmem>>[vector<16xi32>], vector<16xf32>, vector<16xi1>
            %add3A_804 = arith.addf %mul3A_737, %get3A_703 : vector<16xf32>
            %mul3A_805 = arith.mulf %sub3A_735, %get3A_708 : vector<16xf32>
            %add3A_806 = arith.addf %add3A_804, %mul3A_805 : vector<16xf32>
            %exp3A_807 = math.exp %add3A_806 : vector<16xf32>
            %mul3A_808 = arith.mulf %exp3A_807, %gather3A_631 : vector<16xf32>
            %ge3A_809 = arith.constant -4.500000e+00 : f32
            %ge3A_810 = vector.broadcast %ge3A_809 : f32 to vector<16xf32>
            %ge3A_811 = arith.cmpf oge, %add3A_806, %ge3A_810 : vector<16xf32>
            %jit3A_812 = arith.constant 0.000000e+00 : f32
            %broadcast_in_dim3A_813 = vector.broadcast %jit3A_812 : f32 to vector<16xf32>
            %select_n3A_814 = arith.select %ge3A_811, %mul3A_808, %broadcast_in_dim3A_813 : vector<16xi1>, vector<16xf32>
            %add3A_815 = vector.broadcast %mul3A_740 : i32 to vector<16xi32>
            %add3A_816 = arith.addi %add3A_710, %add3A_815 : vector<16xi32>
            tpu.vector_store_idx %arg5[%add3A_816], %select_n3A_814 masked %lt3A_385 {add = true} : memref<65536xf32, #tpu.memory_space<vmem>>[vector<16xi32>], vector<16xf32>, vector<16xi1>
            %add3A_817 = arith.addf %mul3A_737, %get3A_715 : vector<16xf32>
            %mul3A_818 = arith.mulf %sub3A_735, %get3A_720 : vector<16xf32>
            %add3A_819 = arith.addf %add3A_817, %mul3A_818 : vector<16xf32>
            %exp3A_820 = math.exp %add3A_819 : vector<16xf32>
            %mul3A_821 = arith.mulf %exp3A_820, %gather3A_631 : vector<16xf32>
            %ge3A_822 = arith.constant -4.500000e+00 : f32
            %ge3A_823 = vector.broadcast %ge3A_822 : f32 to vector<16xf32>
            %ge3A_824 = arith.cmpf oge, %add3A_819, %ge3A_823 : vector<16xf32>
            %jit3A_825 = arith.constant 0.000000e+00 : f32
            %broadcast_in_dim3A_826 = vector.broadcast %jit3A_825 : f32 to vector<16xf32>
            %select_n3A_827 = arith.select %ge3A_824, %mul3A_821, %broadcast_in_dim3A_826 : vector<16xi1>, vector<16xf32>
            %add3A_828 = vector.broadcast %mul3A_740 : i32 to vector<16xi32>
            %add3A_829 = arith.addi %add3A_722, %add3A_828 : vector<16xi32>
            tpu.vector_store_idx %arg5[%add3A_829], %select_n3A_827 masked %lt3A_452 {add = true} : memref<65536xf32, #tpu.memory_space<vmem>>[vector<16xi32>], vector<16xf32>, vector<16xi1>
          }
        }
        %scan3A_590 = arith.constant 16 : i32
      } else {
      }
    }
    %mul3A_550 = arith.constant 65536 : i32
    %mul3A_551 = arith.muli %add3A, %mul3A_550 : i32
    "tpu.region"() ({
      %run_scoped3A = tpu.sem_alloc : memref<!tpu.dma_semaphore, #tpu.memory_space<semaphore_mem>>
      %dma_start3A = tpu.memref_slice %arg4[%mul3A_551] : memref<2097152xf32, #tpu.memory_space<hbm>> -> memref<65536xf32, #tpu.memory_space<hbm>>
      %dma_start3A_552 = tpu.memref_slice %arg4[%mul3A_551] : memref<2097152xf32, #tpu.memory_space<hbm>> -> memref<65536xf32, #tpu.memory_space<hbm>>
      tpu.enqueue_dma source(%arg5 : memref<65536xf32, #tpu.memory_space<vmem>>) target(%dma_start3A_552 : memref<65536xf32, #tpu.memory_space<hbm>>) target_semaphore(%run_scoped3A : memref<!tpu.dma_semaphore, #tpu.memory_space<semaphore_mem>>)
      %dma_wait3A = tpu.memref_slice %arg4[%mul3A_551] : memref<2097152xf32, #tpu.memory_space<hbm>> -> memref<65536xf32, #tpu.memory_space<hbm>>
      %dma_wait3A_553 = tpu.memref_slice %arg4[%mul3A_551] : memref<2097152xf32, #tpu.memory_space<hbm>> -> memref<65536xf32, #tpu.memory_space<hbm>>
      tpu.wait_dma2 semaphore(%run_scoped3A : memref<!tpu.dma_semaphore, #tpu.memory_space<semaphore_mem>>) src(%arg5 : memref<65536xf32, #tpu.memory_space<vmem>>) dst(%dma_wait3A_553 : memref<65536xf32, #tpu.memory_space<hbm>>)
      tpu.yield
    }) : () -> ()
    return
  }
}

module attributes {stable_mosaic.version = 14 : i64} {
  func.func @_prep_body(%arg0: memref<3x8192xf32, #tpu.memory_space<vmem>>, %arg1: memref<4x8192xf32, #tpu.memory_space<vmem>>, %arg2: memref<3x8192xf32, #tpu.memory_space<vmem>>, %arg3: memref<1x8192xf32, #tpu.memory_space<vmem>>, %arg4: memref<256x8192xf32, #tpu.memory_space<vmem>>, %arg5: memref<1x8192xi32, #tpu.memory_space<vmem>>) attributes {dimension_semantics = [], scalar_prefetch = 0 : i64, scratch_operands = 0 : i64, tpu.core_type = #tpu.core_type<tc>} {
    %get3A = arith.constant 0 : index
    %get3A_0 = arith.constant 0 : index
    %get3A_1 = vector.load %arg0[%get3A, %get3A_0] : memref<3x8192xf32, #tpu.memory_space<vmem>>, vector<1x8192xf32>
    %mul3A = arith.constant 1.270000e+02 : f32
    %mul3A_2 = vector.broadcast %mul3A : f32 to vector<1x8192xf32>
    %mul3A_3 = arith.mulf %get3A_1, %mul3A_2 : vector<1x8192xf32>
    %get3A_4 = arith.constant 1 : index
    %get3A_5 = arith.constant 0 : index
    %get3A_6 = vector.load %arg0[%get3A_4, %get3A_5] : memref<3x8192xf32, #tpu.memory_space<vmem>>, vector<1x8192xf32>
    %mul3A_7 = arith.constant 1.270000e+02 : f32
    %mul3A_8 = vector.broadcast %mul3A_7 : f32 to vector<1x8192xf32>
    %mul3A_9 = arith.mulf %get3A_6, %mul3A_8 : vector<1x8192xf32>
    %get3A_10 = arith.constant 2 : index
    %get3A_11 = arith.constant 0 : index
    %get3A_12 = vector.load %arg0[%get3A_10, %get3A_11] : memref<3x8192xf32, #tpu.memory_space<vmem>>, vector<1x8192xf32>
    %mul3A_13 = arith.constant 1.270000e+02 : f32
    %mul3A_14 = vector.broadcast %mul3A_13 : f32 to vector<1x8192xf32>
    %mul3A_15 = arith.mulf %get3A_12, %mul3A_14 : vector<1x8192xf32>
    %get3A_16 = arith.constant 0 : index
    %get3A_17 = arith.constant 0 : index
    %get3A_18 = vector.load %arg1[%get3A_16, %get3A_17] : memref<4x8192xf32, #tpu.memory_space<vmem>>, vector<1x8192xf32>
    %get3A_19 = arith.constant 1 : index
    %get3A_20 = arith.constant 0 : index
    %get3A_21 = vector.load %arg1[%get3A_19, %get3A_20] : memref<4x8192xf32, #tpu.memory_space<vmem>>, vector<1x8192xf32>
    %get3A_22 = arith.constant 2 : index
    %get3A_23 = arith.constant 0 : index
    %get3A_24 = vector.load %arg1[%get3A_22, %get3A_23] : memref<4x8192xf32, #tpu.memory_space<vmem>>, vector<1x8192xf32>
    %get3A_25 = arith.constant 3 : index
    %get3A_26 = arith.constant 0 : index
    %get3A_27 = vector.load %arg1[%get3A_25, %get3A_26] : memref<4x8192xf32, #tpu.memory_space<vmem>>, vector<1x8192xf32>
    %mul3A_28 = arith.mulf %get3A_18, %get3A_18 : vector<1x8192xf32>
    %mul3A_29 = arith.mulf %get3A_21, %get3A_21 : vector<1x8192xf32>
    %add3A = arith.addf %mul3A_28, %mul3A_29 : vector<1x8192xf32>
    %mul3A_30 = arith.mulf %get3A_24, %get3A_24 : vector<1x8192xf32>
    %add3A_31 = arith.addf %add3A, %mul3A_30 : vector<1x8192xf32>
    %mul3A_32 = arith.mulf %get3A_27, %get3A_27 : vector<1x8192xf32>
    %add3A_33 = arith.addf %add3A_31, %mul3A_32 : vector<1x8192xf32>
    %sqrt3A = math.sqrt %add3A_33 : vector<1x8192xf32>
    %add3A_34 = arith.constant 9.99999993E-9 : f32
    %add3A_35 = vector.broadcast %add3A_34 : f32 to vector<1x8192xf32>
    %add3A_36 = arith.addf %sqrt3A, %add3A_35 : vector<1x8192xf32>
    %div3A = arith.divf %get3A_18, %add3A_36 : vector<1x8192xf32>
    %div3A_37 = arith.divf %get3A_21, %add3A_36 : vector<1x8192xf32>
    %div3A_38 = arith.divf %get3A_24, %add3A_36 : vector<1x8192xf32>
    %div3A_39 = arith.divf %get3A_27, %add3A_36 : vector<1x8192xf32>
    %mul3A_40 = arith.mulf %div3A_38, %div3A_38 : vector<1x8192xf32>
    %mul3A_41 = arith.mulf %div3A_39, %div3A_39 : vector<1x8192xf32>
    %add3A_42 = arith.addf %mul3A_40, %mul3A_41 : vector<1x8192xf32>
    %mul3A_43 = arith.constant 2.000000e+00 : f32
    %mul3A_44 = vector.broadcast %mul3A_43 : f32 to vector<1x8192xf32>
    %mul3A_45 = arith.mulf %mul3A_44, %add3A_42 : vector<1x8192xf32>
    %sub3A = arith.constant 1.000000e+00 : f32
    %sub3A_46 = vector.broadcast %sub3A : f32 to vector<1x8192xf32>
    %sub3A_47 = arith.subf %sub3A_46, %mul3A_45 : vector<1x8192xf32>
    %mul3A_48 = arith.mulf %div3A_37, %div3A_38 : vector<1x8192xf32>
    %mul3A_49 = arith.mulf %div3A_39, %div3A : vector<1x8192xf32>
    %sub3A_50 = arith.subf %mul3A_48, %mul3A_49 : vector<1x8192xf32>
    %mul3A_51 = arith.constant 2.000000e+00 : f32
    %mul3A_52 = vector.broadcast %mul3A_51 : f32 to vector<1x8192xf32>
    %mul3A_53 = arith.mulf %mul3A_52, %sub3A_50 : vector<1x8192xf32>
    %mul3A_54 = arith.mulf %div3A_37, %div3A_39 : vector<1x8192xf32>
    %mul3A_55 = arith.mulf %div3A_38, %div3A : vector<1x8192xf32>
    %add3A_56 = arith.addf %mul3A_54, %mul3A_55 : vector<1x8192xf32>
    %mul3A_57 = arith.constant 2.000000e+00 : f32
    %mul3A_58 = vector.broadcast %mul3A_57 : f32 to vector<1x8192xf32>
    %mul3A_59 = arith.mulf %mul3A_58, %add3A_56 : vector<1x8192xf32>
    %mul3A_60 = arith.mulf %div3A_37, %div3A_38 : vector<1x8192xf32>
    %mul3A_61 = arith.mulf %div3A_39, %div3A : vector<1x8192xf32>
    %add3A_62 = arith.addf %mul3A_60, %mul3A_61 : vector<1x8192xf32>
    %mul3A_63 = arith.constant 2.000000e+00 : f32
    %mul3A_64 = vector.broadcast %mul3A_63 : f32 to vector<1x8192xf32>
    %mul3A_65 = arith.mulf %mul3A_64, %add3A_62 : vector<1x8192xf32>
    %mul3A_66 = arith.mulf %div3A_37, %div3A_37 : vector<1x8192xf32>
    %mul3A_67 = arith.mulf %div3A_39, %div3A_39 : vector<1x8192xf32>
    %add3A_68 = arith.addf %mul3A_66, %mul3A_67 : vector<1x8192xf32>
    %mul3A_69 = arith.constant 2.000000e+00 : f32
    %mul3A_70 = vector.broadcast %mul3A_69 : f32 to vector<1x8192xf32>
    %mul3A_71 = arith.mulf %mul3A_70, %add3A_68 : vector<1x8192xf32>
    %sub3A_72 = arith.constant 1.000000e+00 : f32
    %sub3A_73 = vector.broadcast %sub3A_72 : f32 to vector<1x8192xf32>
    %sub3A_74 = arith.subf %sub3A_73, %mul3A_71 : vector<1x8192xf32>
    %mul3A_75 = arith.mulf %div3A_38, %div3A_39 : vector<1x8192xf32>
    %mul3A_76 = arith.mulf %div3A_37, %div3A : vector<1x8192xf32>
    %sub3A_77 = arith.subf %mul3A_75, %mul3A_76 : vector<1x8192xf32>
    %mul3A_78 = arith.constant 2.000000e+00 : f32
    %mul3A_79 = vector.broadcast %mul3A_78 : f32 to vector<1x8192xf32>
    %mul3A_80 = arith.mulf %mul3A_79, %sub3A_77 : vector<1x8192xf32>
    %mul3A_81 = arith.mulf %div3A_37, %div3A_39 : vector<1x8192xf32>
    %mul3A_82 = arith.mulf %div3A_38, %div3A : vector<1x8192xf32>
    %sub3A_83 = arith.subf %mul3A_81, %mul3A_82 : vector<1x8192xf32>
    %mul3A_84 = arith.constant 2.000000e+00 : f32
    %mul3A_85 = vector.broadcast %mul3A_84 : f32 to vector<1x8192xf32>
    %mul3A_86 = arith.mulf %mul3A_85, %sub3A_83 : vector<1x8192xf32>
    %mul3A_87 = arith.mulf %div3A_38, %div3A_39 : vector<1x8192xf32>
    %mul3A_88 = arith.mulf %div3A_37, %div3A : vector<1x8192xf32>
    %add3A_89 = arith.addf %mul3A_87, %mul3A_88 : vector<1x8192xf32>
    %mul3A_90 = arith.constant 2.000000e+00 : f32
    %mul3A_91 = vector.broadcast %mul3A_90 : f32 to vector<1x8192xf32>
    %mul3A_92 = arith.mulf %mul3A_91, %add3A_89 : vector<1x8192xf32>
    %mul3A_93 = arith.mulf %div3A_37, %div3A_37 : vector<1x8192xf32>
    %mul3A_94 = arith.mulf %div3A_38, %div3A_38 : vector<1x8192xf32>
    %add3A_95 = arith.addf %mul3A_93, %mul3A_94 : vector<1x8192xf32>
    %mul3A_96 = arith.constant 2.000000e+00 : f32
    %mul3A_97 = vector.broadcast %mul3A_96 : f32 to vector<1x8192xf32>
    %mul3A_98 = arith.mulf %mul3A_97, %add3A_95 : vector<1x8192xf32>
    %sub3A_99 = arith.constant 1.000000e+00 : f32
    %sub3A_100 = vector.broadcast %sub3A_99 : f32 to vector<1x8192xf32>
    %sub3A_101 = arith.subf %sub3A_100, %mul3A_98 : vector<1x8192xf32>
    %get3A_102 = arith.constant 0 : index
    %get3A_103 = arith.constant 0 : index
    %get3A_104 = vector.load %arg2[%get3A_102, %get3A_103] : memref<3x8192xf32, #tpu.memory_space<vmem>>, vector<1x8192xf32>
    %mul3A_105 = arith.constant 1.500000e-02 : f32
    %mul3A_106 = vector.broadcast %mul3A_105 : f32 to vector<1x8192xf32>
    %mul3A_107 = arith.mulf %get3A_104, %mul3A_106 : vector<1x8192xf32>
    %add3A_108 = arith.constant 8.000000e-03 : f32
    %add3A_109 = vector.broadcast %add3A_108 : f32 to vector<1x8192xf32>
    %add3A_110 = arith.addf %add3A_109, %mul3A_107 : vector<1x8192xf32>
    %get3A_111 = arith.constant 1 : index
    %get3A_112 = arith.constant 0 : index
    %get3A_113 = vector.load %arg2[%get3A_111, %get3A_112] : memref<3x8192xf32, #tpu.memory_space<vmem>>, vector<1x8192xf32>
    %mul3A_114 = arith.constant 1.500000e-02 : f32
    %mul3A_115 = vector.broadcast %mul3A_114 : f32 to vector<1x8192xf32>
    %mul3A_116 = arith.mulf %get3A_113, %mul3A_115 : vector<1x8192xf32>
    %add3A_117 = arith.constant 8.000000e-03 : f32
    %add3A_118 = vector.broadcast %add3A_117 : f32 to vector<1x8192xf32>
    %add3A_119 = arith.addf %add3A_118, %mul3A_116 : vector<1x8192xf32>
    %get3A_120 = arith.constant 2 : index
    %get3A_121 = arith.constant 0 : index
    %get3A_122 = vector.load %arg2[%get3A_120, %get3A_121] : memref<3x8192xf32, #tpu.memory_space<vmem>>, vector<1x8192xf32>
    %mul3A_123 = arith.constant 1.500000e-02 : f32
    %mul3A_124 = vector.broadcast %mul3A_123 : f32 to vector<1x8192xf32>
    %mul3A_125 = arith.mulf %get3A_122, %mul3A_124 : vector<1x8192xf32>
    %add3A_126 = arith.constant 8.000000e-03 : f32
    %add3A_127 = vector.broadcast %add3A_126 : f32 to vector<1x8192xf32>
    %add3A_128 = arith.addf %add3A_127, %mul3A_125 : vector<1x8192xf32>
    %mul3A_129 = arith.mulf %add3A_110, %add3A_110 : vector<1x8192xf32>
    %div3A_130 = arith.constant 1.000000e+00 : f32
    %div3A_131 = vector.broadcast %div3A_130 : f32 to vector<1x8192xf32>
    %div3A_132 = arith.divf %div3A_131, %mul3A_129 : vector<1x8192xf32>
    %mul3A_133 = arith.mulf %add3A_119, %add3A_119 : vector<1x8192xf32>
    %div3A_134 = arith.constant 1.000000e+00 : f32
    %div3A_135 = vector.broadcast %div3A_134 : f32 to vector<1x8192xf32>
    %div3A_136 = arith.divf %div3A_135, %mul3A_133 : vector<1x8192xf32>
    %mul3A_137 = arith.mulf %add3A_128, %add3A_128 : vector<1x8192xf32>
    %div3A_138 = arith.constant 1.000000e+00 : f32
    %div3A_139 = vector.broadcast %div3A_138 : f32 to vector<1x8192xf32>
    %div3A_140 = arith.divf %div3A_139, %mul3A_137 : vector<1x8192xf32>
    %mul3A_141 = arith.mulf %sub3A_47, %sub3A_47 : vector<1x8192xf32>
    %mul3A_142 = arith.mulf %mul3A_141, %div3A_132 : vector<1x8192xf32>
    %mul3A_143 = arith.mulf %mul3A_53, %mul3A_53 : vector<1x8192xf32>
    %mul3A_144 = arith.mulf %mul3A_143, %div3A_136 : vector<1x8192xf32>
    %add3A_145 = arith.addf %mul3A_142, %mul3A_144 : vector<1x8192xf32>
    %mul3A_146 = arith.mulf %mul3A_59, %mul3A_59 : vector<1x8192xf32>
    %mul3A_147 = arith.mulf %mul3A_146, %div3A_140 : vector<1x8192xf32>
    %add3A_148 = arith.addf %add3A_145, %mul3A_147 : vector<1x8192xf32>
    %mul3A_149 = arith.constant -1.22070313E-4 : f32
    %mul3A_150 = vector.broadcast %mul3A_149 : f32 to vector<1x8192xf32>
    %mul3A_151 = arith.mulf %add3A_148, %mul3A_150 : vector<1x8192xf32>
    %swap3A = arith.constant 0 : index
    %swap3A_152 = arith.constant 0 : index
    %swap3A_153 = vector.load %arg4[%swap3A, %swap3A_152] : memref<256x8192xf32, #tpu.memory_space<vmem>>, vector<1x8192xf32>
    tpu.vector_store %arg4[%swap3A, %swap3A_152], %mul3A_151 {strides = array<i32>} : memref<256x8192xf32, #tpu.memory_space<vmem>>, vector<1x8192xf32>,
    %mul3A_154 = arith.mulf %mul3A_65, %mul3A_65 : vector<1x8192xf32>
    %mul3A_155 = arith.mulf %mul3A_154, %div3A_132 : vector<1x8192xf32>
    %mul3A_156 = arith.mulf %sub3A_74, %sub3A_74 : vector<1x8192xf32>
    %mul3A_157 = arith.mulf %mul3A_156, %div3A_136 : vector<1x8192xf32>
    %add3A_158 = arith.addf %mul3A_155, %mul3A_157 : vector<1x8192xf32>
    %mul3A_159 = arith.mulf %mul3A_80, %mul3A_80 : vector<1x8192xf32>
    %mul3A_160 = arith.mulf %mul3A_159, %div3A_140 : vector<1x8192xf32>
    %add3A_161 = arith.addf %add3A_158, %mul3A_160 : vector<1x8192xf32>
    %mul3A_162 = arith.constant -1.22070313E-4 : f32
    %mul3A_163 = vector.broadcast %mul3A_162 : f32 to vector<1x8192xf32>
    %mul3A_164 = arith.mulf %add3A_161, %mul3A_163 : vector<1x8192xf32>
    %swap3A_165 = arith.constant 1 : index
    %swap3A_166 = arith.constant 0 : index
    %swap3A_167 = vector.load %arg4[%swap3A_165, %swap3A_166] : memref<256x8192xf32, #tpu.memory_space<vmem>>, vector<1x8192xf32>
    tpu.vector_store %arg4[%swap3A_165, %swap3A_166], %mul3A_164 {strides = array<i32>} : memref<256x8192xf32, #tpu.memory_space<vmem>>, vector<1x8192xf32>,
    %mul3A_168 = arith.mulf %mul3A_86, %mul3A_86 : vector<1x8192xf32>
    %mul3A_169 = arith.mulf %mul3A_168, %div3A_132 : vector<1x8192xf32>
    %mul3A_170 = arith.mulf %mul3A_92, %mul3A_92 : vector<1x8192xf32>
    %mul3A_171 = arith.mulf %mul3A_170, %div3A_136 : vector<1x8192xf32>
    %add3A_172 = arith.addf %mul3A_169, %mul3A_171 : vector<1x8192xf32>
    %mul3A_173 = arith.mulf %sub3A_101, %sub3A_101 : vector<1x8192xf32>
    %mul3A_174 = arith.mulf %mul3A_173, %div3A_140 : vector<1x8192xf32>
    %add3A_175 = arith.addf %add3A_172, %mul3A_174 : vector<1x8192xf32>
    %mul3A_176 = arith.constant -1.22070313E-4 : f32
    %mul3A_177 = vector.broadcast %mul3A_176 : f32 to vector<1x8192xf32>
    %mul3A_178 = arith.mulf %add3A_175, %mul3A_177 : vector<1x8192xf32>
    %swap3A_179 = arith.constant 2 : index
    %swap3A_180 = arith.constant 0 : index
    %swap3A_181 = vector.load %arg4[%swap3A_179, %swap3A_180] : memref<256x8192xf32, #tpu.memory_space<vmem>>, vector<1x8192xf32>
    tpu.vector_store %arg4[%swap3A_179, %swap3A_180], %mul3A_178 {strides = array<i32>} : memref<256x8192xf32, #tpu.memory_space<vmem>>, vector<1x8192xf32>,
    %mul3A_182 = arith.mulf %sub3A_47, %mul3A_65 : vector<1x8192xf32>
    %mul3A_183 = arith.mulf %mul3A_182, %div3A_132 : vector<1x8192xf32>
    %mul3A_184 = arith.mulf %mul3A_53, %sub3A_74 : vector<1x8192xf32>
    %mul3A_185 = arith.mulf %mul3A_184, %div3A_136 : vector<1x8192xf32>
    %add3A_186 = arith.addf %mul3A_183, %mul3A_185 : vector<1x8192xf32>
    %mul3A_187 = arith.mulf %mul3A_59, %mul3A_80 : vector<1x8192xf32>
    %mul3A_188 = arith.mulf %mul3A_187, %div3A_140 : vector<1x8192xf32>
    %add3A_189 = arith.addf %add3A_186, %mul3A_188 : vector<1x8192xf32>
    %mul3A_190 = arith.constant -2.44140625E-4 : f32
    %mul3A_191 = vector.broadcast %mul3A_190 : f32 to vector<1x8192xf32>
    %mul3A_192 = arith.mulf %add3A_189, %mul3A_191 : vector<1x8192xf32>
    %swap3A_193 = arith.constant 3 : index
    %swap3A_194 = arith.constant 0 : index
    %swap3A_195 = vector.load %arg4[%swap3A_193, %swap3A_194] : memref<256x8192xf32, #tpu.memory_space<vmem>>, vector<1x8192xf32>
    tpu.vector_store %arg4[%swap3A_193, %swap3A_194], %mul3A_192 {strides = array<i32>} : memref<256x8192xf32, #tpu.memory_space<vmem>>, vector<1x8192xf32>,
    %mul3A_196 = arith.mulf %sub3A_47, %mul3A_86 : vector<1x8192xf32>
    %mul3A_197 = arith.mulf %mul3A_196, %div3A_132 : vector<1x8192xf32>
    %mul3A_198 = arith.mulf %mul3A_53, %mul3A_92 : vector<1x8192xf32>
    %mul3A_199 = arith.mulf %mul3A_198, %div3A_136 : vector<1x8192xf32>
    %add3A_200 = arith.addf %mul3A_197, %mul3A_199 : vector<1x8192xf32>
    %mul3A_201 = arith.mulf %mul3A_59, %sub3A_101 : vector<1x8192xf32>
    %mul3A_202 = arith.mulf %mul3A_201, %div3A_140 : vector<1x8192xf32>
    %add3A_203 = arith.addf %add3A_200, %mul3A_202 : vector<1x8192xf32>
    %mul3A_204 = arith.constant -2.44140625E-4 : f32
    %mul3A_205 = vector.broadcast %mul3A_204 : f32 to vector<1x8192xf32>
    %mul3A_206 = arith.mulf %add3A_203, %mul3A_205 : vector<1x8192xf32>
    %swap3A_207 = arith.constant 4 : index
    %swap3A_208 = arith.constant 0 : index
    %swap3A_209 = vector.load %arg4[%swap3A_207, %swap3A_208] : memref<256x8192xf32, #tpu.memory_space<vmem>>, vector<1x8192xf32>
    tpu.vector_store %arg4[%swap3A_207, %swap3A_208], %mul3A_206 {strides = array<i32>} : memref<256x8192xf32, #tpu.memory_space<vmem>>, vector<1x8192xf32>,
    %mul3A_210 = arith.mulf %mul3A_65, %mul3A_86 : vector<1x8192xf32>
    %mul3A_211 = arith.mulf %mul3A_210, %div3A_132 : vector<1x8192xf32>
    %mul3A_212 = arith.mulf %sub3A_74, %mul3A_92 : vector<1x8192xf32>
    %mul3A_213 = arith.mulf %mul3A_212, %div3A_136 : vector<1x8192xf32>
    %add3A_214 = arith.addf %mul3A_211, %mul3A_213 : vector<1x8192xf32>
    %mul3A_215 = arith.mulf %mul3A_80, %sub3A_101 : vector<1x8192xf32>
    %mul3A_216 = arith.mulf %mul3A_215, %div3A_140 : vector<1x8192xf32>
    %add3A_217 = arith.addf %add3A_214, %mul3A_216 : vector<1x8192xf32>
    %mul3A_218 = arith.constant -2.44140625E-4 : f32
    %mul3A_219 = vector.broadcast %mul3A_218 : f32 to vector<1x8192xf32>
    %mul3A_220 = arith.mulf %add3A_217, %mul3A_219 : vector<1x8192xf32>
    %swap3A_221 = arith.constant 5 : index
    %swap3A_222 = arith.constant 0 : index
    %swap3A_223 = vector.load %arg4[%swap3A_221, %swap3A_222] : memref<256x8192xf32, #tpu.memory_space<vmem>>, vector<1x8192xf32>
    tpu.vector_store %arg4[%swap3A_221, %swap3A_222], %mul3A_220 {strides = array<i32>} : memref<256x8192xf32, #tpu.memory_space<vmem>>, vector<1x8192xf32>,
    %swap3A_224 = arith.constant 6 : index
    %swap3A_225 = arith.constant 0 : index
    %swap3A_226 = vector.load %arg4[%swap3A_224, %swap3A_225] : memref<256x8192xf32, #tpu.memory_space<vmem>>, vector<1x8192xf32>
    tpu.vector_store %arg4[%swap3A_224, %swap3A_225], %mul3A_3 {strides = array<i32>} : memref<256x8192xf32, #tpu.memory_space<vmem>>, vector<1x8192xf32>,
    %swap3A_227 = arith.constant 7 : index
    %swap3A_228 = arith.constant 0 : index
    %swap3A_229 = vector.load %arg4[%swap3A_227, %swap3A_228] : memref<256x8192xf32, #tpu.memory_space<vmem>>, vector<1x8192xf32>
    tpu.vector_store %arg4[%swap3A_227, %swap3A_228], %mul3A_9 {strides = array<i32>} : memref<256x8192xf32, #tpu.memory_space<vmem>>, vector<1x8192xf32>,
    %swap3A_230 = arith.constant 8 : index
    %swap3A_231 = arith.constant 0 : index
    %swap3A_232 = vector.load %arg4[%swap3A_230, %swap3A_231] : memref<256x8192xf32, #tpu.memory_space<vmem>>, vector<1x8192xf32>
    tpu.vector_store %arg4[%swap3A_230, %swap3A_231], %mul3A_15 {strides = array<i32>} : memref<256x8192xf32, #tpu.memory_space<vmem>>, vector<1x8192xf32>,
    %get3A_233 = arith.constant 0 : index
    %get3A_234 = arith.constant 0 : index
    %get3A_235 = vector.load %arg3[%get3A_233, %get3A_234] : memref<1x8192xf32, #tpu.memory_space<vmem>>, vector<1x8192xf32>
    %swap3A_236 = arith.constant 9 : index
    %swap3A_237 = arith.constant 0 : index
    %swap3A_238 = vector.load %arg4[%swap3A_236, %swap3A_237] : memref<256x8192xf32, #tpu.memory_space<vmem>>, vector<1x8192xf32>
    tpu.vector_store %arg4[%swap3A_236, %swap3A_237], %get3A_235 {strides = array<i32>} : memref<256x8192xf32, #tpu.memory_space<vmem>>, vector<1x8192xf32>,
    %floor3A = math.floor %mul3A_3 : vector<1x8192xf32>
    %convert_element_type3A = arith.fptosi %floor3A : vector<1x8192xf32> to vector<1x8192xi32>
    %sub3A_239 = arith.constant 4 : i32
    %sub3A_240 = vector.broadcast %sub3A_239 : i32 to vector<1x8192xi32>
    %sub3A_241 = arith.subi %convert_element_type3A, %sub3A_240 : vector<1x8192xi32>
    %jit3A = arith.constant 0 : i32
    %jit3A_242 = arith.constant 118 : i32
    %max3A = vector.broadcast %jit3A : i32 to vector<1x8192xi32>
    %max3A_243 = arith.maxsi %max3A, %sub3A_241 : vector<1x8192xi32>
    %min3A = vector.broadcast %jit3A_242 : i32 to vector<1x8192xi32>
    %min3A_244 = arith.minsi %min3A, %max3A_243 : vector<1x8192xi32>
    %floor3A_245 = math.floor %mul3A_9 : vector<1x8192xf32>
    %convert_element_type3A_246 = arith.fptosi %floor3A_245 : vector<1x8192xf32> to vector<1x8192xi32>
    %sub3A_247 = arith.constant 4 : i32
    %sub3A_248 = vector.broadcast %sub3A_247 : i32 to vector<1x8192xi32>
    %sub3A_249 = arith.subi %convert_element_type3A_246, %sub3A_248 : vector<1x8192xi32>
    %jit3A_250 = arith.constant 0 : i32
    %jit3A_251 = arith.constant 118 : i32
    %max3A_252 = vector.broadcast %jit3A_250 : i32 to vector<1x8192xi32>
    %max3A_253 = arith.maxsi %max3A_252, %sub3A_249 : vector<1x8192xi32>
    %min3A_254 = vector.broadcast %jit3A_251 : i32 to vector<1x8192xi32>
    %min3A_255 = arith.minsi %min3A_254, %max3A_253 : vector<1x8192xi32>
    %floor3A_256 = math.floor %mul3A_15 : vector<1x8192xf32>
    %convert_element_type3A_257 = arith.fptosi %floor3A_256 : vector<1x8192xf32> to vector<1x8192xi32>
    %sub3A_258 = arith.constant 4 : i32
    %sub3A_259 = vector.broadcast %sub3A_258 : i32 to vector<1x8192xi32>
    %sub3A_260 = arith.subi %convert_element_type3A_257, %sub3A_259 : vector<1x8192xi32>
    %jit3A_261 = arith.constant 0 : i32
    %jit3A_262 = arith.constant 118 : i32
    %max3A_263 = vector.broadcast %jit3A_261 : i32 to vector<1x8192xi32>
    %max3A_264 = arith.maxsi %max3A_263, %sub3A_260 : vector<1x8192xi32>
    %min3A_265 = vector.broadcast %jit3A_262 : i32 to vector<1x8192xi32>
    %min3A_266 = arith.minsi %min3A_265, %max3A_264 : vector<1x8192xi32>
    %mul3A_267 = arith.constant 16384 : i32
    %mul3A_268 = vector.broadcast %mul3A_267 : i32 to vector<1x8192xi32>
    %mul3A_269 = arith.muli %min3A_244, %mul3A_268 : vector<1x8192xi32>
    %mul3A_270 = arith.constant 128 : i32
    %mul3A_271 = vector.broadcast %mul3A_270 : i32 to vector<1x8192xi32>
    %mul3A_272 = arith.muli %min3A_255, %mul3A_271 : vector<1x8192xi32>
    %add3A_273 = arith.addi %mul3A_269, %mul3A_272 : vector<1x8192xi32>
    %add3A_274 = arith.addi %add3A_273, %min3A_266 : vector<1x8192xi32>
    %bitcast_convert_type3A = tpu.bitcast %add3A_274 : vector<1x8192xi32> -> vector<1x8192xf32>
    %swap3A_275 = arith.constant 10 : index
    %swap3A_276 = arith.constant 0 : index
    %swap3A_277 = vector.load %arg4[%swap3A_275, %swap3A_276] : memref<256x8192xf32, #tpu.memory_space<vmem>>, vector<1x8192xf32>
    tpu.vector_store %arg4[%swap3A_275, %swap3A_276], %bitcast_convert_type3A {strides = array<i32>} : memref<256x8192xf32, #tpu.memory_space<vmem>>, vector<1x8192xf32>,
    %convert_element_type3A_278 = arith.sitofp %min3A_255 : vector<1x8192xi32> to vector<1x8192xf32>
    %swap3A_279 = arith.constant 11 : index
    %swap3A_280 = arith.constant 0 : index
    %swap3A_281 = vector.load %arg4[%swap3A_279, %swap3A_280] : memref<256x8192xf32, #tpu.memory_space<vmem>>, vector<1x8192xf32>
    tpu.vector_store %arg4[%swap3A_279, %swap3A_280], %convert_element_type3A_278 {strides = array<i32>} : memref<256x8192xf32, #tpu.memory_space<vmem>>, vector<1x8192xf32>,
    %convert_element_type3A_282 = arith.sitofp %min3A_266 : vector<1x8192xi32> to vector<1x8192xf32>
    %swap3A_283 = arith.constant 12 : index
    %swap3A_284 = arith.constant 0 : index
    %swap3A_285 = vector.load %arg4[%swap3A_283, %swap3A_284] : memref<256x8192xf32, #tpu.memory_space<vmem>>, vector<1x8192xf32>
    tpu.vector_store %arg4[%swap3A_283, %swap3A_284], %convert_element_type3A_282 {strides = array<i32>} : memref<256x8192xf32, #tpu.memory_space<vmem>>, vector<1x8192xf32>,
    %mul3A_286 = arith.constant 0.000000e+00 : f32
    %mul3A_287 = vector.broadcast %mul3A_286 : f32 to vector<1x8192xf32>
    %mul3A_288 = arith.mulf %mul3A_3, %mul3A_287 : vector<1x8192xf32>
    %swap3A_289 = arith.constant 13 : index
    %swap3A_290 = arith.constant 0 : index
    %swap3A_291 = vector.load %arg4[%swap3A_289, %swap3A_290] : memref<256x8192xf32, #tpu.memory_space<vmem>>, vector<1x8192xf32>
    tpu.vector_store %arg4[%swap3A_289, %swap3A_290], %mul3A_288 {strides = array<i32>} : memref<256x8192xf32, #tpu.memory_space<vmem>>, vector<1x8192xf32>,
    %swap3A_292 = arith.constant 14 : index
    %swap3A_293 = arith.constant 0 : index
    %swap3A_294 = vector.load %arg4[%swap3A_292, %swap3A_293] : memref<256x8192xf32, #tpu.memory_space<vmem>>, vector<1x8192xf32>
    tpu.vector_store %arg4[%swap3A_292, %swap3A_293], %mul3A_288 {strides = array<i32>} : memref<256x8192xf32, #tpu.memory_space<vmem>>, vector<1x8192xf32>,
    %swap3A_295 = arith.constant 15 : index
    %swap3A_296 = arith.constant 0 : index
    %swap3A_297 = vector.load %arg4[%swap3A_295, %swap3A_296] : memref<256x8192xf32, #tpu.memory_space<vmem>>, vector<1x8192xf32>
    tpu.vector_store %arg4[%swap3A_295, %swap3A_296], %mul3A_288 {strides = array<i32>} : memref<256x8192xf32, #tpu.memory_space<vmem>>, vector<1x8192xf32>,
    %swap3A_298 = arith.constant 0 : index
    %swap3A_299 = arith.constant 0 : index
    %swap3A_300 = vector.load %arg5[%swap3A_298, %swap3A_299] : memref<1x8192xi32, #tpu.memory_space<vmem>>, vector<1x8192xi32>
    tpu.vector_store %arg5[%swap3A_298, %swap3A_299], %min3A_244 {strides = array<i32>} : memref<1x8192xi32, #tpu.memory_space<vmem>>, vector<1x8192xi32>,
    %get3A_301 = arith.constant 1 : index
    %get3A_302 = arith.constant 0 : index
    %get3A_303 = vector.load %arg4[%get3A_301, %get3A_302] : memref<256x8192xf32, #tpu.memory_space<vmem>>, vector<1x8192xf32>
    %get3A_304 = arith.constant 2 : index
    %get3A_305 = arith.constant 0 : index
    %get3A_306 = vector.load %arg4[%get3A_304, %get3A_305] : memref<256x8192xf32, #tpu.memory_space<vmem>>, vector<1x8192xf32>
    %get3A_307 = arith.constant 3 : index
    %get3A_308 = arith.constant 0 : index
    %get3A_309 = vector.load %arg4[%get3A_307, %get3A_308] : memref<256x8192xf32, #tpu.memory_space<vmem>>, vector<1x8192xf32>
    %get3A_310 = arith.constant 4 : index
    %get3A_311 = arith.constant 0 : index
    %get3A_312 = vector.load %arg4[%get3A_310, %get3A_311] : memref<256x8192xf32, #tpu.memory_space<vmem>>, vector<1x8192xf32>
    %get3A_313 = arith.constant 5 : index
    %get3A_314 = arith.constant 0 : index
    %get3A_315 = vector.load %arg4[%get3A_313, %get3A_314] : memref<256x8192xf32, #tpu.memory_space<vmem>>, vector<1x8192xf32>
    %iota3A = tpu.iota {dimensions = array<i32: 0>} : vector<112x1xi32>
    %jit3A_316 = arith.constant 10 : i32
    %div3A_317 = vector.broadcast %jit3A_316 : i32 to vector<112x1xi32>
    %div3A_318 = arith.divsi %iota3A, %div3A_317 : vector<112x1xi32>
    %sign3A = arith.constant 0 : i32
    %sign3A_319 = vector.broadcast %sign3A : i32 to vector<112x1xi32>
    %sign3A_320 = arith.cmpi sgt, %iota3A, %sign3A_319 : vector<112x1xi32>
    %sign3A_321 = arith.extui %sign3A_320 : vector<112x1xi1> to vector<112x1xi32>
    %sign3A_322 = arith.constant 0 : i32
    %sign3A_323 = vector.broadcast %sign3A_322 : i32 to vector<112x1xi32>
    %sign3A_324 = arith.cmpi slt, %iota3A, %sign3A_323 : vector<112x1xi32>
    %sign3A_325 = arith.extui %sign3A_324 : vector<112x1xi1> to vector<112x1xi32>
    %sign3A_326 = arith.subi %sign3A_321, %sign3A_325 : vector<112x1xi32>
    %sign3A_327 = arith.constant 0 : i32
    %sign3A_328 = arith.cmpi sgt, %jit3A_316, %sign3A_327 : i32
    %sign3A_329 = arith.extui %sign3A_328 : i1 to i32
    %sign3A_330 = arith.constant 0 : i32
    %sign3A_331 = arith.cmpi slt, %jit3A_316, %sign3A_330 : i32
    %sign3A_332 = arith.extui %sign3A_331 : i1 to i32
    %sign3A_333 = arith.subi %sign3A_329, %sign3A_332 : i32
    %ne3A = vector.broadcast %sign3A_333 : i32 to vector<112x1xi32>
    %ne3A_334 = arith.cmpi ne, %sign3A_326, %ne3A : vector<112x1xi32>
    %rem3A = vector.broadcast %jit3A_316 : i32 to vector<112x1xi32>
    %rem3A_335 = arith.remsi %iota3A, %rem3A : vector<112x1xi32>
    %ne3A_336 = arith.constant 0 : i32
    %ne3A_337 = vector.broadcast %ne3A_336 : i32 to vector<112x1xi32>
    %ne3A_338 = arith.cmpi ne, %rem3A_335, %ne3A_337 : vector<112x1xi32>
    %and3A = arith.andi %ne3A_334, %ne3A_338 : vector<112x1xi1>
    %sub3A_339 = arith.constant 1 : i32
    %sub3A_340 = vector.broadcast %sub3A_339 : i32 to vector<112x1xi32>
    %sub3A_341 = arith.subi %div3A_318, %sub3A_340 : vector<112x1xi32>
    %select_n3A = arith.select %and3A, %sub3A_341, %div3A_318 : vector<112x1xi1>, vector<112x1xi32>
    %convert_element_type3A_342 = arith.sitofp %select_n3A : vector<112x1xi32> to vector<112x1xf32>
    %jit3A_343 = arith.constant 10 : i32
    %eq3A = arith.constant 0 : i32
    %eq3A_344 = arith.cmpi eq, %jit3A_343, %eq3A : i32
    %jit3A_345 = arith.constant 1 : i32
    %select_n3A_346 = arith.select %eq3A_344, %jit3A_345, %jit3A_343 : i32
    %rem3A_347 = vector.broadcast %select_n3A_346 : i32 to vector<112x1xi32>
    %rem3A_348 = arith.remsi %iota3A, %rem3A_347 : vector<112x1xi32>
    %ne3A_349 = arith.constant 0 : i32
    %ne3A_350 = vector.broadcast %ne3A_349 : i32 to vector<112x1xi32>
    %ne3A_351 = arith.cmpi ne, %rem3A_348, %ne3A_350 : vector<112x1xi32>
    %lt3A = arith.constant 0 : i32
    %lt3A_352 = vector.broadcast %lt3A : i32 to vector<112x1xi32>
    %lt3A_353 = arith.cmpi slt, %rem3A_348, %lt3A_352 : vector<112x1xi32>
    %lt3A_354 = arith.constant 0 : i32
    %lt3A_355 = arith.cmpi slt, %select_n3A_346, %lt3A_354 : i32
    %ne3A_356 = vector.broadcast %lt3A_355 : i1 to vector<112x1xi1>
    %ne3A_357 = vector.broadcast %ne3A_356 : vector<112x1xi1> to vector<112x1xi1>
    %ne3A_358 = arith.xori %lt3A_353, %ne3A_357 : vector<112x1xi1>
    %and3A_359 = arith.andi %ne3A_358, %ne3A_351 : vector<112x1xi1>
    %add3A_360 = vector.broadcast %select_n3A_346 : i32 to vector<112x1xi32>
    %add3A_361 = arith.addi %rem3A_348, %add3A_360 : vector<112x1xi32>
    %select_n3A_362 = arith.select %and3A_359, %add3A_361, %rem3A_348 : vector<112x1xi1>, vector<112x1xi32>
    %convert_element_type3A_363 = arith.sitofp %select_n3A_362 : vector<112x1xi32> to vector<112x1xf32>
    %get3A_364 = arith.constant 11 : index
    %get3A_365 = arith.constant 0 : index
    %get3A_366 = vector.load %arg4[%get3A_364, %get3A_365] : memref<256x8192xf32, #tpu.memory_space<vmem>>, vector<1x8192xf32>
    %sub3A_367 = arith.subf %get3A_366, %mul3A_9 : vector<1x8192xf32>
    %get3A_368 = arith.constant 12 : index
    %get3A_369 = arith.constant 0 : index
    %get3A_370 = vector.load %arg4[%get3A_368, %get3A_369] : memref<256x8192xf32, #tpu.memory_space<vmem>>, vector<1x8192xf32>
    %sub3A_371 = arith.subf %get3A_370, %mul3A_15 : vector<1x8192xf32>
    %add3A_372 = vector.broadcast %sub3A_367 : vector<1x8192xf32> to vector<112x8192xf32>
    %add3A_373 = vector.broadcast %convert_element_type3A_342 : vector<112x1xf32> to vector<112x8192xf32>
    %add3A_374 = arith.addf %add3A_372, %add3A_373 : vector<112x8192xf32>
    %add3A_375 = vector.broadcast %sub3A_371 : vector<1x8192xf32> to vector<112x8192xf32>
    %add3A_376 = vector.broadcast %convert_element_type3A_363 : vector<112x1xf32> to vector<112x8192xf32>
    %add3A_377 = arith.addf %add3A_375, %add3A_376 : vector<112x8192xf32>
    %mul3A_378 = vector.broadcast %get3A_303 : vector<1x8192xf32> to vector<112x8192xf32>
    %mul3A_379 = arith.mulf %mul3A_378, %add3A_374 : vector<112x8192xf32>
    %mul3A_380 = arith.mulf %mul3A_379, %add3A_374 : vector<112x8192xf32>
    %mul3A_381 = vector.broadcast %get3A_306 : vector<1x8192xf32> to vector<112x8192xf32>
    %mul3A_382 = arith.mulf %mul3A_381, %add3A_377 : vector<112x8192xf32>
    %mul3A_383 = arith.mulf %mul3A_382, %add3A_377 : vector<112x8192xf32>
    %add3A_384 = arith.addf %mul3A_380, %mul3A_383 : vector<112x8192xf32>
    %mul3A_385 = vector.broadcast %get3A_315 : vector<1x8192xf32> to vector<112x8192xf32>
    %mul3A_386 = arith.mulf %mul3A_385, %add3A_374 : vector<112x8192xf32>
    %mul3A_387 = arith.mulf %mul3A_386, %add3A_377 : vector<112x8192xf32>
    %add3A_388 = arith.addf %add3A_384, %mul3A_387 : vector<112x8192xf32>
    %swap3A_389 = arith.constant 16 : index
    %swap3A_390 = arith.constant 0 : index
    %swap3A_391 = vector.load %arg4[%swap3A_389, %swap3A_390] : memref<256x8192xf32, #tpu.memory_space<vmem>>, vector<112x8192xf32>
    tpu.vector_store %arg4[%swap3A_389, %swap3A_390], %add3A_388 {strides = array<i32>} : memref<256x8192xf32, #tpu.memory_space<vmem>>, vector<112x8192xf32>,
    %mul3A_392 = vector.broadcast %get3A_309 : vector<1x8192xf32> to vector<112x8192xf32>
    %mul3A_393 = arith.mulf %mul3A_392, %add3A_374 : vector<112x8192xf32>
    %mul3A_394 = vector.broadcast %get3A_312 : vector<1x8192xf32> to vector<112x8192xf32>
    %mul3A_395 = arith.mulf %mul3A_394, %add3A_377 : vector<112x8192xf32>
    %add3A_396 = arith.addf %mul3A_393, %mul3A_395 : vector<112x8192xf32>
    %swap3A_397 = arith.constant 128 : index
    %swap3A_398 = arith.constant 0 : index
    %swap3A_399 = vector.load %arg4[%swap3A_397, %swap3A_398] : memref<256x8192xf32, #tpu.memory_space<vmem>>, vector<112x8192xf32>
    tpu.vector_store %arg4[%swap3A_397, %swap3A_398], %add3A_396 {strides = array<i32>} : memref<256x8192xf32, #tpu.memory_space<vmem>>, vector<112x8192xf32>,
    %broadcast_in_dim3A = arith.constant 0.000000e+00 : f32
    %broadcast_in_dim3A_400 = vector.broadcast %broadcast_in_dim3A : f32 to vector<16x1xf32>
    %add3A_401 = vector.broadcast %broadcast_in_dim3A_400 : vector<16x1xf32> to vector<16x8192xf32>
    %add3A_402 = vector.broadcast %mul3A_288 : vector<1x8192xf32> to vector<16x8192xf32>
    %add3A_403 = arith.addf %add3A_401, %add3A_402 : vector<16x8192xf32>
    %swap3A_404 = arith.constant 240 : index
    %swap3A_405 = arith.constant 0 : index
    %swap3A_406 = vector.load %arg4[%swap3A_404, %swap3A_405] : memref<256x8192xf32, #tpu.memory_space<vmem>>, vector<16x8192xf32>
    tpu.vector_store %arg4[%swap3A_404, %swap3A_405], %add3A_403 {strides = array<i32>} : memref<256x8192xf32, #tpu.memory_space<vmem>>, vector<16x8192xf32>,
    return
  }
}

</mosaic_0001>

<sc_bundles>
// kernel: kernel.4.cloned.1.call-start
scs
__scs_entry_jumppad:
0x0: {  	(pc) =	sbr.rel $0x88, $3  }
0x1: {  	(tag) =	ssettag $0x0;
	lr =	simm.s32 $0x1  }
0x2: {  	[smem:$0x3F9D] =	sst lr;
	_ =	strace $0xD0000000  }
0x3: {  	_ = 	snop  }
0x4: {  	_ = 	snop  }
0x5: {  	_ = 	snop  }
0x6: {  	_ = 	snop  }
0x7: {  	_ = 	snop  }
__scs_overlays_trampoline_lowered:
0x8: {  	[smem:$0x3FAC] =	sst s0  }
0x9: {  	[smem:$0x3FAD] =	sst s1  }
0xa: {  	[smem:$0x3FAE] =	sst s2  }
0xb: {  	[smem:$0x3FAF] =	sst s3  }
0xc: {  	[smem:$0x3FB0] =	sst s4  }
0xd: {  	[smem:$0x3FB1] =	sst s5  }
0xe: {  	[smem:$0x3FB2] =	sst s6  }
0xf: {  	[smem:$0x3FB3] =	sst s7  }
0x10: {  	[smem:$0x3FB4] =	sst s8  }
0x11: {  	[smem:$0x3FB5] =	sst s9;
	s0 =	simm.s32 @!p0 $0x0  }
0x12: {  	s1 =	sld [smem:$0x3F9B];
	s0 =	simm.s32 @p0 $0x1  }
0x13: {  	[smem:$0x3FB6] =	sst s0;
	s0 =	simm.s32 @!p1 $0x0  }
0x14: {  	s2 =	sld [smem:$0x3F9A];
	s0 =	simm.s32 @p1 $0x1  }
0x15: {  	[smem:$0x3FB7] =	sst s0;
	s0 =	simm.s32 @!p2 $0x0  }
0x16: {  	s3 =	sld [smem:$0x3FDB];
	s0 =	simm.s32 @p2 $0x1  }
0x17: {  	s4 =	simm.s32 $0x1BF5;
	[smem:$0x3FB9] =	sst s0  }
0x18: {  	s0 =	sld [smem:$0x3F9C];
	_ =	swait.ge [sflag:s4], $0x0  }
0x19: {  	s7 =	sld [smem:$0x3F9D]  }
0x1a: {  	s8 =	sadd.s32 $0xFFFFE003, lr  }
0x1b: {  	s9 =	sadd.s32 $0xFFFFFEF7, lr;
	s5 =	simm.s32 $0xFFFFFFFF;
	p2 =	slt.u32 s8, $0xFFFFF086  }
0x1c: {  	p1 =	slt.u32 s9, $0xF7A;
	s5 =	simm.s32 @!p2 $0x0  }
0x1d: {  	s5 =	simm.s32 @p1 $0x1;
	p0 =	seq.s32 s7, s2  }
0x1e: {  	s7 =	smul.u32 @!p0 $0xF7A, s2;
	p2 =	seq.s32 @!p0 s5, $0x0  }
0x1f: {  	s9 =	smul.u32 $0xF7A, s1;
	s8 =	simm.s32 @!p0 $0x1BF5;
	p2 =	por !p2, p0  }
0x20: {  	[sflag:s8] =	ssyncset.s32 @!p0 $0xFFFFF086;
	s6 =	sadd.s32 @!p0 s3, s7;
	s7 =	simm.s32 @!p0 $0x108  }
0x21: {  	s3 =	sadd.s32 s3, s9;
	s6 =	sadd.s32 @!p0 $0x88, s6;
	s7 =	simm.s32 @p2 $0x1082  }
0x22: {  	[simem:s7], [sflag:s8] =	dma.local @!p0 [hbm:s6], $0xF7A  }
0x23: {  	s9 =	sor.u32 $0xD0000000, s2;
	s6 =	simm.s32 $0x108;
	_ =	swait.ge @!p0 [sflag:s8], $0x0  }
0x24: {  	s3 =	sadd.s32 $0x88, s3;
	s6 =	simm.s32 @!p1 $0x1082;
	[sflag:s4] =	ssyncset.s32 $0xFFFFF086  }
0x25: {  	[simem:s6], [sflag:s4] =	dma.local [hbm:s3], $0xF7A  }
0x26: {  	[smem:$0x3F9D] =	sst s1;
	(tag) =	ssettag s2;
	_ =	strace s9  }
0x27: {  	s1 =	sld [smem:$0x3FAD]  }
0x28: {  	s2 =	sld [smem:$0x3FAE]  }
0x29: {  	s4 =	sld [smem:$0x3FB0]  }
0x2a: {  	p0 =	seq.s32 s5, $0x0;
	s5 =	sld [smem:$0x3FB1]  }
0x2b: {  	s6 =	sld [smem:$0x3FB2]  }
0x2c: {  	s7 =	sld [smem:$0x3FB3]  }
0x2d: {  	s3 =	simm.s32 $0x108;
	s8 =	sld [smem:$0x3FB4]  }
0x2e: {  	s3 =	simm.s32 @!p0 $0x1082;
	s9 =	sld [smem:$0x3FB5]  }
0x2f: {  	lr =	sadd.s32 s0, s3;
	s0 =	sld [smem:$0x3FAC]  }
0x30: {  	s3 =	sld [smem:$0x3FAF]  }
0x31: {  	[smem:$0x3FB8] =	sst s10  }
0x32: {  	s10 =	sld [smem:$0x3FB6];
	_ =	sdelay $0x3  }
0x33: {  	p0 =	seq.s32 s10, $0x1;
	s10 =	sld [smem:$0x3FB8];
	_ =	sdelay $0x3  }
0x34: {  	[smem:$0x3FB8] =	sst s10  }
0x35: {  	s10 =	sld [smem:$0x3FB7];
	_ =	sdelay $0x3  }
0x36: {  	p1 =	seq.s32 s10, $0x1;
	s10 =	sld [smem:$0x3FB8];
	_ =	sdelay $0x3  }
0x37: {  	[smem:$0x3FB8] =	sst s10  }
0x38: {  	s10 =	sld [smem:$0x3FB9]  }
0x39: {  	_ = 	snop;
	(pc) =	sbr.ind lr, $3  }
0x3a: {  	_ = 	snop  }
0x3b: {  	_ = 	snop  }
0x3c: {  	p2 =	seq.s32 s10, $0x1;
	s10 =	sld [smem:$0x3FB8]  }
0x3d: {  	_ =	shalt  }
0x3e: {  	_ =	shalt  }
0x3f: {  	_ =	shalt  }
0x40: {  	_ =	shalt  }
0x41: {  	_ =	shalt  }
0x42: {  	_ =	shalt  }
0x43: {  	_ =	shalt  }
0x44: {  	_ =	shalt  }
0x45: {  	_ =	shalt  }
0x46: {  	_ =	shalt  }
0x47: {  	_ =	shalt  }
0x48: {  	_ =	shalt  }
0x49: {  	_ =	shalt  }
0x4a: {  	_ =	shalt  }
0x4b: {  	_ =	shalt  }
0x4c: {  	_ =	shalt  }
0x4d: {  	_ =	shalt  }
0x4e: {  	_ =	shalt  }
0x4f: {  	_ =	shalt  }
0x50: {  	_ =	shalt  }
0x51: {  	_ =	shalt  }
0x52: {  	_ =	shalt  }
0x53: {  	_ =	shalt  }
0x54: {  	_ =	shalt  }
0x55: {  	_ =	shalt  }
0x56: {  	_ =	shalt  }
0x57: {  	_ =	shalt  }
0x58: {  	_ =	shalt  }
0x59: {  	_ =	shalt  }
0x5a: {  	_ =	shalt  }
0x5b: {  	_ =	shalt  }
0x5c: {  	_ =	shalt  }
0x5d: {  	_ =	shalt  }
0x5e: {  	_ =	shalt  }
0x5f: {  	_ =	shalt  }
0x60: {  	_ =	shalt  }
0x61: {  	_ =	shalt  }
0x62: {  	_ =	shalt  }
0x63: {  	_ =	shalt  }
0x64: {  	_ =	shalt  }
0x65: {  	_ =	shalt  }
0x66: {  	_ =	shalt  }
0x67: {  	_ =	shalt  }
0x68: {  	_ =	shalt  }
0x69: {  	_ =	shalt  }
0x6a: {  	_ =	shalt  }
0x6b: {  	_ =	shalt  }
0x6c: {  	_ =	shalt  }
0x6d: {  	_ =	shalt  }
0x6e: {  	_ =	shalt  }
0x6f: {  	_ =	shalt  }
0x70: {  	_ =	shalt  }
0x71: {  	_ =	shalt  }
0x72: {  	_ =	shalt  }
0x73: {  	_ =	shalt  }
0x74: {  	_ =	shalt  }
0x75: {  	_ =	shalt  }
0x76: {  	_ =	shalt  }
0x77: {  	_ =	shalt  }
0x78: {  	_ =	shalt  }
0x79: {  	_ =	shalt  }
0x7a: {  	_ =	shalt  }
0x7b: {  	_ =	shalt  }
0x7c: {  	_ =	shalt  }
0x7d: {  	_ =	shalt  }
0x7e: {  	_ =	shalt  }
0x7f: {  	_ =	shalt  }
0x80: {  	_ =	shalt  }
0x81: {  	_ =	shalt  }
0x82: {  	_ =	shalt  }
0x83: {  	_ =	shalt  }
0x84: {  	_ =	shalt  }
0x85: {  	_ =	shalt  }
0x86: {  	_ =	shalt  }
0x87: {  	_ =	shalt  }
.Lfunc_end0:
.L_simem_size_0:
called_computation_lowered:
.L_overlay_start_0:
0x88: {  	s2 =	sld [smem:$0x3FD9]  }
0x89: {  	s3 =	sld [smem:$0x3FFE];
	_ =	sdelay $0x1  }
0x8a: {  	s1 =	srdreg.scid  }
0x8b: {  	s0 =	sand.u32 $0x1, s1  }
0x8c: {  	s17 =	sshll.u32 s0, $0xA;
	s2 =	sadd.s32 s3, s2  }
0x8d: {  	s2 =	sadd.s32 s2, s17  }
0x8e: {  	[smem:$0x3FC4] =	sst s2  }
0x8f: {  	_ = 	snop  }
0x90: {  	s2 =	sld [smem:$0x3FD0];
	(tm) =	ssettm $0x1  }
0x91: {  	s18 =	sld [smem:$0x3FFB];
	_ =	sdelay $0x3  }
0x92: {  	_ =	strace s18  }
0x93: {  	s3 =	sld [smem:$0x3FFC];
	_ =	sdelay $0x3  }
0x94: {  	_ =	strace s3  }
0x95: {  	s3 =	sld [smem:$0x3FFD];
	_ =	sdelay $0x3  }
0x96: {  	_ =	strace s3  }
0x97: {  	_ =	strace $0x8FFFFFFF  }
0x98: {  	s19 =	sld [smem:$0x3FDB];
	_ =	sdelay $0x1  }
0x99: {  	s4 =	simm.s32 $_scs_section_size  }
0x9a: {  	s5 =	simm.s32 $_size__tile_overlayer_lowered;
	s6 =	simm.s32 $_tile_overlayer_lowered  }
0x9b: {  	s22 =	simm.s32 $0x1BFF;
	s21 =	sshll.u32 s6, $0x1;
	s3 =	sadd.s32 s4, s19  }
0x9c: {  	s7 =	simm.s32 $0x0;
	s20 =	sshll.u32 s5, $0x1;
	s5 =	sadd.s32 s21, s3  }
0x9d: {  	[timem:s7], [sflag:s22] =	dma.local [hbm:s5], s20  }
0x9e: {  	_ =	swait.ge [sflag:s22], s20  }
0x9f: {  	s4 =	ssub.s32 $0x0, s20;
	[sflag:s22] =	ssyncset.done $0x0  }
0xa0: {  	[sflag:s22] =	ssyncadd.s32 s4;
	_ =	sdelay $0x1  }
0xa1: {  	s23 =	simm.s32 $0x1B8B  }
0xa2: {  	_ =	swait.ge [sflag:s23], $0x1  }
0xa3: {  	[sflag:s23] =	ssyncset.done $0x0  }
0xa4: {  	s25 =	simm.s32 $0x1B8E;
	s24 =	sld [smem:$0x3FFE];
	[sflag:s23] =	ssyncadd.s32 $0xFFFFFFFF  }
0xa5: {  	s26 =	simm.s32 $execute0_lowered;
	[smem:$0x3FD2] =	sst s25  }
0xa6: {  	s5 =	sshll.u32 s26, $0x1;
	_ =	strace $0x80000046;
	[dreg:$0x1] =	wrdreg $0xFFFFFFFF  }
0xa7: {  	s28 =	simm.s32 $_size_execute0_lowered;
	s3 =	sadd.s32 s3, s5;
	[dreg:$0x0] =	wrdreg $0x0  }
0xa8: {  	s5 =	sshll.u32 s28, $0x1;
	[dreg:$0x2] =	wrdreg s3  }
0xa9: {  	[dreg:$0x3] =	wrdreg s5  }
0xaa: {  	[dreg:$0x4] =	wrdreg $0xC0  }
0xab: {  	_ =	task [dreg:s7], $0x5FFFF  }
0xac: {  	[dreg:$0x1] =	wrdreg $0xFFFFFFFF  }
0xad: {  	[dreg:$0x0] =	wrdreg $0x60  }
0xae: {  	[dreg:$0x2] =	wrdreg s24  }
0xaf: {  	[dreg:$0x3] =	wrdreg s2  }
0xb0: {  	[dreg:$0x4] =	wrdreg $0x9  }
0xb1: {  	_ =	task.clear_ibuf [dreg:s7], $0x5FFFF;
	_ =	strace $0x90000046  }
0xb2: {  	s29 =	simm.s32 $0x9;
	_ =	strace $0x80000048  }
0xb3: {  	_ =	swait.ge [sflag:s29], $0x1  }
0xb4: {  	[sflag:s29] =	ssyncadd.s32 $0xFFFFFFFF  }
0xb5: {  	_ =	strace $0x90000048  }
0xb6: {  	_ =	sfence  }
0xb7: {  	s30 =	sld [smem:$0x0];
	_ =	sdelay $0x2  }
0xb8: {  	s31 =	sshll.u32 s1, $0xD;
	s1 =	sshrl.u32 s1, $0x2  }
0xb9: {  	s3 =	sand.u32 $0x4000, s31;
	s1 =	sadd.s32 s1, s30  }
0xba: {  	s0 =	sor.u32 s3, s0;
	s1 =	sshll.u32 s1, $0x11  }
0xbb: {  	s0 =	sor.u32 s1, s0  }
0xbc: {  	s0 =	sadd.s32 $0x8F2B, s0  }
0xbd: {  	[sflag:s0] =	ssyncadd.remote.s32 $0x1  }
0xbe: {  	_ =	sfence.sel $0xFFFF  }
0xbf: {  	[dreg:$0x0] =	wrdreg $0xFFFFFFFF;
	(pc) =	sbr.abs _section_cstart, $3  }
0xc0: {  	[dreg:$0x1] =	wrdreg $0xFFFFFFFF  }
0xc1: {  	_ =	task.clear_ibuf [dreg:s7], $0x2FFFF;
	_ =	strace $0x9FFFFFFF  }
0xc2: {  	(tm) =	ssettm $0x7FFFFFFF  }
0xc3: {  	_ =	shalt  }
tec
execute0_lowered:
.L_overlay_start_1:
0x0: {  	(tag) =	ssettag $0x1  }
0x1: {  	v2 =	vimm.f32 $0.0e+00;
	v3 =	vimm.s32 $0x0;
	v5 =	vimm.s32 $0x76543210  }
0x2: {  	v4 =	vlaneseq.u32;
	v6 =	vimm.s32 $0x81800908;
	v7 =	vimm.s32 $0x85848382  }
0x3: {  	vm0 =	vcmask $0x1F10;
	vm15 =	vcmask $0xF00;
	vm3 =	vcmask $0x300  }
0x4: {  	vm11 =	vcmask $0x1310;
	vm2 =	vcmask $0x704;
	vm1 =	vcmask $0xB08  }
0x5: {  	vm14 =	vcmask $0x1714;
	vm13 =	vcmask $0x1B18;
	v5 =	vunpack.c.l.s4.s8 v5  }
0x6: {  	vm12 =	vcmask $0x1F1C;
	vm10 =	vcmask $0x2320;
	v6 =	vunpack.c.0.s8.s32 v6  }
0x7: {  	v8 =	vunpack.c.0.s8.s32 v7;
	v7 =	vimm.s32 $0x89888786;
	v5 =	vunpack.c.0.s8.s32 v5  }
0x8: {  	vm9 =	vcmask $0x2724;
	vm8 =	vcmask $0x2B28;
	v9 =	vunpack.c.0.s8.s32 v7  }
0x9: {  	v6 =	vsel vm0, v8, v6;
	v8 =	vimm.s32 $0x207;
	v5 =	vand.u32 $0xF, v5  }
0xa: {  	v8 =	vsel vm3, $0x182, v8;
	v5 =	vcombine.low v5, v6;
	v6 =	vand.u32 $0xFF, v9  }
0xb: {  	vm7 =	vcmask $0x2F2C;
	v8 =	vsel vm2, $0x183, v8;
	v6 =	vnsel vm15, $0x181, v6  }
0xc: {  	vm0 =	vcmask $0xF0C;
	v8 =	vsel vm1, $0x184, v8;
	v6 =	vsel vm11, $0x100, v6  }
0xd: {  	s1 =	srdreg.scid;
	s0 =	stileid.u32;
	vm5 =	vcmask $0x3330;
	v8 =	vsel vm0, $0x185, v8;
	v6 =	vsel vm14, $0x101, v6  }
0xe: {  	vm4 =	vcmask $0x3734;
	s6 =	sand.u32 $0x1, s1;
	s30 =	sshll.u32 s0, $0x1;
	v8 =	vsel vm11, $0x186, v8;
	v6 =	vsel vm13, $0x102, v6  }
0xf: {  	vm6 =	vcmask $0x3B38;
	s7 =	sor.u32 s6, s30;
	v8 =	vsel vm14, $0x187, v8;
	v6 =	vsel vm12, $0x103, v6  }
0x10: {  	v7 =	vimm.s32 $0x9;
	s1 =	sshll.u32 s7, $0x2;
	s3 =	sshllo.u32 s7, $0x2;
	v8 =	vsel vm13, $0x188, v8;
	v6 =	vsel vm10, $0x104, v6  }
0x11: {  	s2 =	sadd.s32 $0xFFFFFFF7, s1;
	v1 =	vmov s3;
	v8 =	vsel vm12, $0x189, v8;
	v6 =	vsel vm9, $0x105, v6  }
0x12: {  	v0 =	vmov s2;
	v8 =	vsel vm10, $0x200, v8;
	v6 =	vsel vm8, $0x106, v6  }
0x13: {  	v9 =	vsel vm9, $0x201, v8;
	v8 =	vand.u32 $0xFF, v5;
	v6 =	vsel vm7, $0x107, v6  }
0x14: {  	v5 =	vsel vm5, $0x108, v6;
	v6 =	vsel vm8, $0x202, v9;
	v9 =	vimm.s32 $0x303  }
0x15: {  	v6 =	vsel vm7, $0x203, v6;
	v5 =	vsel vm4, $0x109, v5;
	v9 =	vsel vm3, $0x208, v9  }
0x16: {  	v6 =	vsel vm5, $0x204, v6;
	v11 =	vsel vm2, $0x209, v9;
	v9 =	vsel vm6, $0x180, v5  }
0x17: {  	v6 =	vsel vm4, $0x205, v6;
	v5 =	vsel vm1, $0x280, v11;
	v11 =	vimm.s32 $0x485  }
0x18: {  	v10 =	vsel vm6, $0x206, v6;
	v5 =	vsel vm0, $0x281, v5;
	v6 =	vimm.s32 $0x389  }
0x19: {  	v11 =	vsel vm3, $0x400, v11;
	v5 =	vsel vm11, $0x282, v5;
	v6 =	vsel vm3, $0x304, v6  }
0x1a: {  	v11 =	vsel vm2, $0x401, v11;
	v5 =	vsel vm14, $0x283, v5;
	v6 =	vsel vm2, $0x305, v6  }
0x1b: {  	v11 =	vsel vm1, $0x402, v11;
	v5 =	vsel vm13, $0x284, v5;
	v6 =	vsel vm1, $0x306, v6  }
0x1c: {  	v11 =	vsel vm0, $0x403, v11;
	v5 =	vsel vm12, $0x285, v5;
	v6 =	vsel vm0, $0x307, v6  }
0x1d: {  	v11 =	vsel vm11, $0x404, v11;
	v5 =	vsel vm10, $0x286, v5;
	v6 =	vsel vm11, $0x308, v6  }
0x1e: {  	s5 =	rddreg [dreg:$0x0];
	v11 =	vsel vm14, $0x405, v11;
	v5 =	vsel vm9, $0x287, v5;
	v6 =	vsel vm14, $0x309, v6  }
0x1f: {  	s8 =	rddreg [dreg:$0x1];
	v11 =	vsel vm13, $0x406, v11;
	v5 =	vsel vm8, $0x288, v5;
	v6 =	vsel vm13, $0x380, v6  }
0x20: {  	s13 =	simm.s32 $0x12000;
	s14 =	simm.s32 $0x1;
	s15 =	simm.s32 $0x3;
	v11 =	vsel vm12, $0x407, v11;
	v5 =	vsel vm7, $0x289, v5;
	v6 =	vsel vm12, $0x381, v6  }
0x21: {  	s16 =	simm.s32 $0x0;
	s4 =	sadd.s32 $0x1400, s5;
	s5 =	sadd.s32 $0x1000, s5;
	v11 =	vsel vm10, $0x408, v11;
	v5 =	vsel vm5, $0x300, v5;
	v6 =	vsel vm10, $0x382, v6  }
0x22: {  	s31 =	sshll.u32 s0, $0x3;
	s9 =	ssub.s32 $0x2, s6;
	s11 =	sshll.u32 s6, $0x2;
	v12 =	vsel vm9, $0x409, v11;
	v5 =	vsel vm4, $0x301, v5;
	v6 =	vsel vm9, $0x383, v6  }
.Ltmp0:
0x23: {  	s10 =	sshrl.u32 s9, $0x1;
	s12 =	sshll.u32 s7, $0xD;
	v11 =	vsel vm6, $0x302, v5;
	v5 =	vsel vm8, $0x384, v6;
	v6 =	vsel vm8, $0x480, v12;
	(pc) =	sbr.rel .LBB2_1-.Ltmp0, $4  }
0x24: {  	s7 =	sor.u32 s11, s31;
	s11 =	simm.s32 $0x10000;
	s3 =	simm.s32 $0x0;
	v12 =	vsel vm3, $0x486, v3;
	v5 =	vsel vm7, $0x385, v5;
	v6 =	vsel vm7, $0x481, v6  }
0x25: {  	s9 =	ssub.s32 s9, s10;
	s6 =	sadd.s32 $0x4, s1;
	s8 =	sadd.s32 s8, s12;
	v12 =	vsel vm2, $0x487, v12;
	v5 =	vsel vm5, $0x386, v5;
	v6 =	vsel vm5, $0x482, v6  }
0x26: {  	s10 =	ssub.s32 $0x0, s7;
	s12 =	simm.s32 $0x2;
	[smem:$0x7FF] =	sst s3;
	v14 =	vsel vm1, $0x488, v12;
	v5 =	vsel vm4, $0x387, v5;
	v6 =	vsel vm4, $0x483, v6  }
0x27: {  	s2 =	rddreg [dreg:$0x2];
	s9 =	smax.u32 s9, $0x1;
	_ =	strace $0x80000047;
	v14 =	vsel vm0, $0x489, v14;
	v12 =	vsel vm6, $0x388, v5;
	v13 =	vsel vm6, $0x484, v6  }
.LBB2_30:
0x28: {  	s16 =	sadd.s32 $0x1, s16  }
0x29: {  	p0 =	sne.s32 s16, s9  }
.Ltmp1:
0x2a: {  	_ = 	snop;
	(pc) =	sbr.rel @!p0 .LBB2_31-.Ltmp1, $4  }
0x2b: {  	[hbm4b:s8+s3] =	stream.linear.scatter [tilespmem:s3], [sflag:$0x3], $0x10000, $0x38;
	[tilespmem:$0x16010] =	vst v63  }
0x2c: {  	_ =	swait.ge [sflag:s15], $0x10000  }
0x2d: {  	[sflag:s15] =	ssyncset.done $0x0  }
0x2e: {  	[sflag:s15] =	ssyncadd.s32 $0xFFFF0000  }
.LBB2_1:
0x2f: {  	[tilespmem:s11], [sflag:$0x2] =	stream.linear.gather [hbm4b:s5+s3], $0x2000, $0x38;
	[tilespmem:$0x16010] =	vst v63  }
0x30: {  	s18 =	simm.s32 $0x100;
	s17 =	simm.s32 $0x0  }
.LBB2_2:
0x31: {  	p0 =	sne.s32 s18, $0x3FF00;
	[tilespmem:s17+$0x30] =	vst v2;
	s19 =	smov.u32 s18;
	s18 =	sadd.s32 $0x100, s18  }
.Ltmp2:
0x32: {  	[tilespmem:s17+$0x20] =	vst v2;
	(pc) =	sbr.rel @p0 .LBB2_2-.Ltmp2, $3  }
0x33: {  	[tilespmem:s17+$0x0] =	vst v2  }
0x34: {  	[tilespmem:s17+$0x10] =	vst v2;
	_ =	sdelay $0x1  }
0x35: {  	s17 =	sshra.s32 s19, $0x2  }
0x36: {  	[tilespmem:s17+$0x30] =	vst v2  }
0x37: {  	[tilespmem:s17+$0x20] =	vst v2  }
0x38: {  	[tilespmem:s17+$0x0] =	vst v2  }
0x39: {  	[tilespmem:s17+$0x10] =	vst v2  }
0x3a: {  	_ =	swait.ge [sflag:s12], $0x2000  }
0x3b: {  	[sflag:s12] =	ssyncset.done $0x0  }
0x3c: {  	s18 =	simm.s32 $0x10000;
	[sflag:s12] =	ssyncadd.s32 $0xFFFFE000  }
0x3d: {  	v6 =	vimm.s32 $0x0;
	s17 =	simm.s32 $0x0;
	s19 =	simm.s32 $0x10;
	v5 =	vimm.s32 $0x0;
	v15 =	vld [tilespmem:s18+$0x0]  }
.LBB2_4:
0x3e: {  	p0 =	sne.s32 s19, $0x1FF0;
	_ =	sdelay $0x3  }
0x3f: {  	vm0 =	vge.s32 v15, v0;
	vm1 =	vle.s32 v15, v1  }
0x40: {  	vm0 =	vmand vm0, vm1  }
0x41: {  	v15 =	vsel vm0, $0x1, v3;
	v16 =	vmpcnt.ones.xlane vm0  }
0x42: {  	(xrf0) =	vadd.scan.msk.s32 $0xffff, v15  }
0x43: {  	v6 =	vadd.s32 v6, v16;
	_ =	sdelay $0x4  }
0x44: {  	v15, _, _ =	vpop (xrf0)  }
0x45: {  	v15 =	vadd.s32 v15, v5;
	v5 =	vmov v6  }
0x46: {  	v15 =	vadd.s32 $0xFFFFFFFF, v15;
	_ =	sdelay $0x1  }
.Ltmp3:
0x47: {  	(pc) =	sbr.rel @p0 .LBB2_4-.Ltmp3, $4  }
0x48: {  	_ = 	snop  }
0x49: {  	v16 =	vor.u32 s17, v4;
	s17 =	smov.u32 s19  }
0x4a: {  	s18 =	sadd.s32 $0x10, s18;
	[tilespmem:v15+s13+$0x0] =	vst.idx.msk vm0, v16  }
0x4b: {  	s19 =	sadd.s32 $0x10, s19;
	v15 =	vld [tilespmem:s18+$0x0]  }
0x4c: {  	_ =	sdelay $0x3  }
0x4d: {  	vm0 =	vge.s32 v15, v0;
	vm1 =	vle.s32 v15, v1  }
0x4e: {  	vm0 =	vmand vm0, vm1  }
0x4f: {  	v15 =	vmpcnt.ones.xlane vm0;
	_ =	sdelay $0x1  }
0x50: {  	v16 =	vsel vm0, $0x1, v3;
	v6 =	vadd.s32 v6, v15  }
0x51: {  	(xrf0) =	vadd.scan.msk.s32 $0xffff, v16;
	v6 =	vxor.u32 $0x80000000, v6  }
0x52: {  	(xrf0) =	vmax.scan.msk.u32 $0xffff, v6;
	_ =	sdelay $0x4  }
0x53: {  	v6, _, _ =	vpop (xrf0)  }
0x54: {  	v15, _, _ =	vpop (xrf0)  }
0x55: {  	(v2sf) =	vpush v15, $0xF;
	_ =	sdelay $0xe  }
0x56: {  	s18 =	spop (v2sf)  }
0x57: {  	v5 =	vadd.s32 v6, v5;
	s19 =	sadd.s32 $0x8000000F, s18  }
0x58: {  	v5 =	vadd.s32 $0xFFFFFFFF, v5;
	s18 =	sxor.u32 $0x80000000, s18;
	s20 =	sand.u32 $0xF, s19  }
0x59: {  	v6 =	vadd.s32 s18, v4;
	s26 =	sshra.s32 s19, $0x1F;
	p1 =	slt.s32 s19, $0x1;
	p0 =	sne.s32 s20, $0x0  }
0x5a: {  	s18 =	sshrl.u32 s26, $0x1C;
	p0 =	por !p1, !p0  }
0x5b: {  	s18 =	sadd.s32 s18, s19;
	s19 =	simm.s32 $0x1;
	p0 =	por !p0, !p0  }
0x5c: {  	v15 =	vor.u32 s17, v4;
	s28 =	sshra.s32 s18, $0x4;
	s19 =	simm.s32 @!p0 $0x0  }
0x5d: {  	[tilespmem:v5+s13+$0x0] =	vst.idx.msk vm0, v15;
	v5 =	vimm.s32 $0x2000;
	s17 =	ssub.s32 s28, s19  }
0x5e: {  	[tilespmem:v6+s13+$0x0] =	vst.idx.msk $0xffff, v5;
	p0 =	slt.s32 s17, $0x1  }
0x5f: {  	v5 =	vld @!p0 [tilespmem:$0x12000];
	_ =	sdelay $0x4  }
0x60: {  	s29 =	sadd.s32 $0x1, s17  }
0x61: {  	p5 =	slt.s32 s17, $0x0;
	s30 =	sand.u32 $0x1, s29  }
0x62: {  	vm0 =	vmmov @!p0 $0xffff;
	s18 =	simm.s32 @!p0 $0x0;
	s19 =	simm.s32 @!p0 $0x14010;
	p6 =	seq.s32 s30, $0x1  }
0x63: {  	[tilespmem:s19], [sflag:$0x1] =	stream.indirect_vreg.gather @!p0 [hbm4b:s4+s18], $0x100, v5, vm0, $0xb8;
	[tilespmem:$0x16010] =	vst v63  }
0x64: {  	s31 =	sshrl.u32 s29, $0x1F;
	p0 =	por !p5, !p6  }
0x65: {  	s18 =	sadd.s32 s31, s29;
	s19 =	simm.s32 $0x1;
	p0 =	por !p0, !p0  }
0x66: {  	s18 =	sshra.s32 s18, $0x1;
	s19 =	simm.s32 @!p0 $0x0  }
0x67: {  	s18 =	ssub.s32 s18, s19  }
0x68: {  	p0 =	slt.s32 s18, $0x1  }
.Ltmp4:
0x69: {  	_ = 	snop;
	(pc) =	sbr.rel @p0 .LBB2_30-.Ltmp4, $1  }
0x6a: {  	_ =	sdelay $0x3  }
.Ltmp5:
0x6b: {  	(pc) =	sbr.rel .LBB2_7-.Ltmp5, $2  }
0x6c: {  	_ =	sdelay $0x2  }
0x6d: {  	s19 =	sadd.s32 $0xFFFFFFFF, s17;
	s20 =	simm.s32 $0x0  }
.LBB2_29:
0x6e: {  	s20 =	sadd.s32 $0x1, s20  }
0x6f: {  	p0 =	sne.s32 s20, s18  }
.Ltmp6:
0x70: {  	_ = 	snop;
	(pc) =	sbr.rel @!p0 .LBB2_30-.Ltmp6, $1  }
0x71: {  	_ =	sdelay $0x3  }
.LBB2_7:
0x72: {  	s21 =	sshll.u32 s20, $0x1  }
0x73: {  	p0 =	sge.s32 s21, s17  }
.Ltmp7:
0x74: {  	_ = 	snop;
	(pc) =	sbr.rel @p0 .LBB2_18-.Ltmp7, $1  }
0x75: {  	_ =	sdelay $0x3  }
0x76: {  	s22 =	sor.u32 $0x1, s21  }
0x77: {  	p0 =	sge.s32 s22, s17  }
0x78: {  	s22 =	sshll.u32 @!p0 s22, $0x6  }
0x79: {  	s22 =	sshra.s32 @!p0 s22, $0x2  }
0x7a: {  	v5 =	vld @!p0 [tilespmem:s22+$0x12000];
	_ =	sdelay $0x6  }
.Ltmp8:
0x7b: {  	vm0 =	vmmov @!p0 $0xffff;
	s23 =	simm.s32 @!p0 $0x15010;
	s22 =	simm.s32 @!p0 $0x0;
	(pc) =	sbr.rel .LBB2_9-.Ltmp8, $4  }
0x7c: {  	[tilespmem:s23], [sflag:$0x2] =	stream.indirect_vreg.gather @!p0 [hbm4b:s4+s22], $0x100, v5, vm0, $0xb8;
	[tilespmem:$0x16010] =	vst v63  }
0x7d: {  	_ =	swait.ge [sflag:s14], $0x1000  }
0x7e: {  	[sflag:s14] =	ssyncset.done $0x0  }
0x7f: {  	s22 =	simm.s32 $0x0;
	[sflag:s14] =	ssyncadd.s32 $0xFFFFF000  }
.LBB2_11:
0x80: {  	_ = 	snop  }
.LBB2_16:
0x81: {  	v5 =	vadd.f32 v5, v62;
	v26 =	vmul.f32 v49, v28  }
0x82: {  	v6 =	vadd.f32 v6, v55  }
0x83: {  	v27 =	vadd.f32 v47, v30;
	v40 =	vmul.f32 $1.442695020e+00, v5;
	v26 =	vadd.f32 v63, v26  }
0x84: {  	v45 =	vadd.f32 v58, v54;
	v23 =	vadd.f32 v47, v23;
	v29 =	vmul.f32 $1.442695020e+00, v6  }
0x85: {  	v27 =	vadd.f32 v27, v50;
	v31 =	vmul.f32 $1.442695020e+00, v26;
	(erf) = vpow2.f32 v40  }
0x86: {  	v49 =	vmul.f32 $1.442695020e+00, v45;
	v23 =	vadd.f32 v23, v51;
	(erf) = vpow2.f32 v29  }
0x87: {  	v50 =	vmul.f32 $1.442695020e+00, v27;
	(erf) = vpow2.f32 v31  }
0x88: {  	v51 =	vmul.f32 $1.442695020e+00, v23;
	(erf) = vpow2.f32 v49  }
0x89: {  	(erf) = vpow2.f32 v50  }
0x8a: {  	v24 =	vadd.f32 v47, v24;
	(erf) = vpow2.f32 v51;
	_ =	sdelay $0x1  }
0x8b: {  	v24 =	vadd.f32 v24, v42;
	_ =	sdelay $0x1  }
0x8c: {  	v54 =	vmul.f32 $1.442695020e+00, v24;
	v55 =	vpop (erf)  }
0x8d: {  	v32 =	vmul.f32 @p0 v56, v15;
	v56 =	vpop (erf)  }
0x8e: {  	[tilespmem:v48+s3+$0x0] =	vst.idx.add.f32.msk @p0 $0xffff, v52;
	v33 =	vnsel @p0 vm4, $0x0, v61;
	(erf) = vpow2.f32 v54;
	v36 =	vpop (erf)  }
0x8f: {  	v35 =	vmul.f32 @p0 v60, v15;
	v20 =	vadd.s32 s25, v20;
	v22 =	vadd.s32 s25, v22;
	[tilespmem:v46+s3+$0x0] =	vst.idx.add.f32.msk @p0 $0xffff, v33;
	v37 =	vpop (erf)  }
0x90: {  	v17 =	vadd.s32 s25, v17;
	v33 =	vnsel @p0 vm2, $0x0, v57;
	[tilespmem:v44+s3+$0x0] =	vst.idx.add.f32.msk @p0 $0xffff, v53;
	v29 =	vmul.f32 @p0 v59, v15;
	v58 =	vpop (erf)  }
0x91: {  	v18 =	vadd.s32 s25, v18;
	v32 =	vnsel @p0 vm1, $0x0, v32;
	vm9 =	vge.f32 v5, $-4.500000000e+00;
	[tilespmem:v25+s3+$0x0] =	vst.idx.add.f32.msk @p0 $0xffff, v33;
	v59 =	vpop (erf)  }
0x92: {  	[tilespmem:v43+s3+$0x0] =	vst.idx.add.f32.msk @p0 $0xffff, v32;
	v29 =	vnsel @p0 vm0, $0x0, v29;
	v31 =	vmul.f32 v55, v15;
	v5 =	vmul.f32 v59, v15  }
0x93: {  	v19 =	vadd.s32 s25, v19;
	v25 =	vnsel @p0 vm3, $0x0, v35;
	vm10 =	vge.f32 v23, $-4.500000000e+00;
	[tilespmem:v41+s3+$0x0] =	vst.idx.add.f32.msk @p0 $0xffff, v29  }
0x94: {  	[tilespmem:v34+s3+$0x0] =	vst.idx.add.f32.msk @p0 $0xf, v25;
	v28 =	vmul.f32 v56, v15;
	v60 =	vnsel vm9, $0x0, v31;
	v5 =	vnsel vm10, $0x0, v5  }
0x95: {  	v21 =	vadd.s32 s25, v21;
	vm11 =	vge.f32 v6, $-4.500000000e+00;
	v6 =	vmul.f32 v36, v15;
	[tilespmem:v20+s3+$0x0] =	vst.idx.add.f32.msk $0xffff, v60  }
0x96: {  	vm12 =	vge.f32 v26, $-4.500000000e+00;
	v61 =	vnsel vm11, $0x0, v28;
	v62 =	vmul.f32 v37, v15;
	[tilespmem:v17+s3+$0x0] =	vst.idx.add.f32.msk $0xffff, v5  }
0x97: {  	vm13 =	vge.f32 v45, $-4.500000000e+00;
	v63 =	vmul.f32 v58, v15;
	v6 =	vnsel vm12, $0x0, v6;
	[tilespmem:v18+s3+$0x0] =	vst.idx.add.f32.msk $0xffff, v61;
	v5 =	vpop (erf)  }
0x98: {  	vm14 =	vge.f32 v27, $-4.500000000e+00;
	[tilespmem:v16+s3+$0x0] =	vst.idx.add.f32.msk $0xffff, v6;
	v6 =	vnsel vm13, $0x0, v62;
	v5 =	vmul.f32 v5, v15  }
0x99: {  	vm15 =	vge.f32 v24, $-4.500000000e+00;
	v15 =	vnsel vm14, $0x0, v63;
	[tilespmem:v19+s3+$0x0] =	vst.idx.add.f32.msk $0xffff, v6  }
0x9a: {  	[tilespmem:v21+s3+$0x0] =	vst.idx.add.f32.msk $0xffff, v15;
	v5 =	vnsel vm15, $0x0, v5  }
0x9b: {  	[tilespmem:v22+s3+$0x0] =	vst.idx.add.f32.msk $0xf, v5  }
.LBB2_17:
0x9c: {  	s22 =	sadd.s32 $0x1, s22  }
0x9d: {  	p0 =	sne.s32 s22, $0x10  }
.Ltmp9:
0x9e: {  	_ = 	snop;
	(pc) =	sbr.rel @!p0 .LBB2_18-.Ltmp9, $1  }
0x9f: {  	_ =	sdelay $0x3  }
.LBB2_9:
0xa0: {  	s23 =	sshll.u32 s22, $0x8  }
0xa1: {  	s24 =	sand.u32 $0x3FFFFF00, s23  }
0xa2: {  	v5 =	vld [tilespmem:s24+$0x14010];
	_ =	sdelay $0x4  }
0xa3: {  	(v2sf) =	vpush v5, $0xA;
	_ =	sdelay $0xe  }
0xa4: {  	s28 =	spop (v2sf)  }
0xa5: {  	s25 =	sshra.s32 s28, $0xE  }
0xa6: {  	s26 =	smov.u32 s1;
	s29 =	sadd.s32 $0xA, s25  }
0xa7: {  	s23 =	smov.u32 s6;
	p0 =	sgt.s32 s25, s1;
	p1 =	slt.s32 s29, s6  }
0xa8: {  	s26 =	smov.u32 @p0 s25;
	s23 =	smov.u32 @p1 s29  }
0xa9: {  	p0 =	sge.s32 s26, s23  }
.Ltmp10:
0xaa: {  	_ = 	snop;
	(pc) =	sbr.rel @p0 .LBB2_17-.Ltmp10, $1  }
0xab: {  	_ =	sdelay $0x3  }
0xac: {  	v25 =	vld [tilespmem:s24+$0x14020]  }
0xad: {  	v26 =	vld [tilespmem:s24+$0x14090]  }
0xae: {  	v27 =	vld [tilespmem:s24+$0x140A0];
	v6 =	vmov s26  }
0xaf: {  	v29 =	vld [tilespmem:s24+$0x14040];
	v6 =	vcvt.s32.f32 v6  }
0xb0: {  	v31 =	vld [tilespmem:s24+$0x140B0];
	v15 =	vimm.s32 $0x6  }
0xb1: {  	v33 =	vld [tilespmem:s24+$0x140F0];
	v32 =	vperm.xlane v5, v15;
	v6 =	vbroadcast v6, $0x0  }
0xb2: {  	v35 =	vld [tilespmem:s24+$0x140D0]  }
0xb3: {  	v36 =	vperm.xlane v5, v3;
	s28 =	sand.u32 $0x3FFF, s28;
	v37 =	vld [tilespmem:s24+$0x140E0];
	v49 =	vsub.f32 v6, v32  }
0xb4: {  	v38 =	vld [tilespmem:s24+$0x14060];
	p0 =	sgt.s32 s25, s7;
	s29 =	smov.u32 s7;
	s26 =	sadd.s32 $0x1, s26;
	v15 =	vperm.xlane v5, v7;
	v20 =	vadd.s32 s28, v8;
	v17 =	vadd.s32 s28, v9  }
0xb5: {  	v39 =	vld [tilespmem:s24+$0x14050];
	s29 =	smov.u32 @p0 s25;
	v18 =	vadd.s32 s28, v10;
	v40 =	vadd.s32 s28, v11;
	p1 =	slt.s32 s26, s23;
	v5 =	vmul.f32 v49, v36  }
.Ltmp11:
0xb6: {  	v28 =	vld [tilespmem:s24+$0x140C0];
	v19 =	vadd.s32 s28, v12;
	v21 =	vadd.s32 s28, v13;
	s25 =	sadd.s32 s29, s10;
	v42 =	vmul.f32 v49, v33;
	(pc) =	sbr.rel @!p1 .LBB2_11-.Ltmp11, $4  }
0xb7: {  	v30 =	vld [tilespmem:s24+$0x14070];
	v22 =	vadd.s32 s28, v14;
	s25 =	sshll.u32 s25, $0xE;
	v55 =	vmul.f32 v49, v31;
	v47 =	vmul.f32 v5, v49  }
0xb8: {  	v16 =	vadd.s32 s25, v40;
	v50 =	vmul.f32 v49, v37;
	v54 =	vmul.f32 v49, v35  }
0xb9: {  	v23 =	vld [tilespmem:s24+$0x14030];
	v62 =	vmul.f32 v49, v26;
	v5 =	vadd.f32 v47, v25;
	v58 =	vadd.f32 v47, v38  }
0xba: {  	v24 =	vld [tilespmem:s24+$0x14080];
	p0 =	por $0x0, $0x0;
	v51 =	vmul.f32 v49, v27;
	v6 =	vadd.f32 v47, v29;
	v63 =	vadd.f32 v47, v39  }
0xbb: {  	v5 =	vadd.f32 v5, v62;
	_ =	sdelay $0x1  }
0xbc: {  	v34 =	vmul.f32 v49, v28;
	v41 =	vmul.f32 $1.442695020e+00, v5  }
0xbd: {  	v6 =	vadd.f32 v6, v55  }
0xbe: {  	v61 =	vadd.f32 v47, v30;
	v53 =	vadd.f32 v63, v34;
	(erf) = vpow2.f32 v41  }
0xbf: {  	v52 =	vadd.f32 v58, v54;
	v60 =	vmov s26;
	v43 =	vmul.f32 $1.442695020e+00, v6  }
0xc0: {  	v44 =	vadd.f32 v47, v23;
	v63 =	vadd.f32 v61, v50;
	v62 =	vmul.f32 $1.442695020e+00, v53  }
0xc1: {  	v54 =	vmul.f32 $1.442695020e+00, v52;
	v55 =	vadd.f32 v47, v24;
	(erf) = vpow2.f32 v43  }
0xc2: {  	v57 =	vadd.f32 v44, v51;
	v59 =	vmul.f32 $1.442695020e+00, v63;
	(erf) = vpow2.f32 v62  }
0xc3: {  	s24 =	sadd.s32 $0x4000, s25;
	v51 =	vadd.f32 v55, v42;
	v42 =	vcvt.s32.f32 v60;
	(erf) = vpow2.f32 v54  }
0xc4: {  	v45 =	vadd.s32 s24, v40;
	v46 =	vmul.f32 $1.442695020e+00, v57;
	(erf) = vpow2.f32 v59  }
0xc5: {  	v34 =	vadd.s32 s25, v22;
	v61 =	vmul.f32 $1.442695020e+00, v51;
	v42 =	vbroadcast v42, $0x0  }
0xc6: {  	vm2 =	vge.f32 v5, $-4.500000000e+00;
	vm1 =	vge.f32 v52, $-4.500000000e+00;
	(erf) = vpow2.f32 v46  }
0xc7: {  	v41 =	vadd.s32 s25, v21;
	v49 =	vsub.f32 v42, v32;
	v48 =	vpop (erf);
	(erf) = vpow2.f32 v61  }
0xc8: {  	v44 =	vadd.s32 s25, v18;
	v43 =	vadd.s32 s25, v19;
	vm0 =	vge.f32 v63, $-4.500000000e+00  }
0xc9: {  	v46 =	vadd.s32 s25, v17;
	v63 =	vmul.f32 v49, v36;
	v42 =	vmul.f32 v49, v33  }
0xca: {  	v55 =	vmul.f32 v49, v31;
	v62 =	vmul.f32 v48, v15;
	v48 =	vadd.s32 s25, v20;
	s25 =	sadd.s32 $0x1, s26  }
0xcb: {  	vm3 =	vge.f32 v6, $-4.500000000e+00;
	v50 =	vmul.f32 v49, v37;
	v54 =	vmul.f32 v49, v35;
	v5 =	vpop (erf);
	p1 =	slt.s32 s25, s23  }
.Ltmp12:
0xcc: {  	vm4 =	vge.f32 v57, $-4.500000000e+00;
	v47 =	vmul.f32 v63, v49;
	v5 =	vmul.f32 v5, v15;
	v6 =	vpop (erf);
	(pc) =	sbr.rel @!p1 .LBB2_13-.Ltmp12, $4  }
0xcd: {  	v52 =	vnsel vm2, $0x0, v62;
	vm2 =	vge.f32 v53, $-4.500000000e+00;
	v56 =	vpop (erf);
	v62 =	vmul.f32 v49, v26  }
0xce: {  	v58 =	vadd.f32 v47, v38;
	v57 =	vmul.f32 v6, v15;
	v6 =	vadd.f32 v47, v29;
	v59 =	vpop (erf)  }
0xcf: {  	v63 =	vadd.f32 v47, v39;
	v53 =	vnsel vm3, $0x0, v5;
	v5 =	vadd.f32 v47, v25;
	v60 =	vpop (erf)  }
0xd0: {  	p0 =	por $0x1, $0x1;
	s26 =	smov.u32 s24;
	vm3 =	vge.f32 v51, $-4.500000000e+00;
	v51 =	vmul.f32 v49, v27;
	v61 =	vmul.f32 v60, v15;
	v60 =	vpop (erf)  }
.LBB2_14:
0xd1: {  	v5 =	vadd.f32 v5, v62;
	v49 =	vmul.f32 v49, v28;
	v59 =	vmul.f32 v59, v15;
	s28 =	smov.u32 s25;
	s25 =	sadd.s32 $0x1, s25  }
0xd2: {  	v56 =	vmul.f32 v56, v15;
	p1 =	slt.s32 s25, s23;
	v6 =	vadd.f32 v6, v55;
	v55 =	vadd.f32 v47, v30  }
0xd3: {  	v62 =	vmul.f32 $1.442695020e+00, v5;
	v63 =	vadd.f32 v63, v49;
	v49 =	vmul.f32 v60, v15  }
0xd4: {  	v54 =	vadd.f32 v58, v54;
	v60 =	vmul.f32 $1.442695020e+00, v6;
	[tilespmem:v48+s3+$0x0] =	vst.idx.add.f32.msk $0xffff, v52;
	v48 =	vnsel vm4, $0x0, v61  }
0xd5: {  	v52 =	vmul.f32 $1.442695020e+00, v63;
	(erf) = vpow2.f32 v62;
	[tilespmem:v46+s3+$0x0] =	vst.idx.add.f32.msk $0xffff, v48;
	v46 =	vnsel vm2, $0x0, v57  }
0xd6: {  	v50 =	vadd.f32 v55, v50;
	v48 =	vadd.f32 v47, v23;
	v57 =	vmul.f32 $1.442695020e+00, v54;
	[tilespmem:v44+s3+$0x0] =	vst.idx.add.f32.msk $0xffff, v53  }
0xd7: {  	v44 =	vnsel vm1, $0x0, v56;
	(erf) = vpow2.f32 v60;
	[tilespmem:v16+s3+$0x0] =	vst.idx.add.f32.msk $0xffff, v46;
	v46 =	vnsel vm0, $0x0, v59;
	v16 =	vmovc v45  }
0xd8: {  	s26 =	sadd.s32 $0x4000, s26;
	v47 =	vadd.f32 v47, v24;
	(erf) = vpow2.f32 v52;
	[tilespmem:v43+s3+$0x0] =	vst.idx.add.f32.msk $0xffff, v44;
	v43 =	vnsel vm3, $0x0, v49  }
0xd9: {  	v45 =	vadd.s32 s26, v40;
	v58 =	vadd.f32 v48, v51;
	v44 =	vmul.f32 $1.442695020e+00, v50;
	[tilespmem:v41+s3+$0x0] =	vst.idx.add.f32.msk $0xffff, v46  }
0xda: {  	v51 =	vadd.f32 v47, v42;
	(erf) = vpow2.f32 v57;
	[tilespmem:v34+s3+$0x0] =	vst.idx.add.f32.msk $0xf, v43;
	v34 =	vadd.s32 s24, v22  }
0xdb: {  	v41 =	vmov s28;
	v42 =	vmul.f32 $1.442695020e+00, v58;
	(erf) = vpow2.f32 v44  }
0xdc: {  	v47 =	vmul.f32 $1.442695020e+00, v51;
	v46 =	vcvt.s32.f32 v41;
	v41 =	vadd.s32 s24, v21  }
0xdd: {  	v43 =	vadd.s32 s24, v19;
	v44 =	vadd.s32 s24, v18;
	(erf) = vpow2.f32 v42  }
0xde: {  	v42 =	vbroadcast v46, $0x0;
	v46 =	vadd.s32 s24, v17;
	v48 =	vpop (erf);
	(erf) = vpow2.f32 v47  }
0xdf: {  	vm0 =	vge.f32 v50, $-4.500000000e+00;
	v47 =	vmul.f32 v48, v15;
	v48 =	vadd.s32 s24, v20;
	s24 =	smov.u32 s26  }
0xe0: {  	vm2 =	vge.f32 v5, $-4.500000000e+00;
	vm1 =	vge.f32 v54, $-4.500000000e+00;
	v49 =	vsub.f32 v42, v32;
	v5 =	vpop (erf)  }
0xe1: {  	v52 =	vnsel vm2, $0x0, v47;
	v5 =	vmul.f32 v5, v15;
	vm2 =	vge.f32 v63, $-4.500000000e+00;
	v57 =	vpop (erf)  }
0xe2: {  	vm3 =	vge.f32 v6, $-4.500000000e+00;
	v47 =	vmul.f32 v49, v36;
	v42 =	vmul.f32 v49, v33  }
.Ltmp13:
0xe3: {  	v55 =	vmul.f32 v49, v31;
	v50 =	vmul.f32 v49, v37;
	v53 =	vnsel vm3, $0x0, v5;
	v56 =	vpop (erf);
	(pc) =	sbr.rel @p1 .LBB2_14-.Ltmp13, $4  }
0xe4: {  	v54 =	vmul.f32 v49, v35;
	v47 =	vmul.f32 v47, v49;
	vm3 =	vge.f32 v51, $-4.500000000e+00;
	v59 =	vpop (erf)  }
0xe5: {  	vm4 =	vge.f32 v58, $-4.500000000e+00;
	v62 =	vmul.f32 v49, v26;
	v51 =	vmul.f32 v49, v27  }
0xe6: {  	v57 =	vmul.f32 v57, v15;
	v5 =	vadd.f32 v47, v25;
	v58 =	vadd.f32 v47, v38;
	v60 =	vpop (erf)  }
0xe7: {  	v6 =	vadd.f32 v47, v29;
	v63 =	vadd.f32 v47, v39;
	v61 =	vmul.f32 v60, v15;
	v60 =	vpop (erf)  }
.Ltmp14:
0xe8: {  	(pc) =	sbr.rel .LBB2_16-.Ltmp14, $2  }
0xe9: {  	_ =	sdelay $0x2  }
0xea: {  	v25 =	vmov v16;
	v16 =	vmov v45;
	s25 =	smov.u32 s24  }
.LBB2_13:
.Ltmp15:
0xeb: {  	(pc) =	sbr.rel .LBB2_16-.Ltmp15, $2  }
0xec: {  	_ =	sdelay $0x2  }
0xed: {  	v25 =	vmov v16;
	v16 =	vmov v45;
	s25 =	smov.u32 s24  }
.LBB2_18:
0xee: {  	p0 =	sge.s32 s21, s19  }
.Ltmp16:
0xef: {  	_ = 	snop;
	(pc) =	sbr.rel @p0 .LBB2_29-.Ltmp16, $1  }
0xf0: {  	_ =	sdelay $0x3  }
0xf1: {  	s21 =	sadd.s32 $0x2, s21  }
0xf2: {  	p0 =	sge.s32 s21, s17  }
0xf3: {  	s21 =	sshll.u32 @!p0 s21, $0x6  }
0xf4: {  	s21 =	sshra.s32 @!p0 s21, $0x2  }
0xf5: {  	v5 =	vld @!p0 [tilespmem:s21+$0x12000];
	_ =	sdelay $0x6  }
.Ltmp17:
0xf6: {  	vm0 =	vmmov @!p0 $0xffff;
	s22 =	simm.s32 @!p0 $0x14010;
	s21 =	simm.s32 @!p0 $0x0;
	(pc) =	sbr.rel .LBB2_20-.Ltmp17, $4  }
0xf7: {  	[tilespmem:s22], [sflag:$0x1] =	stream.indirect_vreg.gather @!p0 [hbm4b:s4+s21], $0x100, v5, vm0, $0xb8;
	[tilespmem:$0x16010] =	vst v63  }
0xf8: {  	_ =	swait.ge [sflag:s12], $0x1000  }
0xf9: {  	[sflag:s12] =	ssyncset.done $0x0  }
0xfa: {  	s21 =	simm.s32 $0x0;
	[sflag:s12] =	ssyncadd.s32 $0xFFFFF000  }
.LBB2_22:
0xfb: {  	_ = 	snop  }
.LBB2_27:
0xfc: {  	v5 =	vadd.f32 v5, v62;
	v26 =	vmul.f32 v49, v28  }
0xfd: {  	v6 =	vadd.f32 v6, v55  }
0xfe: {  	v27 =	vadd.f32 v47, v30;
	v40 =	vmul.f32 $1.442695020e+00, v5;
	v26 =	vadd.f32 v63, v26  }
0xff: {  	v45 =	vadd.f32 v58, v54;
	v23 =	vadd.f32 v47, v23;
	v29 =	vmul.f32 $1.442695020e+00, v6  }
0x100: {  	v27 =	vadd.f32 v27, v50;
	v31 =	vmul.f32 $1.442695020e+00, v26;
	(erf) = vpow2.f32 v40  }
0x101: {  	v49 =	vmul.f32 $1.442695020e+00, v45;
	v23 =	vadd.f32 v23, v51;
	(erf) = vpow2.f32 v29  }
0x102: {  	v50 =	vmul.f32 $1.442695020e+00, v27;
	(erf) = vpow2.f32 v31  }
0x103: {  	v51 =	vmul.f32 $1.442695020e+00, v23;
	(erf) = vpow2.f32 v49  }
0x104: {  	(erf) = vpow2.f32 v50  }
0x105: {  	v24 =	vadd.f32 v47, v24;
	(erf) = vpow2.f32 v51;
	_ =	sdelay $0x1  }
0x106: {  	v24 =	vadd.f32 v24, v42;
	_ =	sdelay $0x1  }
0x107: {  	v54 =	vmul.f32 $1.442695020e+00, v24;
	v55 =	vpop (erf)  }
0x108: {  	v32 =	vmul.f32 @p0 v56, v15;
	v56 =	vpop (erf)  }
0x109: {  	[tilespmem:v48+s3+$0x0] =	vst.idx.add.f32.msk @p0 $0xffff, v52;
	v33 =	vnsel @p0 vm4, $0x0, v61;
	(erf) = vpow2.f32 v54;
	v36 =	vpop (erf)  }
0x10a: {  	v35 =	vmul.f32 @p0 v60, v15;
	v20 =	vadd.s32 s24, v20;
	v22 =	vadd.s32 s24, v22;
	[tilespmem:v46+s3+$0x0] =	vst.idx.add.f32.msk @p0 $0xffff, v33;
	v37 =	vpop (erf)  }
0x10b: {  	v17 =	vadd.s32 s24, v17;
	v33 =	vnsel @p0 vm2, $0x0, v57;
	[tilespmem:v44+s3+$0x0] =	vst.idx.add.f32.msk @p0 $0xffff, v53;
	v29 =	vmul.f32 @p0 v59, v15;
	v58 =	vpop (erf)  }
0x10c: {  	v18 =	vadd.s32 s24, v18;
	v32 =	vnsel @p0 vm1, $0x0, v32;
	vm9 =	vge.f32 v5, $-4.500000000e+00;
	[tilespmem:v25+s3+$0x0] =	vst.idx.add.f32.msk @p0 $0xffff, v33;
	v59 =	vpop (erf)  }
0x10d: {  	[tilespmem:v43+s3+$0x0] =	vst.idx.add.f32.msk @p0 $0xffff, v32;
	v29 =	vnsel @p0 vm0, $0x0, v29;
	v31 =	vmul.f32 v55, v15;
	v5 =	vmul.f32 v59, v15  }
0x10e: {  	v19 =	vadd.s32 s24, v19;
	v25 =	vnsel @p0 vm3, $0x0, v35;
	vm10 =	vge.f32 v23, $-4.500000000e+00;
	[tilespmem:v41+s3+$0x0] =	vst.idx.add.f32.msk @p0 $0xffff, v29  }
0x10f: {  	[tilespmem:v34+s3+$0x0] =	vst.idx.add.f32.msk @p0 $0xf, v25;
	v28 =	vmul.f32 v56, v15;
	v60 =	vnsel vm9, $0x0, v31;
	v5 =	vnsel vm10, $0x0, v5  }
0x110: {  	v21 =	vadd.s32 s24, v21;
	vm11 =	vge.f32 v6, $-4.500000000e+00;
	v6 =	vmul.f32 v36, v15;
	[tilespmem:v20+s3+$0x0] =	vst.idx.add.f32.msk $0xffff, v60  }
0x111: {  	vm12 =	vge.f32 v26, $-4.500000000e+00;
	v61 =	vnsel vm11, $0x0, v28;
	v62 =	vmul.f32 v37, v15;
	[tilespmem:v17+s3+$0x0] =	vst.idx.add.f32.msk $0xffff, v5  }
0x112: {  	vm13 =	vge.f32 v45, $-4.500000000e+00;
	v63 =	vmul.f32 v58, v15;
	v6 =	vnsel vm12, $0x0, v6;
	[tilespmem:v18+s3+$0x0] =	vst.idx.add.f32.msk $0xffff, v61;
	v5 =	vpop (erf)  }
0x113: {  	vm14 =	vge.f32 v27, $-4.500000000e+00;
	[tilespmem:v16+s3+$0x0] =	vst.idx.add.f32.msk $0xffff, v6;
	v6 =	vnsel vm13, $0x0, v62;
	v5 =	vmul.f32 v5, v15  }
0x114: {  	vm15 =	vge.f32 v24, $-4.500000000e+00;
	v15 =	vnsel vm14, $0x0, v63;
	[tilespmem:v19+s3+$0x0] =	vst.idx.add.f32.msk $0xffff, v6  }
0x115: {  	[tilespmem:v21+s3+$0x0] =	vst.idx.add.f32.msk $0xffff, v15;
	v5 =	vnsel vm15, $0x0, v5  }
0x116: {  	[tilespmem:v22+s3+$0x0] =	vst.idx.add.f32.msk $0xf, v5  }
.LBB2_28:
0x117: {  	s21 =	sadd.s32 $0x1, s21  }
0x118: {  	p0 =	sne.s32 s21, $0x10  }
.Ltmp18:
0x119: {  	_ = 	snop;
	(pc) =	sbr.rel @!p0 .LBB2_29-.Ltmp18, $1  }
0x11a: {  	_ =	sdelay $0x3  }
.LBB2_20:
0x11b: {  	s22 =	sshll.u32 s21, $0x8  }
0x11c: {  	s23 =	sand.u32 $0x3FFFFF00, s22  }
0x11d: {  	v5 =	vld [tilespmem:s23+$0x15010];
	_ =	sdelay $0x4  }
0x11e: {  	(v2sf) =	vpush v5, $0xA;
	_ =	sdelay $0xe  }
0x11f: {  	s26 =	spop (v2sf)  }
0x120: {  	s24 =	sshra.s32 s26, $0xE  }
0x121: {  	s25 =	smov.u32 s1;
	s28 =	sadd.s32 $0xA, s24  }
0x122: {  	s22 =	smov.u32 s6;
	p0 =	sgt.s32 s24, s1;
	p1 =	slt.s32 s28, s6  }
0x123: {  	s25 =	smov.u32 @p0 s24;
	s22 =	smov.u32 @p1 s28  }
0x124: {  	p0 =	sge.s32 s25, s22  }
.Ltmp19:
0x125: {  	_ = 	snop;
	(pc) =	sbr.rel @p0 .LBB2_28-.Ltmp19, $1  }
0x126: {  	_ =	sdelay $0x3  }
0x127: {  	v25 =	vld [tilespmem:s23+$0x15020]  }
0x128: {  	v26 =	vld [tilespmem:s23+$0x15090]  }
0x129: {  	v27 =	vld [tilespmem:s23+$0x150A0];
	v6 =	vmov s25  }
0x12a: {  	v29 =	vld [tilespmem:s23+$0x15040];
	v6 =	vcvt.s32.f32 v6  }
0x12b: {  	v31 =	vld [tilespmem:s23+$0x150B0];
	v15 =	vimm.s32 $0x6  }
0x12c: {  	v33 =	vld [tilespmem:s23+$0x150F0];
	v32 =	vperm.xlane v5, v15;
	v6 =	vbroadcast v6, $0x0  }
0x12d: {  	v35 =	vld [tilespmem:s23+$0x150D0]  }
0x12e: {  	v36 =	vperm.xlane v5, v3;
	s26 =	sand.u32 $0x3FFF, s26;
	v37 =	vld [tilespmem:s23+$0x150E0];
	v49 =	vsub.f32 v6, v32  }
0x12f: {  	v38 =	vld [tilespmem:s23+$0x15060];
	p0 =	sgt.s32 s24, s7;
	s28 =	smov.u32 s7;
	s25 =	sadd.s32 $0x1, s25;
	v15 =	vperm.xlane v5, v7;
	v20 =	vadd.s32 s26, v8;
	v17 =	vadd.s32 s26, v9  }
0x130: {  	v39 =	vld [tilespmem:s23+$0x15050];
	s28 =	smov.u32 @p0 s24;
	v18 =	vadd.s32 s26, v10;
	v40 =	vadd.s32 s26, v11;
	p1 =	slt.s32 s25, s22;
	v5 =	vmul.f32 v49, v36  }
.Ltmp20:
0x131: {  	v28 =	vld [tilespmem:s23+$0x150C0];
	v19 =	vadd.s32 s26, v12;
	v21 =	vadd.s32 s26, v13;
	s24 =	sadd.s32 s28, s10;
	v42 =	vmul.f32 v49, v33;
	(pc) =	sbr.rel @!p1 .LBB2_22-.Ltmp20, $4  }
0x132: {  	v30 =	vld [tilespmem:s23+$0x15070];
	v22 =	vadd.s32 s26, v14;
	s24 =	sshll.u32 s24, $0xE;
	v55 =	vmul.f32 v49, v31;
	v47 =	vmul.f32 v5, v49  }
0x133: {  	v16 =	vadd.s32 s24, v40;
	v50 =	vmul.f32 v49, v37;
	v54 =	vmul.f32 v49, v35  }
0x134: {  	v23 =	vld [tilespmem:s23+$0x15030];
	v62 =	vmul.f32 v49, v26;
	v5 =	vadd.f32 v47, v25;
	v58 =	vadd.f32 v47, v38  }
0x135: {  	v24 =	vld [tilespmem:s23+$0x15080];
	p0 =	por $0x0, $0x0;
	v51 =	vmul.f32 v49, v27;
	v6 =	vadd.f32 v47, v29;
	v63 =	vadd.f32 v47, v39  }
0x136: {  	v5 =	vadd.f32 v5, v62;
	_ =	sdelay $0x1  }
0x137: {  	v34 =	vmul.f32 v49, v28;
	v41 =	vmul.f32 $1.442695020e+00, v5  }
0x138: {  	v6 =	vadd.f32 v6, v55  }
0x139: {  	v61 =	vadd.f32 v47, v30;
	v53 =	vadd.f32 v63, v34;
	(erf) = vpow2.f32 v41  }
0x13a: {  	v52 =	vadd.f32 v58, v54;
	v60 =	vmov s25;
	v43 =	vmul.f32 $1.442695020e+00, v6  }
0x13b: {  	v44 =	vadd.f32 v47, v23;
	v63 =	vadd.f32 v61, v50;
	v62 =	vmul.f32 $1.442695020e+00, v53  }
0x13c: {  	v54 =	vmul.f32 $1.442695020e+00, v52;
	v55 =	vadd.f32 v47, v24;
	(erf) = vpow2.f32 v43  }
0x13d: {  	v57 =	vadd.f32 v44, v51;
	v59 =	vmul.f32 $1.442695020e+00, v63;
	(erf) = vpow2.f32 v62  }
0x13e: {  	s23 =	sadd.s32 $0x4000, s24;
	v51 =	vadd.f32 v55, v42;
	v42 =	vcvt.s32.f32 v60;
	(erf) = vpow2.f32 v54  }
0x13f: {  	v45 =	vadd.s32 s23, v40;
	v46 =	vmul.f32 $1.442695020e+00, v57;
	(erf) = vpow2.f32 v59  }
0x140: {  	v34 =	vadd.s32 s24, v22;
	v61 =	vmul.f32 $1.442695020e+00, v51;
	v42 =	vbroadcast v42, $0x0  }
0x141: {  	vm2 =	vge.f32 v5, $-4.500000000e+00;
	vm1 =	vge.f32 v52, $-4.500000000e+00;
	(erf) = vpow2.f32 v46  }
0x142: {  	v41 =	vadd.s32 s24, v21;
	v49 =	vsub.f32 v42, v32;
	v48 =	vpop (erf);
	(erf) = vpow2.f32 v61  }
0x143: {  	v44 =	vadd.s32 s24, v18;
	v43 =	vadd.s32 s24, v19;
	vm0 =	vge.f32 v63, $-4.500000000e+00  }
0x144: {  	v46 =	vadd.s32 s24, v17;
	v63 =	vmul.f32 v49, v36;
	v42 =	vmul.f32 v49, v33  }
0x145: {  	v55 =	vmul.f32 v49, v31;
	v62 =	vmul.f32 v48, v15;
	v48 =	vadd.s32 s24, v20;
	s24 =	sadd.s32 $0x1, s25  }
0x146: {  	vm3 =	vge.f32 v6, $-4.500000000e+00;
	v50 =	vmul.f32 v49, v37;
	v54 =	vmul.f32 v49, v35;
	v5 =	vpop (erf);
	p1 =	slt.s32 s24, s22  }
.Ltmp21:
0x147: {  	vm4 =	vge.f32 v57, $-4.500000000e+00;
	v47 =	vmul.f32 v63, v49;
	v5 =	vmul.f32 v5, v15;
	v6 =	vpop (erf);
	(pc) =	sbr.rel @!p1 .LBB2_24-.Ltmp21, $4  }
0x148: {  	v52 =	vnsel vm2, $0x0, v62;
	vm2 =	vge.f32 v53, $-4.500000000e+00;
	v56 =	vpop (erf);
	v62 =	vmul.f32 v49, v26  }
0x149: {  	v58 =	vadd.f32 v47, v38;
	v57 =	vmul.f32 v6, v15;
	v6 =	vadd.f32 v47, v29;
	v59 =	vpop (erf)  }
0x14a: {  	v63 =	vadd.f32 v47, v39;
	v53 =	vnsel vm3, $0x0, v5;
	v5 =	vadd.f32 v47, v25;
	v60 =	vpop (erf)  }
0x14b: {  	p0 =	por $0x1, $0x1;
	s25 =	smov.u32 s23;
	vm3 =	vge.f32 v51, $-4.500000000e+00;
	v51 =	vmul.f32 v49, v27;
	v61 =	vmul.f32 v60, v15;
	v60 =	vpop (erf)  }
.LBB2_25:
0x14c: {  	v5 =	vadd.f32 v5, v62;
	v49 =	vmul.f32 v49, v28;
	v59 =	vmul.f32 v59, v15;
	s26 =	smov.u32 s24;
	s24 =	sadd.s32 $0x1, s24  }
0x14d: {  	v56 =	vmul.f32 v56, v15;
	p1 =	slt.s32 s24, s22;
	v6 =	vadd.f32 v6, v55;
	v55 =	vadd.f32 v47, v30  }
0x14e: {  	v62 =	vmul.f32 $1.442695020e+00, v5;
	v63 =	vadd.f32 v63, v49;
	v49 =	vmul.f32 v60, v15  }
0x14f: {  	v54 =	vadd.f32 v58, v54;
	v60 =	vmul.f32 $1.442695020e+00, v6;
	[tilespmem:v48+s3+$0x0] =	vst.idx.add.f32.msk $0xffff, v52;
	v48 =	vnsel vm4, $0x0, v61  }
0x150: {  	v52 =	vmul.f32 $1.442695020e+00, v63;
	(erf) = vpow2.f32 v62;
	[tilespmem:v46+s3+$0x0] =	vst.idx.add.f32.msk $0xffff, v48;
	v46 =	vnsel vm2, $0x0, v57  }
0x151: {  	v50 =	vadd.f32 v55, v50;
	v48 =	vadd.f32 v47, v23;
	v57 =	vmul.f32 $1.442695020e+00, v54;
	[tilespmem:v44+s3+$0x0] =	vst.idx.add.f32.msk $0xffff, v53  }
0x152: {  	v44 =	vnsel vm1, $0x0, v56;
	(erf) = vpow2.f32 v60;
	[tilespmem:v16+s3+$0x0] =	vst.idx.add.f32.msk $0xffff, v46;
	v46 =	vnsel vm0, $0x0, v59;
	v16 =	vmovc v45  }
0x153: {  	s25 =	sadd.s32 $0x4000, s25;
	v47 =	vadd.f32 v47, v24;
	(erf) = vpow2.f32 v52;
	[tilespmem:v43+s3+$0x0] =	vst.idx.add.f32.msk $0xffff, v44;
	v43 =	vnsel vm3, $0x0, v49  }
0x154: {  	v45 =	vadd.s32 s25, v40;
	v58 =	vadd.f32 v48, v51;
	v44 =	vmul.f32 $1.442695020e+00, v50;
	[tilespmem:v41+s3+$0x0] =	vst.idx.add.f32.msk $0xffff, v46  }
0x155: {  	v51 =	vadd.f32 v47, v42;
	(erf) = vpow2.f32 v57;
	[tilespmem:v34+s3+$0x0] =	vst.idx.add.f32.msk $0xf, v43;
	v34 =	vadd.s32 s23, v22  }
0x156: {  	v41 =	vmov s26;
	v42 =	vmul.f32 $1.442695020e+00, v58;
	(erf) = vpow2.f32 v44  }
0x157: {  	v47 =	vmul.f32 $1.442695020e+00, v51;
	v46 =	vcvt.s32.f32 v41;
	v41 =	vadd.s32 s23, v21  }
0x158: {  	v43 =	vadd.s32 s23, v19;
	v44 =	vadd.s32 s23, v18;
	(erf) = vpow2.f32 v42  }
0x159: {  	v42 =	vbroadcast v46, $0x0;
	v46 =	vadd.s32 s23, v17;
	v48 =	vpop (erf);
	(erf) = vpow2.f32 v47  }
0x15a: {  	vm0 =	vge.f32 v50, $-4.500000000e+00;
	v47 =	vmul.f32 v48, v15;
	v48 =	vadd.s32 s23, v20;
	s23 =	smov.u32 s25  }
0x15b: {  	vm2 =	vge.f32 v5, $-4.500000000e+00;
	vm1 =	vge.f32 v54, $-4.500000000e+00;
	v49 =	vsub.f32 v42, v32;
	v5 =	vpop (erf)  }
0x15c: {  	v52 =	vnsel vm2, $0x0, v47;
	v5 =	vmul.f32 v5, v15;
	vm2 =	vge.f32 v63, $-4.500000000e+00;
	v57 =	vpop (erf)  }
0x15d: {  	vm3 =	vge.f32 v6, $-4.500000000e+00;
	v47 =	vmul.f32 v49, v36;
	v42 =	vmul.f32 v49, v33  }
.Ltmp22:
0x15e: {  	v55 =	vmul.f32 v49, v31;
	v50 =	vmul.f32 v49, v37;
	v53 =	vnsel vm3, $0x0, v5;
	v56 =	vpop (erf);
	(pc) =	sbr.rel @p1 .LBB2_25-.Ltmp22, $4  }
0x15f: {  	v54 =	vmul.f32 v49, v35;
	v47 =	vmul.f32 v47, v49;
	vm3 =	vge.f32 v51, $-4.500000000e+00;
	v59 =	vpop (erf)  }
0x160: {  	vm4 =	vge.f32 v58, $-4.500000000e+00;
	v62 =	vmul.f32 v49, v26;
	v51 =	vmul.f32 v49, v27  }
0x161: {  	v57 =	vmul.f32 v57, v15;
	v5 =	vadd.f32 v47, v25;
	v58 =	vadd.f32 v47, v38;
	v60 =	vpop (erf)  }
0x162: {  	v6 =	vadd.f32 v47, v29;
	v63 =	vadd.f32 v47, v39;
	v61 =	vmul.f32 v60, v15;
	v60 =	vpop (erf)  }
.Ltmp23:
0x163: {  	(pc) =	sbr.rel .LBB2_27-.Ltmp23, $2  }
0x164: {  	_ =	sdelay $0x2  }
0x165: {  	v25 =	vmov v16;
	v16 =	vmov v45;
	s24 =	smov.u32 s23  }
.LBB2_24:
.Ltmp24:
0x166: {  	(pc) =	sbr.rel .LBB2_27-.Ltmp24, $2  }
0x167: {  	_ =	sdelay $0x2  }
0x168: {  	v25 =	vmov v16;
	v16 =	vmov v45;
	s24 =	smov.u32 s23  }
.LBB2_31:
0x169: {  	_ =	sfence.sel $0x180000  }
0x16a: {  	[bflag:$0x0] =	sbarrier.arrive $0xFFFF  }
0x16b: {  	p0 =	sne.s32 s0, $0x0;
	_ =	strace $0x90000047  }
0x16c: {  	s0 =	sadd.s32 @!p0 $0x100000, s2;
	[bflag:$0x2] =	sbarrier.arrive $0xFFFF  }
0x16d: {  	[sflag:s0] =	ssyncadd.tile.s32 @!p0 $0x1;
	_ =	shalt  }
.Lfunc_end2:
_tile_overlayer_lowered:
.L_overlay_start_2:
0x16e: {  	(tag) =	ssettag $0x2  }
0x16f: {  	s0 =	rddreg [dreg:$0x0];
	s2 =	stileid.u32  }
0x170: {  	s1 =	rddreg [dreg:$0x1];
	p0 =	sne.s32 s2, $0x0  }
0x171: {  	s3 =	rddreg [dreg:$0x2];
	[bflag:$0x3] =	sbarrier.arrive $0xFFFF;
	s2 =	simm.s32 @!p0 $0x1C03  }
0x172: {  	[timem:s3], [sflag:s2] =	dma.local @!p0 [hbm:s0], s1  }
0x173: {  	s0 =	simm.s32 @!p0 $0x3  }
0x174: {  	_ =	swait.ge @!p0 [sflag:s0], s1  }
0x175: {  	s1 =	ssub.s32 @!p0 $0x0, s1;
	[sflag:s0] =	ssyncset.done @!p0 $0x0  }
0x176: {  	[sflag:s0] =	ssyncadd.s32 @!p0 s1  }
0x177: {  	[bflag:$0x3] =	sbarrier.arrive $0xFFFF  }
0x178: {  	_ =	shalt  }

</sc_bundles>
